<compile_context>
chip_gen: v7x
topology: tpu7x:2x2x1
jax: 0.10.2.dev20260603
libtpu: 0.0.44.dev20260713+nightly
codegen_flags: <defaults>
</compile_context>

<pallas_src>
import jax
import jax.numpy as jnp
from jax import lax
from jax.experimental import pallas as pl
from jax.experimental.pallas import tpu as pltpu
from jax.experimental.pallas import tpu_sc as plsc

_N = 10000
_E = 320000
_D = 128
_G = 64
_C = 10

_NC = 2
_NS = 16
_NW = _NC * _NS
_EPW = _E // _NW

_K = 125
_NB = _EPW // _K

_KD = 80
_NBD = _EPW // _KD

_RS = 640
_RSL = _N - 15 * _RS
_ZC = 80


def _sc_deg_body(dst_hbm, out_hbm, dstv, onesv, zbuf, deg_sh):
    c = lax.axis_index("c")
    s = lax.axis_index("s")
    wid = c * _NS + s
    for k in range(_KD // 16):
        onesv[pl.ds(k * 16, 16)] = jnp.ones((16,), jnp.float32)

    def zb(i, _):
        zbuf[pl.ds(i * 16, 16)] = jnp.zeros((16,), jnp.float32)
        return 0

    lax.fori_loop(0, 125, zb, 0)

    @pl.when(s == 0)
    def _():
        for q in range(5):
            pltpu.sync_copy(zbuf, deg_sh.at[pl.ds(q * 2000, 2000)])

    plsc.subcore_barrier()
    pltpu.sync_copy(dst_hbm.at[wid], dstv)

    def body(j, _):
        pltpu.sync_copy(onesv, deg_sh.at[dstv.at[j]], add=True)
        return 0

    lax.fori_loop(0, _NBD, body, 0)
    plsc.subcore_barrier()

    @pl.when(s == 0)
    def _():
        pltpu.sync_copy(deg_sh, out_hbm.at[c])


def _sc_agg_body(hws_hbm, src_hbm, dst_hbm, out_hbm, srcv, dstv, rows,
                 acc_sh, sem):
    c = lax.axis_index("c")
    s = lax.axis_index("s")
    wid = c * _NS + s

    def zb(i, _):
        for k in range(8):
            rows[i, pl.ds(k * 16, 16)] = jnp.zeros((16,), jnp.float32)
        return 0

    lax.fori_loop(0, _ZC, zb, 0)
    r0 = s * _RS
    nchunks = jnp.where(s == _NS - 1, _RSL // _ZC, _RS // _ZC)

    def zcopy(q, _):
        pltpu.sync_copy(rows.at[pl.ds(0, _ZC)],
                        acc_sh.at[pl.ds(r0 + q * _ZC, _ZC)])
        return 0

    lax.fori_loop(0, nchunks, zcopy, 0)
    plsc.subcore_barrier()

    pltpu.sync_copy(src_hbm.at[wid], srcv)
    pltpu.sync_copy(dst_hbm.at[wid], dstv)

    def body(j, _):
        pltpu.async_copy(hws_hbm.at[srcv.at[j]], rows, sem).wait()
        pltpu.sync_copy(rows, acc_sh.at[dstv.at[j]], add=True)
        return 0

    lax.fori_loop(0, _NB, body, 0)
    plsc.subcore_barrier()

    @pl.when(s < _NS - 1)
    def _():
        pltpu.sync_copy(acc_sh.at[pl.ds(r0, _RS)],
                        out_hbm.at[c, pl.ds(r0, _RS)])

    @pl.when(s == _NS - 1)
    def _():
        pltpu.sync_copy(acc_sh.at[pl.ds(r0, _RSL)],
                        out_hbm.at[c, pl.ds(r0, _RSL)])


import functools


@functools.cache
def _get_sc_deg():
    return pl.kernel(
        _sc_deg_body,
        out_type=jax.ShapeDtypeStruct((_NC, _N), jnp.float32),
        mesh=plsc.VectorSubcoreMesh(core_axis_name="c", subcore_axis_name="s",
                                    num_cores=_NC, num_subcores=_NS),
        scratch_types=[
            pltpu.VMEM((_NBD, _KD), jnp.int32),
            pltpu.VMEM((_KD,), jnp.float32),
            pltpu.VMEM((2000,), jnp.float32),
            pltpu.VMEM_SHARED((_N,), jnp.float32),
        ],
    )


@functools.cache
def _get_sc_agg():
    return pl.kernel(
        _sc_agg_body,
        out_type=jax.ShapeDtypeStruct((_NC, _N, _D), jnp.float32),
        mesh=plsc.VectorSubcoreMesh(core_axis_name="c", subcore_axis_name="s",
                                    num_cores=_NC, num_subcores=_NS),
        scratch_types=[
            pltpu.VMEM((_NB, _K), jnp.int32),
            pltpu.VMEM((_NB, _K), jnp.int32),
            pltpu.VMEM((_K, _D), jnp.float32),
            pltpu.VMEM_SHARED((_N, _D), jnp.float32),
            pltpu.SemaphoreType.DMA,
        ],
    )


def _tc_emb_body(x_ref, wemb_ref, bemb_ref, h0_ref):
    h0_ref[...] = jnp.dot(x_ref[...], wemb_ref[...],
                          preferred_element_type=jnp.float32) + bemb_ref[...]


_tc_emb = pl.pallas_call(
    _tc_emb_body,
    out_shape=jax.ShapeDtypeStruct((_N, _D), jnp.float32),
)


def _tc_scale_body(h0_ref, degp_ref, wg0_ref, hws_ref, dinv_ref):
    deg = degp_ref[:, 0:1] + degp_ref[:, 1:2] + 1.0
    dinv = 1.0 / jnp.sqrt(deg)
    hws_ref[...] = jnp.dot(h0_ref[...], wg0_ref[...],
                           preferred_element_type=jnp.float32) * dinv
    dinv_ref[...] = dinv


_tc_scale = pl.pallas_call(
    _tc_scale_body,
    out_shape=(
        jax.ShapeDtypeStruct((_N, _D), jnp.float32),
        jax.ShapeDtypeStruct((_N, 1), jnp.float32),
    ),
)


def _bn_relu_res(p0, p1, hws, h_in, dinv, bg, gm, bt):
    agg = (p0 + p1 + hws) * dinv + bg
    mean = jnp.mean(agg, axis=0, keepdims=True)
    var = jnp.mean((agg - mean) ** 2, axis=0, keepdims=True)
    bn = (agg - mean) / jnp.sqrt(var + 1e-5) * gm + bt
    return jnp.maximum(bn, 0.0) + h_in


def _tc_layer_body(p0_ref, p1_ref, hws_ref, h_ref, dinv_ref, bg_ref, gm_ref,
                   bt_ref, wn_ref, h_out_ref, hws_out_ref):
    dinv = dinv_ref[...]
    h = _bn_relu_res(p0_ref[...], p1_ref[...], hws_ref[...], h_ref[...],
                     dinv, bg_ref[...], gm_ref[...], bt_ref[...])
    h_out_ref[...] = h
    hws_out_ref[...] = jnp.dot(h, wn_ref[...],
                               preferred_element_type=jnp.float32) * dinv


_tc_layer = pl.pallas_call(
    _tc_layer_body,
    out_shape=(
        jax.ShapeDtypeStruct((_N, _D), jnp.float32),
        jax.ShapeDtypeStruct((_N, _D), jnp.float32),
    ),
)


def _tc_final_body(p0_ref, p1_ref, hws_ref, h_ref, dinv_ref, bg_ref, gm_ref,
                   bt_ref, batch_ref, wm1_ref, bm1_ref, wm2_ref, bm2_ref,
                   wm3_ref, bm3_ref, out_ref):
    h = _bn_relu_res(p0_ref[...], p1_ref[...], hws_ref[...], h_ref[...],
                     dinv_ref[...], bg_ref[...], gm_ref[...], bt_ref[...])
    gids = lax.broadcasted_iota(jnp.int32, (_G, _N), 0)
    mask = (gids == batch_ref[...]).astype(jnp.float32)
    counts = jnp.sum(mask, axis=1, keepdims=True)
    sums = jnp.dot(mask, h, preferred_element_type=jnp.float32)
    pooled = sums / jnp.maximum(counts, 1.0)
    h1 = jnp.maximum(jnp.dot(pooled, wm1_ref[...],
                             preferred_element_type=jnp.float32)
                     + bm1_ref[...], 0.0)
    h2 = jnp.maximum(jnp.dot(h1, wm2_ref[...],
                             preferred_element_type=jnp.float32)
                     + bm2_ref[...], 0.0)
    out_ref[...] = jnp.dot(h2, wm3_ref[...],
                           preferred_element_type=jnp.float32) + bm3_ref[...]


_tc_final = pl.pallas_call(
    _tc_final_body,
    out_shape=jax.ShapeDtypeStruct((_G, _C), jnp.float32),
)


def kernel(x, edge_index, batch, W_emb, b_emb, Wg, bg, gamma, beta,
           Wm1, bm1, Wm2, bm2, Wm3, bm3):
    src = edge_index[0]
    dst = edge_index[1]
    src3 = src.reshape(_NW, _NB, _K)
    dst3 = dst.reshape(_NW, _NB, _K)
    dst3d = dst.reshape(_NW, _NBD, _KD)

    degp = _get_sc_deg()(dst3d)
    h = _tc_emb(x, W_emb, b_emb.reshape(1, _D))
    hws, dinv = _tc_scale(h, degp.T, Wg[0])
    for i in range(4):
        parts = _get_sc_agg()(hws, src3, dst3)
        if i < 3:
            h, hws = _tc_layer(parts[0], parts[1], hws, h, dinv,
                               bg[i].reshape(1, _D), gamma[i].reshape(1, _D),
                               beta[i].reshape(1, _D), Wg[i + 1])
        else:
            logits = _tc_final(parts[0], parts[1], hws, h, dinv,
                               bg[i].reshape(1, _D), gamma[i].reshape(1, _D),
                               beta[i].reshape(1, _D),
                               batch.reshape(1, _N), Wm1,
                               bm1.reshape(1, -1), Wm2, bm2.reshape(1, -1),
                               Wm3, bm3.reshape(1, -1))
    return logits

# --- scband reference (transcript-rebuilt; emitter-appended) ---
"""Pipeline reference for scband-gcn-47373489274965 (READ-ONLY COPY).

The authoritative reference and input builder live on the scoring server;
editing this copy changes nothing except your own understanding.
"""

import jax, jax.numpy as jnp
import numpy as np

N = 10000
E = 320000
D = 128
G = 64
C = 10


def _lin(k, fan_in, fan_out):
    return (jax.random.normal(k, (fan_in, fan_out), dtype=jnp.float32) / np.sqrt(fan_in)).astype(jnp.float32)


def setup_inputs(seed: int = 0) -> dict:
    key = jax.random.key(seed)
    ks = jax.random.split(key, 20)
    x = jax.random.normal(ks[0], (N, D), dtype=jnp.float32)
    edge_index = jax.random.randint(ks[1], (2, E), 0, N, dtype=jnp.int32)
    batch = jnp.sort(jax.random.randint(ks[2], (N,), 0, G, dtype=jnp.int32))
    W_emb = _lin(ks[3], D, D)
    b_emb = jnp.zeros((D,), dtype=jnp.float32)
    Wg = jnp.stack([_lin(ks[4 + i], D, D) for i in range(4)])
    bg = jnp.zeros((4, D), dtype=jnp.float32)
    gamma = jnp.ones((4, D), dtype=jnp.float32)
    beta = jnp.zeros((4, D), dtype=jnp.float32)
    Wm1 = _lin(ks[8], D, D >> 1)
    bm1 = jnp.zeros((D >> 1,), dtype=jnp.float32)
    Wm2 = _lin(ks[9], D >> 1, D >> 2)
    bm2 = jnp.zeros((D >> 2,), dtype=jnp.float32)
    Wm3 = _lin(ks[10], D >> 2, C)
    bm3 = jnp.zeros((C,), dtype=jnp.float32)
    return {"x": x, "edge_index": edge_index, "batch": batch, "W_emb": W_emb, "b_emb": b_emb,
            "Wg": Wg, "bg": bg, "gamma": gamma, "beta": beta,
            "Wm1": Wm1, "bm1": bm1, "Wm2": Wm2, "bm2": bm2, "Wm3": Wm3, "bm3": bm3}


def _gcn_layer(h, src, dst, dinv, W, b, g, bta):
    residual = h
    hw = h @ W
    norm = dinv[src] * dinv[dst]
    msgs = hw[src] * norm[:, None]
    agg = jax.ops.segment_sum(msgs, dst, num_segments=N) + b
    mean = jnp.mean(agg, axis=0)
    var = jnp.var(agg, axis=0)
    bn = (agg - mean) / jnp.sqrt(var + 1e-5) * g + bta
    h = jnp.maximum(bn, 0.0)
    return h + residual


def reference(x, edge_index, batch, W_emb, b_emb, Wg, bg, gamma, beta, Wm1, bm1, Wm2, bm2, Wm3, bm3):
    loops = jnp.arange(N, dtype=edge_index.dtype)
    src = jnp.concatenate([edge_index[0], loops])
    dst = jnp.concatenate([edge_index[1], loops])
    deg = jax.ops.segment_sum(jnp.ones_like(src, dtype=jnp.float32), dst, num_segments=N)
    dinv = jnp.where(deg > 0, 1.0 / jnp.sqrt(deg), 0.0)
    h = x @ W_emb + b_emb
    for i in range(4):
        h = _gcn_layer(h, src, dst, dinv, Wg[i], bg[i], gamma[i], beta[i])
    sums = jax.ops.segment_sum(h, batch, num_segments=G)
    counts = jax.ops.segment_sum(jnp.ones((N,), dtype=jnp.float32), batch, num_segments=G)
    pooled = sums / jnp.maximum(counts, 1.0)[:, None]
    h1 = jnp.maximum(pooled @ Wm1 + bm1, 0.0)
    h2 = jnp.maximum(h1 @ Wm2 + bm2, 0.0)
    logits = h2 @ Wm3 + bm3
    return logits

if __name__ == "__main__":
    import jax
    _d = setup_inputs()
    print(jax.jit(kernel)(*tuple(_d.values())))

</pallas_src>

<mosaic_0001>
#map = affine_map<(d0, d1) -> (0, 0)>
#map1 = affine_map<(d0, d1) -> (0, 0, 0)>
module attributes {stable_mosaic.version = 14 : i64} {
  func.func @_sc_agg_body(%arg0: i32, %arg1: i32, %arg2: memref<10000x128xf32, #tpu.memory_space<hbm>>, %arg3: memref<32x80x125xi32, #tpu.memory_space<hbm>>, %arg4: memref<32x80x125xi32, #tpu.memory_space<hbm>>, %arg5: memref<2x10000x128xf32, #tpu.memory_space<hbm>>, %arg6: memref<80x125xi32, #tpu.memory_space<vmem>>, %arg7: memref<80x125xi32, #tpu.memory_space<vmem>>, %arg8: memref<125x128xf32, #tpu.memory_space<vmem>>, %arg9: memref<10000x128xf32, #tpu.memory_space<vmem_shared>>, %arg10: memref<!tpu.dma_semaphore, #tpu.memory_space<semaphore_mem>>) attributes {dimension_semantics = [#tpu.dimension_semantics<core_parallel>, #tpu.dimension_semantics<subcore_parallel>], iteration_bounds = array<i64: 2, 16>, scalar_prefetch = 0 : i64, scratch_operands = 5 : i64, tpu.core_type = #tpu.core_type<sc_vector_subcore>, window_params = [{transform_indices = #map}, {transform_indices = #map1}, {transform_indices = #map1}, {transform_indices = #map1}]} {
    %mul3A = arith.constant 16 : i32
    %mul3A_0 = arith.muli %arg0, %mul3A : i32
    %add3A = arith.addi %mul3A_0, %arg1 : i32
    %scan3A = arith.constant 0 : i32
    %scan3A_1 = arith.constant 0 : i32
    %scan3A_2 = arith.constant 80 : i32
    %scan3A_3 = arith.addi %scan3A_1, %scan3A_2 : i32
    %scan3A_4 = arith.constant 1 : i32
    %scan3A_5 = scf.for %scan3A_37 = %scan3A_1 to %scan3A_3 step %scan3A_4 iter_args(%scan3A_38 = %scan3A) -> (i32)  : i32 {
      %broadcast_in_dim3A = arith.constant 0.000000e+00 : f32
      %broadcast_in_dim3A_39 = vector.broadcast %broadcast_in_dim3A : f32 to vector<16xf32>
      %swap3A = arith.index_cast %scan3A_37 : i32 to index
      %swap3A_40 = arith.constant 0 : index
      %swap3A_41 = tpu.vector_load %arg8[%swap3A, %swap3A_40] {strides = array<i32>} : memref<125x128xf32, #tpu.memory_space<vmem>>, vector<1x16xf32>,
      %swap3A_42 = vector.shape_cast %swap3A_41 : vector<1x16xf32> to vector<16xf32>
      %swap3A_43 = vector.shape_cast %broadcast_in_dim3A_39 : vector<16xf32> to vector<1x16xf32>
      tpu.vector_store %arg8[%swap3A, %swap3A_40], %swap3A_43 {strides = array<i32>} : memref<125x128xf32, #tpu.memory_space<vmem>>, vector<1x16xf32>,
      %broadcast_in_dim3A_44 = arith.constant 0.000000e+00 : f32
      %broadcast_in_dim3A_45 = vector.broadcast %broadcast_in_dim3A_44 : f32 to vector<16xf32>
      %swap3A_46 = arith.index_cast %scan3A_37 : i32 to index
      %swap3A_47 = arith.constant 16 : index
      %swap3A_48 = tpu.vector_load %arg8[%swap3A_46, %swap3A_47] {strides = array<i32>} : memref<125x128xf32, #tpu.memory_space<vmem>>, vector<1x16xf32>,
      %swap3A_49 = vector.shape_cast %swap3A_48 : vector<1x16xf32> to vector<16xf32>
      %swap3A_50 = vector.shape_cast %broadcast_in_dim3A_45 : vector<16xf32> to vector<1x16xf32>
      tpu.vector_store %arg8[%swap3A_46, %swap3A_47], %swap3A_50 {strides = array<i32>} : memref<125x128xf32, #tpu.memory_space<vmem>>, vector<1x16xf32>,
      %broadcast_in_dim3A_51 = arith.constant 0.000000e+00 : f32
      %broadcast_in_dim3A_52 = vector.broadcast %broadcast_in_dim3A_51 : f32 to vector<16xf32>
      %swap3A_53 = arith.index_cast %scan3A_37 : i32 to index
      %swap3A_54 = arith.constant 32 : index
      %swap3A_55 = tpu.vector_load %arg8[%swap3A_53, %swap3A_54] {strides = array<i32>} : memref<125x128xf32, #tpu.memory_space<vmem>>, vector<1x16xf32>,
      %swap3A_56 = vector.shape_cast %swap3A_55 : vector<1x16xf32> to vector<16xf32>
      %swap3A_57 = vector.shape_cast %broadcast_in_dim3A_52 : vector<16xf32> to vector<1x16xf32>
      tpu.vector_store %arg8[%swap3A_53, %swap3A_54], %swap3A_57 {strides = array<i32>} : memref<125x128xf32, #tpu.memory_space<vmem>>, vector<1x16xf32>,
      %broadcast_in_dim3A_58 = arith.constant 0.000000e+00 : f32
      %broadcast_in_dim3A_59 = vector.broadcast %broadcast_in_dim3A_58 : f32 to vector<16xf32>
      %swap3A_60 = arith.index_cast %scan3A_37 : i32 to index
      %swap3A_61 = arith.constant 48 : index
      %swap3A_62 = tpu.vector_load %arg8[%swap3A_60, %swap3A_61] {strides = array<i32>} : memref<125x128xf32, #tpu.memory_space<vmem>>, vector<1x16xf32>,
      %swap3A_63 = vector.shape_cast %swap3A_62 : vector<1x16xf32> to vector<16xf32>
      %swap3A_64 = vector.shape_cast %broadcast_in_dim3A_59 : vector<16xf32> to vector<1x16xf32>
      tpu.vector_store %arg8[%swap3A_60, %swap3A_61], %swap3A_64 {strides = array<i32>} : memref<125x128xf32, #tpu.memory_space<vmem>>, vector<1x16xf32>,
      %broadcast_in_dim3A_65 = arith.constant 0.000000e+00 : f32
      %broadcast_in_dim3A_66 = vector.broadcast %broadcast_in_dim3A_65 : f32 to vector<16xf32>
      %swap3A_67 = arith.index_cast %scan3A_37 : i32 to index
      %swap3A_68 = arith.constant 64 : index
      %swap3A_69 = tpu.vector_load %arg8[%swap3A_67, %swap3A_68] {strides = array<i32>} : memref<125x128xf32, #tpu.memory_space<vmem>>, vector<1x16xf32>,
      %swap3A_70 = vector.shape_cast %swap3A_69 : vector<1x16xf32> to vector<16xf32>
      %swap3A_71 = vector.shape_cast %broadcast_in_dim3A_66 : vector<16xf32> to vector<1x16xf32>
      tpu.vector_store %arg8[%swap3A_67, %swap3A_68], %swap3A_71 {strides = array<i32>} : memref<125x128xf32, #tpu.memory_space<vmem>>, vector<1x16xf32>,
      %broadcast_in_dim3A_72 = arith.constant 0.000000e+00 : f32
      %broadcast_in_dim3A_73 = vector.broadcast %broadcast_in_dim3A_72 : f32 to vector<16xf32>
      %swap3A_74 = arith.index_cast %scan3A_37 : i32 to index
      %swap3A_75 = arith.constant 80 : index
      %swap3A_76 = tpu.vector_load %arg8[%swap3A_74, %swap3A_75] {strides = array<i32>} : memref<125x128xf32, #tpu.memory_space<vmem>>, vector<1x16xf32>,
      %swap3A_77 = vector.shape_cast %swap3A_76 : vector<1x16xf32> to vector<16xf32>
      %swap3A_78 = vector.shape_cast %broadcast_in_dim3A_73 : vector<16xf32> to vector<1x16xf32>
      tpu.vector_store %arg8[%swap3A_74, %swap3A_75], %swap3A_78 {strides = array<i32>} : memref<125x128xf32, #tpu.memory_space<vmem>>, vector<1x16xf32>,
      %broadcast_in_dim3A_79 = arith.constant 0.000000e+00 : f32
      %broadcast_in_dim3A_80 = vector.broadcast %broadcast_in_dim3A_79 : f32 to vector<16xf32>
      %swap3A_81 = arith.index_cast %scan3A_37 : i32 to index
      %swap3A_82 = arith.constant 96 : index
      %swap3A_83 = tpu.vector_load %arg8[%swap3A_81, %swap3A_82] {strides = array<i32>} : memref<125x128xf32, #tpu.memory_space<vmem>>, vector<1x16xf32>,
      %swap3A_84 = vector.shape_cast %swap3A_83 : vector<1x16xf32> to vector<16xf32>
      %swap3A_85 = vector.shape_cast %broadcast_in_dim3A_80 : vector<16xf32> to vector<1x16xf32>
      tpu.vector_store %arg8[%swap3A_81, %swap3A_82], %swap3A_85 {strides = array<i32>} : memref<125x128xf32, #tpu.memory_space<vmem>>, vector<1x16xf32>,
      %broadcast_in_dim3A_86 = arith.constant 0.000000e+00 : f32
      %broadcast_in_dim3A_87 = vector.broadcast %broadcast_in_dim3A_86 : f32 to vector<16xf32>
      %swap3A_88 = arith.index_cast %scan3A_37 : i32 to index
      %swap3A_89 = arith.constant 112 : index
      %swap3A_90 = tpu.vector_load %arg8[%swap3A_88, %swap3A_89] {strides = array<i32>} : memref<125x128xf32, #tpu.memory_space<vmem>>, vector<1x16xf32>,
      %swap3A_91 = vector.shape_cast %swap3A_90 : vector<1x16xf32> to vector<16xf32>
      %swap3A_92 = vector.shape_cast %broadcast_in_dim3A_87 : vector<16xf32> to vector<1x16xf32>
      tpu.vector_store %arg8[%swap3A_88, %swap3A_89], %swap3A_92 {strides = array<i32>} : memref<125x128xf32, #tpu.memory_space<vmem>>, vector<1x16xf32>,
      %scan3A_93 = arith.constant 0 : i32
      scf.yield %scan3A_93 : i32
    }
    %scan3A_6 = arith.constant 80 : i32
    %mul3A_7 = arith.constant 640 : i32
    %mul3A_8 = arith.muli %arg1, %mul3A_7 : i32
    %eq3A = arith.constant 15 : i32
    %eq3A_9 = arith.cmpi eq, %arg1, %eq3A : i32
    %jit3A = arith.constant 5 : i32
    %jit3A_10 = arith.constant 8 : i32
    %select_n3A = arith.select %eq3A_9, %jit3A, %jit3A_10 : i32
    %while3A = arith.constant 0 : i32
    %while3A_11 = arith.constant 0 : i32
    %while3A_12 = arith.subi %select_n3A, %while3A : i32
    %while3A_13 = arith.addi %while3A, %while3A_12 : i32
    %while3A_14 = arith.constant 1 : i32
    %while3A_15 = arith.divsi %while3A_12, %while3A_14 : i32
    %while3A_16 = arith.muli %while3A_15, %while3A_14 : i32
    %while3A_17 = arith.addi %while3A, %while3A_16 : i32
    %while3A_18 = arith.constant 1 : i32
    %while3A_19 = scf.for %while3A_37 = %while3A to %while3A_17 step %while3A_18 iter_args(%while3A_38 = %while3A_11) -> (i32)  : i32 {
      %mul3A_39 = arith.constant 80 : i32
      %mul3A_40 = arith.muli %while3A_37, %mul3A_39 : i32
      %add3A_41 = arith.addi %mul3A_8, %mul3A_40 : i32
      "tpu.region"() ({
        %run_scoped3A = tpu.sem_alloc : memref<!tpu.dma_semaphore, #tpu.memory_space<semaphore_mem>>
        %dma_start3A = arith.constant 0 : i32
        %dma_start3A_43 = arith.constant 0 : i32
        %dma_start3A_44 = tpu.memref_slice %arg8[%dma_start3A, %dma_start3A_43] : memref<125x128xf32, #tpu.memory_space<vmem>> -> memref<80x128xf32, #tpu.memory_space<vmem>>
        %dma_start3A_45 = arith.constant 0 : i32
        %dma_start3A_46 = tpu.memref_slice %arg9[%add3A_41, %dma_start3A_45] : memref<10000x128xf32, #tpu.memory_space<vmem_shared>> -> memref<80x128xf32, #tpu.memory_space<vmem_shared>>
        %dma_start3A_47 = arith.constant 0 : i32
        %dma_start3A_48 = tpu.memref_slice %arg9[%add3A_41, %dma_start3A_47] : memref<10000x128xf32, #tpu.memory_space<vmem_shared>> -> memref<80x128xf32, #tpu.memory_space<vmem_shared>>
        %dma_start3A_49 = arith.constant 0 : i32
        %dma_start3A_50 = arith.constant 0 : i32
        %dma_start3A_51 = tpu.memref_slice %arg8[%dma_start3A_49, %dma_start3A_50] : memref<125x128xf32, #tpu.memory_space<vmem>> -> memref<80x128xf32, #tpu.memory_space<vmem>>
        tpu.enqueue_dma source(%dma_start3A_51 : memref<80x128xf32, #tpu.memory_space<vmem>>) target(%dma_start3A_48 : memref<80x128xf32, #tpu.memory_space<vmem_shared>>) target_semaphore(%run_scoped3A : memref<!tpu.dma_semaphore, #tpu.memory_space<semaphore_mem>>)
        %dma_wait3A = arith.constant 0 : i32
        %dma_wait3A_52 = arith.constant 0 : i32
        %dma_wait3A_53 = tpu.memref_slice %arg8[%dma_wait3A, %dma_wait3A_52] : memref<125x128xf32, #tpu.memory_space<vmem>> -> memref<80x128xf32, #tpu.memory_space<vmem>>
        %dma_wait3A_54 = arith.constant 0 : i32
        %dma_wait3A_55 = tpu.memref_slice %arg9[%add3A_41, %dma_wait3A_54] : memref<10000x128xf32, #tpu.memory_space<vmem_shared>> -> memref<80x128xf32, #tpu.memory_space<vmem_shared>>
        %dma_wait3A_56 = arith.constant 0 : i32
        %dma_wait3A_57 = tpu.memref_slice %arg9[%add3A_41, %dma_wait3A_56] : memref<10000x128xf32, #tpu.memory_space<vmem_shared>> -> memref<80x128xf32, #tpu.memory_space<vmem_shared>>
        %dma_wait3A_58 = arith.constant 0 : i32
        %dma_wait3A_59 = arith.constant 0 : i32
        %dma_wait3A_60 = tpu.memref_slice %arg8[%dma_wait3A_58, %dma_wait3A_59] : memref<125x128xf32, #tpu.memory_space<vmem>> -> memref<80x128xf32, #tpu.memory_space<vmem>>
        tpu.wait_dma2 semaphore(%run_scoped3A : memref<!tpu.dma_semaphore, #tpu.memory_space<semaphore_mem>>) src(%dma_wait3A_60 : memref<80x128xf32, #tpu.memory_space<vmem>>) dst(%dma_wait3A_57 : memref<80x128xf32, #tpu.memory_space<vmem_shared>>)
        tpu.yield
      }) : () -> ()
      %while3A_42 = arith.constant 0 : i32
      scf.yield %while3A_42 : i32
    }
    %while3A_20 = arith.constant 1 : i32
    %while3A_21 = scf.for %while3A_37 = %while3A_17 to %while3A_13 step %while3A_20 iter_args(%while3A_38 = %while3A_19) -> (i32)  : i32 {
      %mul3A_39 = arith.constant 80 : i32
      %mul3A_40 = arith.muli %while3A_37, %mul3A_39 : i32
      %add3A_41 = arith.addi %mul3A_8, %mul3A_40 : i32
      "tpu.region"() ({
        %run_scoped3A = tpu.sem_alloc : memref<!tpu.dma_semaphore, #tpu.memory_space<semaphore_mem>>
        %dma_start3A = arith.constant 0 : i32
        %dma_start3A_43 = arith.constant 0 : i32
        %dma_start3A_44 = tpu.memref_slice %arg8[%dma_start3A, %dma_start3A_43] : memref<125x128xf32, #tpu.memory_space<vmem>> -> memref<80x128xf32, #tpu.memory_space<vmem>>
        %dma_start3A_45 = arith.constant 0 : i32
        %dma_start3A_46 = tpu.memref_slice %arg9[%add3A_41, %dma_start3A_45] : memref<10000x128xf32, #tpu.memory_space<vmem_shared>> -> memref<80x128xf32, #tpu.memory_space<vmem_shared>>
        %dma_start3A_47 = arith.constant 0 : i32
        %dma_start3A_48 = tpu.memref_slice %arg9[%add3A_41, %dma_start3A_47] : memref<10000x128xf32, #tpu.memory_space<vmem_shared>> -> memref<80x128xf32, #tpu.memory_space<vmem_shared>>
        %dma_start3A_49 = arith.constant 0 : i32
        %dma_start3A_50 = arith.constant 0 : i32
        %dma_start3A_51 = tpu.memref_slice %arg8[%dma_start3A_49, %dma_start3A_50] : memref<125x128xf32, #tpu.memory_space<vmem>> -> memref<80x128xf32, #tpu.memory_space<vmem>>
        tpu.enqueue_dma source(%dma_start3A_51 : memref<80x128xf32, #tpu.memory_space<vmem>>) target(%dma_start3A_48 : memref<80x128xf32, #tpu.memory_space<vmem_shared>>) target_semaphore(%run_scoped3A : memref<!tpu.dma_semaphore, #tpu.memory_space<semaphore_mem>>)
        %dma_wait3A = arith.constant 0 : i32
        %dma_wait3A_52 = arith.constant 0 : i32
        %dma_wait3A_53 = tpu.memref_slice %arg8[%dma_wait3A, %dma_wait3A_52] : memref<125x128xf32, #tpu.memory_space<vmem>> -> memref<80x128xf32, #tpu.memory_space<vmem>>
        %dma_wait3A_54 = arith.constant 0 : i32
        %dma_wait3A_55 = tpu.memref_slice %arg9[%add3A_41, %dma_wait3A_54] : memref<10000x128xf32, #tpu.memory_space<vmem_shared>> -> memref<80x128xf32, #tpu.memory_space<vmem_shared>>
        %dma_wait3A_56 = arith.constant 0 : i32
        %dma_wait3A_57 = tpu.memref_slice %arg9[%add3A_41, %dma_wait3A_56] : memref<10000x128xf32, #tpu.memory_space<vmem_shared>> -> memref<80x128xf32, #tpu.memory_space<vmem_shared>>
        %dma_wait3A_58 = arith.constant 0 : i32
        %dma_wait3A_59 = arith.constant 0 : i32
        %dma_wait3A_60 = tpu.memref_slice %arg8[%dma_wait3A_58, %dma_wait3A_59] : memref<125x128xf32, #tpu.memory_space<vmem>> -> memref<80x128xf32, #tpu.memory_space<vmem>>
        tpu.wait_dma2 semaphore(%run_scoped3A : memref<!tpu.dma_semaphore, #tpu.memory_space<semaphore_mem>>) src(%dma_wait3A_60 : memref<80x128xf32, #tpu.memory_space<vmem>>) dst(%dma_wait3A_57 : memref<80x128xf32, #tpu.memory_space<vmem_shared>>)
        tpu.yield
      }) : () -> ()
      %while3A_42 = arith.constant 0 : i32
      scf.yield %while3A_42 : i32
    }
    %barrier3A = arith.constant 0 : index
    tpu.barrier barrier_id(%barrier3A)
    "tpu.region"() ({
      %run_scoped3A = tpu.sem_alloc : memref<!tpu.dma_semaphore, #tpu.memory_space<semaphore_mem>>
      %dma_start3A = arith.constant 0 : i32
      %dma_start3A_37 = arith.constant 0 : i32
      %dma_start3A_38 = tpu.memref_slice %arg3[%add3A, %dma_start3A, %dma_start3A_37] : memref<32x80x125xi32, #tpu.memory_space<hbm>> -> memref<1x80x125xi32, #tpu.memory_space<hbm>>
      %dma_start3A_39 = tpu.memref_squeeze %dma_start3A_38 : memref<1x80x125xi32, #tpu.memory_space<hbm>> -> memref<80x125xi32, #tpu.memory_space<hbm>>
      %dma_start3A_40 = arith.constant 0 : i32
      %dma_start3A_41 = arith.constant 0 : i32
      %dma_start3A_42 = tpu.memref_slice %arg3[%add3A, %dma_start3A_40, %dma_start3A_41] : memref<32x80x125xi32, #tpu.memory_space<hbm>> -> memref<1x80x125xi32, #tpu.memory_space<hbm>>
      %dma_start3A_43 = tpu.memref_squeeze %dma_start3A_42 : memref<1x80x125xi32, #tpu.memory_space<hbm>> -> memref<80x125xi32, #tpu.memory_space<hbm>>
      tpu.enqueue_dma source(%dma_start3A_43 : memref<80x125xi32, #tpu.memory_space<hbm>>) target(%arg6 : memref<80x125xi32, #tpu.memory_space<vmem>>) target_semaphore(%run_scoped3A : memref<!tpu.dma_semaphore, #tpu.memory_space<semaphore_mem>>)
      %dma_wait3A = arith.constant 0 : i32
      %dma_wait3A_44 = arith.constant 0 : i32
      %dma_wait3A_45 = tpu.memref_slice %arg3[%add3A, %dma_wait3A, %dma_wait3A_44] : memref<32x80x125xi32, #tpu.memory_space<hbm>> -> memref<1x80x125xi32, #tpu.memory_space<hbm>>
      %dma_wait3A_46 = tpu.memref_squeeze %dma_wait3A_45 : memref<1x80x125xi32, #tpu.memory_space<hbm>> -> memref<80x125xi32, #tpu.memory_space<hbm>>
      %dma_wait3A_47 = arith.constant 0 : i32
      %dma_wait3A_48 = arith.constant 0 : i32
      %dma_wait3A_49 = tpu.memref_slice %arg3[%add3A, %dma_wait3A_47, %dma_wait3A_48] : memref<32x80x125xi32, #tpu.memory_space<hbm>> -> memref<1x80x125xi32, #tpu.memory_space<hbm>>
      %dma_wait3A_50 = tpu.memref_squeeze %dma_wait3A_49 : memref<1x80x125xi32, #tpu.memory_space<hbm>> -> memref<80x125xi32, #tpu.memory_space<hbm>>
      tpu.wait_dma2 semaphore(%run_scoped3A : memref<!tpu.dma_semaphore, #tpu.memory_space<semaphore_mem>>) src(%dma_wait3A_50 : memref<80x125xi32, #tpu.memory_space<hbm>>) dst(%arg6 : memref<80x125xi32, #tpu.memory_space<vmem>>)
      tpu.yield
    }) : () -> ()
    "tpu.region"() ({
      %run_scoped3A = tpu.sem_alloc : memref<!tpu.dma_semaphore, #tpu.memory_space<semaphore_mem>>
      %dma_start3A = arith.constant 0 : i32
      %dma_start3A_37 = arith.constant 0 : i32
      %dma_start3A_38 = tpu.memref_slice %arg4[%add3A, %dma_start3A, %dma_start3A_37] : memref<32x80x125xi32, #tpu.memory_space<hbm>> -> memref<1x80x125xi32, #tpu.memory_space<hbm>>
      %dma_start3A_39 = tpu.memref_squeeze %dma_start3A_38 : memref<1x80x125xi32, #tpu.memory_space<hbm>> -> memref<80x125xi32, #tpu.memory_space<hbm>>
      %dma_start3A_40 = arith.constant 0 : i32
      %dma_start3A_41 = arith.constant 0 : i32
      %dma_start3A_42 = tpu.memref_slice %arg4[%add3A, %dma_start3A_40, %dma_start3A_41] : memref<32x80x125xi32, #tpu.memory_space<hbm>> -> memref<1x80x125xi32, #tpu.memory_space<hbm>>
      %dma_start3A_43 = tpu.memref_squeeze %dma_start3A_42 : memref<1x80x125xi32, #tpu.memory_space<hbm>> -> memref<80x125xi32, #tpu.memory_space<hbm>>
      tpu.enqueue_dma source(%dma_start3A_43 : memref<80x125xi32, #tpu.memory_space<hbm>>) target(%arg7 : memref<80x125xi32, #tpu.memory_space<vmem>>) target_semaphore(%run_scoped3A : memref<!tpu.dma_semaphore, #tpu.memory_space<semaphore_mem>>)
      %dma_wait3A = arith.constant 0 : i32
      %dma_wait3A_44 = arith.constant 0 : i32
      %dma_wait3A_45 = tpu.memref_slice %arg4[%add3A, %dma_wait3A, %dma_wait3A_44] : memref<32x80x125xi32, #tpu.memory_space<hbm>> -> memref<1x80x125xi32, #tpu.memory_space<hbm>>
      %dma_wait3A_46 = tpu.memref_squeeze %dma_wait3A_45 : memref<1x80x125xi32, #tpu.memory_space<hbm>> -> memref<80x125xi32, #tpu.memory_space<hbm>>
      %dma_wait3A_47 = arith.constant 0 : i32
      %dma_wait3A_48 = arith.constant 0 : i32
      %dma_wait3A_49 = tpu.memref_slice %arg4[%add3A, %dma_wait3A_47, %dma_wait3A_48] : memref<32x80x125xi32, #tpu.memory_space<hbm>> -> memref<1x80x125xi32, #tpu.memory_space<hbm>>
      %dma_wait3A_50 = tpu.memref_squeeze %dma_wait3A_49 : memref<1x80x125xi32, #tpu.memory_space<hbm>> -> memref<80x125xi32, #tpu.memory_space<hbm>>
      tpu.wait_dma2 semaphore(%run_scoped3A : memref<!tpu.dma_semaphore, #tpu.memory_space<semaphore_mem>>) src(%dma_wait3A_50 : memref<80x125xi32, #tpu.memory_space<hbm>>) dst(%arg7 : memref<80x125xi32, #tpu.memory_space<vmem>>)
      tpu.yield
    }) : () -> ()
    %scan3A_22 = arith.constant 0 : i32
    %scan3A_23 = arith.constant 0 : i32
    %scan3A_24 = arith.constant 80 : i32
    %scan3A_25 = arith.addi %scan3A_23, %scan3A_24 : i32
    %scan3A_26 = arith.constant 1 : i32
    %scan3A_27 = scf.for %scan3A_37 = %scan3A_23 to %scan3A_25 step %scan3A_26 iter_args(%scan3A_38 = %scan3A_22) -> (i32)  : i32 {
      %dma_start3A = arith.constant 0 : i32
      %dma_start3A_39 = tpu.memref_slice %arg6[%scan3A_37, %dma_start3A] : memref<80x125xi32, #tpu.memory_space<vmem>> -> memref<1x125xi32, #tpu.memory_space<vmem>>
      %dma_start3A_40 = tpu.memref_squeeze %dma_start3A_39 : memref<1x125xi32, #tpu.memory_space<vmem>> -> memref<125xi32, #tpu.memory_space<vmem>>
      %dma_start3A_41 = arith.constant 0 : i32
      %dma_start3A_42 = arith.constant 0 : i32
      %dma_start3A_43 = tpu.memref_slice %arg2[%dma_start3A_41, %dma_start3A_42] : memref<10000x128xf32, #tpu.memory_space<hbm>> -> memref<10000x128xf32, #tpu.memory_space<hbm>>
      tpu.enqueue_indirect_dma source(%dma_start3A_43 : memref<10000x128xf32, #tpu.memory_space<hbm>>) target(%arg8 : memref<125x128xf32, #tpu.memory_space<vmem>>) offsets(%dma_start3A_40 : memref<125xi32, #tpu.memory_space<vmem>>) semaphore(%arg10 : memref<!tpu.dma_semaphore, #tpu.memory_space<semaphore_mem>>)
      %dma_wait3A = arith.constant 0 : i32
      %dma_wait3A_44 = tpu.memref_slice %arg6[%scan3A_37, %dma_wait3A] : memref<80x125xi32, #tpu.memory_space<vmem>> -> memref<1x125xi32, #tpu.memory_space<vmem>>
      %dma_wait3A_45 = tpu.memref_squeeze %dma_wait3A_44 : memref<1x125xi32, #tpu.memory_space<vmem>> -> memref<125xi32, #tpu.memory_space<vmem>>
      %dma_wait3A_46 = arith.constant 0 : i32
      %dma_wait3A_47 = arith.constant 0 : i32
      %dma_wait3A_48 = tpu.memref_slice %arg2[%dma_wait3A_46, %dma_wait3A_47] : memref<10000x128xf32, #tpu.memory_space<hbm>> -> memref<10000x128xf32, #tpu.memory_space<hbm>>
      tpu.wait_indirect_dma semaphore(%arg10 : memref<!tpu.dma_semaphore, #tpu.memory_space<semaphore_mem>>) src(%dma_wait3A_48 : memref<10000x128xf32, #tpu.memory_space<hbm>>) dst(%arg8 : memref<125x128xf32, #tpu.memory_space<vmem>>)
      "tpu.region"() ({
        %run_scoped3A = tpu.sem_alloc : memref<!tpu.dma_semaphore, #tpu.memory_space<semaphore_mem>>
        %dma_start3A_50 = arith.constant 0 : i32
        %dma_start3A_51 = tpu.memref_slice %arg7[%scan3A_37, %dma_start3A_50] : memref<80x125xi32, #tpu.memory_space<vmem>> -> memref<1x125xi32, #tpu.memory_space<vmem>>
        %dma_start3A_52 = tpu.memref_squeeze %dma_start3A_51 : memref<1x125xi32, #tpu.memory_space<vmem>> -> memref<125xi32, #tpu.memory_space<vmem>>
        %dma_start3A_53 = arith.constant 0 : i32
        %dma_start3A_54 = arith.constant 0 : i32
        %dma_start3A_55 = tpu.memref_slice %arg9[%dma_start3A_53, %dma_start3A_54] : memref<10000x128xf32, #tpu.memory_space<vmem_shared>> -> memref<10000x128xf32, #tpu.memory_space<vmem_shared>>
        tpu.enqueue_indirect_dma source(%arg8 : memref<125x128xf32, #tpu.memory_space<vmem>>) target(%dma_start3A_55 : memref<10000x128xf32, #tpu.memory_space<vmem_shared>>) offsets(%dma_start3A_52 : memref<125xi32, #tpu.memory_space<vmem>>) semaphore(%run_scoped3A : memref<!tpu.dma_semaphore, #tpu.memory_space<semaphore_mem>>) {add = true}
        %dma_wait3A_56 = arith.constant 0 : i32
        %dma_wait3A_57 = tpu.memref_slice %arg7[%scan3A_37, %dma_wait3A_56] : memref<80x125xi32, #tpu.memory_space<vmem>> -> memref<1x125xi32, #tpu.memory_space<vmem>>
        %dma_wait3A_58 = tpu.memref_squeeze %dma_wait3A_57 : memref<1x125xi32, #tpu.memory_space<vmem>> -> memref<125xi32, #tpu.memory_space<vmem>>
        %dma_wait3A_59 = arith.constant 0 : i32
        %dma_wait3A_60 = arith.constant 0 : i32
        %dma_wait3A_61 = tpu.memref_slice %arg9[%dma_wait3A_59, %dma_wait3A_60] : memref<10000x128xf32, #tpu.memory_space<vmem_shared>> -> memref<10000x128xf32, #tpu.memory_space<vmem_shared>>
        tpu.wait_indirect_dma semaphore(%run_scoped3A : memref<!tpu.dma_semaphore, #tpu.memory_space<semaphore_mem>>) src(%arg8 : memref<125x128xf32, #tpu.memory_space<vmem>>) dst(%dma_wait3A_61 : memref<10000x128xf32, #tpu.memory_space<vmem_shared>>)
        tpu.yield
      }) : () -> ()
      %scan3A_49 = arith.constant 0 : i32
      scf.yield %scan3A_49 : i32
    }
    %scan3A_28 = arith.constant 80 : i32
    %barrier3A_29 = arith.constant 0 : index
    tpu.barrier barrier_id(%barrier3A_29)
    %lt3A = arith.constant 15 : i32
    %lt3A_30 = arith.cmpi slt, %arg1, %lt3A : i32
    %convert_element_type3A = arith.extui %lt3A_30 : i1 to i32
    %cond3A = arith.constant 0 : i32
    %cond3A_31 = arith.cmpi ne, %convert_element_type3A, %cond3A : i32
    scf.if %cond3A_31 {
      "tpu.region"() ({
        %run_scoped3A = tpu.sem_alloc : memref<!tpu.dma_semaphore, #tpu.memory_space<semaphore_mem>>
        %dma_start3A = arith.constant 0 : i32
        %dma_start3A_37 = tpu.memref_slice %arg5[%arg0, %mul3A_8, %dma_start3A] : memref<2x10000x128xf32, #tpu.memory_space<hbm>> -> memref<1x640x128xf32, #tpu.memory_space<hbm>>
        %dma_start3A_38 = tpu.memref_squeeze %dma_start3A_37 : memref<1x640x128xf32, #tpu.memory_space<hbm>> -> memref<640x128xf32, #tpu.memory_space<hbm>>
        %dma_start3A_39 = arith.constant 0 : i32
        %dma_start3A_40 = tpu.memref_slice %arg9[%mul3A_8, %dma_start3A_39] : memref<10000x128xf32, #tpu.memory_space<vmem_shared>> -> memref<640x128xf32, #tpu.memory_space<vmem_shared>>
        tpu.enqueue_dma source(%dma_start3A_40 : memref<640x128xf32, #tpu.memory_space<vmem_shared>>) target(%dma_start3A_38 : memref<640x128xf32, #tpu.memory_space<hbm>>) target_semaphore(%run_scoped3A : memref<!tpu.dma_semaphore, #tpu.memory_space<semaphore_mem>>)
        %dma_wait3A = arith.constant 0 : i32
        %dma_wait3A_41 = tpu.memref_slice %arg5[%arg0, %mul3A_8, %dma_wait3A] : memref<2x10000x128xf32, #tpu.memory_space<hbm>> -> memref<1x640x128xf32, #tpu.memory_space<hbm>>
        %dma_wait3A_42 = tpu.memref_squeeze %dma_wait3A_41 : memref<1x640x128xf32, #tpu.memory_space<hbm>> -> memref<640x128xf32, #tpu.memory_space<hbm>>
        %dma_wait3A_43 = arith.constant 0 : i32
        %dma_wait3A_44 = tpu.memref_slice %arg9[%mul3A_8, %dma_wait3A_43] : memref<10000x128xf32, #tpu.memory_space<vmem_shared>> -> memref<640x128xf32, #tpu.memory_space<vmem_shared>>
        tpu.wait_dma2 semaphore(%run_scoped3A : memref<!tpu.dma_semaphore, #tpu.memory_space<semaphore_mem>>) src(%dma_wait3A_44 : memref<640x128xf32, #tpu.memory_space<vmem_shared>>) dst(%dma_wait3A_42 : memref<640x128xf32, #tpu.memory_space<hbm>>)
        tpu.yield
      }) : () -> ()
    } else {
    }
    %eq3A_32 = arith.constant 15 : i32
    %eq3A_33 = arith.cmpi eq, %arg1, %eq3A_32 : i32
    %convert_element_type3A_34 = arith.extui %eq3A_33 : i1 to i32
    %cond3A_35 = arith.constant 0 : i32
    %cond3A_36 = arith.cmpi ne, %convert_element_type3A_34, %cond3A_35 : i32
    scf.if %cond3A_36 {
      "tpu.region"() ({
        %run_scoped3A = tpu.sem_alloc : memref<!tpu.dma_semaphore, #tpu.memory_space<semaphore_mem>>
        %dma_start3A = arith.constant 0 : i32
        %dma_start3A_37 = tpu.memref_slice %arg5[%arg0, %mul3A_8, %dma_start3A] : memref<2x10000x128xf32, #tpu.memory_space<hbm>> -> memref<1x400x128xf32, #tpu.memory_space<hbm>>
        %dma_start3A_38 = tpu.memref_squeeze %dma_start3A_37 : memref<1x400x128xf32, #tpu.memory_space<hbm>> -> memref<400x128xf32, #tpu.memory_space<hbm>>
        %dma_start3A_39 = arith.constant 0 : i32
        %dma_start3A_40 = tpu.memref_slice %arg9[%mul3A_8, %dma_start3A_39] : memref<10000x128xf32, #tpu.memory_space<vmem_shared>> -> memref<400x128xf32, #tpu.memory_space<vmem_shared>>
        tpu.enqueue_dma source(%dma_start3A_40 : memref<400x128xf32, #tpu.memory_space<vmem_shared>>) target(%dma_start3A_38 : memref<400x128xf32, #tpu.memory_space<hbm>>) target_semaphore(%run_scoped3A : memref<!tpu.dma_semaphore, #tpu.memory_space<semaphore_mem>>)
        %dma_wait3A = arith.constant 0 : i32
        %dma_wait3A_41 = tpu.memref_slice %arg5[%arg0, %mul3A_8, %dma_wait3A] : memref<2x10000x128xf32, #tpu.memory_space<hbm>> -> memref<1x400x128xf32, #tpu.memory_space<hbm>>
        %dma_wait3A_42 = tpu.memref_squeeze %dma_wait3A_41 : memref<1x400x128xf32, #tpu.memory_space<hbm>> -> memref<400x128xf32, #tpu.memory_space<hbm>>
        %dma_wait3A_43 = arith.constant 0 : i32
        %dma_wait3A_44 = tpu.memref_slice %arg9[%mul3A_8, %dma_wait3A_43] : memref<10000x128xf32, #tpu.memory_space<vmem_shared>> -> memref<400x128xf32, #tpu.memory_space<vmem_shared>>
        tpu.wait_dma2 semaphore(%run_scoped3A : memref<!tpu.dma_semaphore, #tpu.memory_space<semaphore_mem>>) src(%dma_wait3A_44 : memref<400x128xf32, #tpu.memory_space<vmem_shared>>) dst(%dma_wait3A_42 : memref<400x128xf32, #tpu.memory_space<hbm>>)
        tpu.yield
      }) : () -> ()
    } else {
    }
    return
  }
}

#map = affine_map<(d0, d1) -> (0, 0, 0)>
#map1 = affine_map<(d0, d1) -> (0, 0)>
module attributes {stable_mosaic.version = 14 : i64} {
  func.func @_sc_deg_body(%arg0: i32, %arg1: i32, %arg2: memref<32x125x80xi32, #tpu.memory_space<hbm>>, %arg3: memref<2x10000xf32, #tpu.memory_space<hbm>>, %arg4: memref<125x80xi32, #tpu.memory_space<vmem>>, %arg5: memref<80xf32, #tpu.memory_space<vmem>>, %arg6: memref<2000xf32, #tpu.memory_space<vmem>>, %arg7: memref<10000xf32, #tpu.memory_space<vmem_shared>>) attributes {dimension_semantics = [#tpu.dimension_semantics<core_parallel>, #tpu.dimension_semantics<subcore_parallel>], iteration_bounds = array<i64: 2, 16>, scalar_prefetch = 0 : i64, scratch_operands = 4 : i64, tpu.core_type = #tpu.core_type<sc_vector_subcore>, window_params = [{transform_indices = #map}, {transform_indices = #map1}]} {
    %mul3A = arith.constant 16 : i32
    %mul3A_0 = arith.muli %arg0, %mul3A : i32
    %add3A = arith.addi %mul3A_0, %arg1 : i32
    %broadcast_in_dim3A = arith.constant 1.000000e+00 : f32
    %broadcast_in_dim3A_1 = vector.broadcast %broadcast_in_dim3A : f32 to vector<16xf32>
    %swap3A = arith.constant 0 : index
    %swap3A_2 = tpu.vector_load %arg5[%swap3A] {strides = array<i32>} : memref<80xf32, #tpu.memory_space<vmem>>, vector<16xf32>,
    %swap3A_3 = vector.shape_cast %swap3A_2 : vector<16xf32> to vector<16xf32>
    %swap3A_4 = vector.shape_cast %broadcast_in_dim3A_1 : vector<16xf32> to vector<16xf32>
    tpu.vector_store %arg5[%swap3A], %swap3A_4 {strides = array<i32>} : memref<80xf32, #tpu.memory_space<vmem>>, vector<16xf32>,
    %broadcast_in_dim3A_5 = arith.constant 1.000000e+00 : f32
    %broadcast_in_dim3A_6 = vector.broadcast %broadcast_in_dim3A_5 : f32 to vector<16xf32>
    %swap3A_7 = arith.constant 16 : index
    %swap3A_8 = tpu.vector_load %arg5[%swap3A_7] {strides = array<i32>} : memref<80xf32, #tpu.memory_space<vmem>>, vector<16xf32>,
    %swap3A_9 = vector.shape_cast %swap3A_8 : vector<16xf32> to vector<16xf32>
    %swap3A_10 = vector.shape_cast %broadcast_in_dim3A_6 : vector<16xf32> to vector<16xf32>
    tpu.vector_store %arg5[%swap3A_7], %swap3A_10 {strides = array<i32>} : memref<80xf32, #tpu.memory_space<vmem>>, vector<16xf32>,
    %broadcast_in_dim3A_11 = arith.constant 1.000000e+00 : f32
    %broadcast_in_dim3A_12 = vector.broadcast %broadcast_in_dim3A_11 : f32 to vector<16xf32>
    %swap3A_13 = arith.constant 32 : index
    %swap3A_14 = tpu.vector_load %arg5[%swap3A_13] {strides = array<i32>} : memref<80xf32, #tpu.memory_space<vmem>>, vector<16xf32>,
    %swap3A_15 = vector.shape_cast %swap3A_14 : vector<16xf32> to vector<16xf32>
    %swap3A_16 = vector.shape_cast %broadcast_in_dim3A_12 : vector<16xf32> to vector<16xf32>
    tpu.vector_store %arg5[%swap3A_13], %swap3A_16 {strides = array<i32>} : memref<80xf32, #tpu.memory_space<vmem>>, vector<16xf32>,
    %broadcast_in_dim3A_17 = arith.constant 1.000000e+00 : f32
    %broadcast_in_dim3A_18 = vector.broadcast %broadcast_in_dim3A_17 : f32 to vector<16xf32>
    %swap3A_19 = arith.constant 48 : index
    %swap3A_20 = tpu.vector_load %arg5[%swap3A_19] {strides = array<i32>} : memref<80xf32, #tpu.memory_space<vmem>>, vector<16xf32>,
    %swap3A_21 = vector.shape_cast %swap3A_20 : vector<16xf32> to vector<16xf32>
    %swap3A_22 = vector.shape_cast %broadcast_in_dim3A_18 : vector<16xf32> to vector<16xf32>
    tpu.vector_store %arg5[%swap3A_19], %swap3A_22 {strides = array<i32>} : memref<80xf32, #tpu.memory_space<vmem>>, vector<16xf32>,
    %broadcast_in_dim3A_23 = arith.constant 1.000000e+00 : f32
    %broadcast_in_dim3A_24 = vector.broadcast %broadcast_in_dim3A_23 : f32 to vector<16xf32>
    %swap3A_25 = arith.constant 64 : index
    %swap3A_26 = tpu.vector_load %arg5[%swap3A_25] {strides = array<i32>} : memref<80xf32, #tpu.memory_space<vmem>>, vector<16xf32>,
    %swap3A_27 = vector.shape_cast %swap3A_26 : vector<16xf32> to vector<16xf32>
    %swap3A_28 = vector.shape_cast %broadcast_in_dim3A_24 : vector<16xf32> to vector<16xf32>
    tpu.vector_store %arg5[%swap3A_25], %swap3A_28 {strides = array<i32>} : memref<80xf32, #tpu.memory_space<vmem>>, vector<16xf32>,
    %scan3A = arith.constant 0 : i32
    %scan3A_29 = arith.constant 0 : i32
    %scan3A_30 = arith.constant 125 : i32
    %scan3A_31 = arith.addi %scan3A_29, %scan3A_30 : i32
    %scan3A_32 = arith.constant 1 : i32
    %scan3A_33 = scf.for %scan3A_50 = %scan3A_29 to %scan3A_31 step %scan3A_32 iter_args(%scan3A_51 = %scan3A) -> (i32)  : i32 {
      %broadcast_in_dim3A_52 = arith.constant 0.000000e+00 : f32
      %broadcast_in_dim3A_53 = vector.broadcast %broadcast_in_dim3A_52 : f32 to vector<16xf32>
      %mul3A_54 = arith.constant 16 : i32
      %mul3A_55 = arith.muli %scan3A_50, %mul3A_54 : i32
      %swap3A_56 = arith.index_cast %mul3A_55 : i32 to index
      %swap3A_57 = tpu.vector_load %arg6[%swap3A_56] {strides = array<i32>} : memref<2000xf32, #tpu.memory_space<vmem>>, vector<16xf32>,
      %swap3A_58 = vector.shape_cast %swap3A_57 : vector<16xf32> to vector<16xf32>
      %swap3A_59 = vector.shape_cast %broadcast_in_dim3A_53 : vector<16xf32> to vector<16xf32>
      tpu.vector_store %arg6[%swap3A_56], %swap3A_59 {strides = array<i32>} : memref<2000xf32, #tpu.memory_space<vmem>>, vector<16xf32>,
      %scan3A_60 = arith.constant 0 : i32
      scf.yield %scan3A_60 : i32
    }
    %scan3A_34 = arith.constant 125 : i32
    %eq3A = arith.constant 0 : i32
    %eq3A_35 = arith.cmpi eq, %arg1, %eq3A : i32
    %convert_element_type3A = arith.extui %eq3A_35 : i1 to i32
    %cond3A = arith.constant 0 : i32
    %cond3A_36 = arith.cmpi ne, %convert_element_type3A, %cond3A : i32
    scf.if %cond3A_36 {
      "tpu.region"() ({
        %run_scoped3A = tpu.sem_alloc : memref<!tpu.dma_semaphore, #tpu.memory_space<semaphore_mem>>
        %dma_start3A = arith.constant 0 : i32
        %dma_start3A_50 = tpu.memref_slice %arg7[%dma_start3A] : memref<10000xf32, #tpu.memory_space<vmem_shared>> -> memref<2000xf32, #tpu.memory_space<vmem_shared>>
        %dma_start3A_51 = arith.constant 0 : i32
        %dma_start3A_52 = tpu.memref_slice %arg7[%dma_start3A_51] : memref<10000xf32, #tpu.memory_space<vmem_shared>> -> memref<2000xf32, #tpu.memory_space<vmem_shared>>
        tpu.enqueue_dma source(%arg6 : memref<2000xf32, #tpu.memory_space<vmem>>) target(%dma_start3A_52 : memref<2000xf32, #tpu.memory_space<vmem_shared>>) target_semaphore(%run_scoped3A : memref<!tpu.dma_semaphore, #tpu.memory_space<semaphore_mem>>)
        %dma_wait3A = arith.constant 0 : i32
        %dma_wait3A_53 = tpu.memref_slice %arg7[%dma_wait3A] : memref<10000xf32, #tpu.memory_space<vmem_shared>> -> memref<2000xf32, #tpu.memory_space<vmem_shared>>
        %dma_wait3A_54 = arith.constant 0 : i32
        %dma_wait3A_55 = tpu.memref_slice %arg7[%dma_wait3A_54] : memref<10000xf32, #tpu.memory_space<vmem_shared>> -> memref<2000xf32, #tpu.memory_space<vmem_shared>>
        tpu.wait_dma2 semaphore(%run_scoped3A : memref<!tpu.dma_semaphore, #tpu.memory_space<semaphore_mem>>) src(%arg6 : memref<2000xf32, #tpu.memory_space<vmem>>) dst(%dma_wait3A_55 : memref<2000xf32, #tpu.memory_space<vmem_shared>>)
        tpu.yield
      }) : () -> ()
      "tpu.region"() ({
        %run_scoped3A = tpu.sem_alloc : memref<!tpu.dma_semaphore, #tpu.memory_space<semaphore_mem>>
        %dma_start3A = arith.constant 2000 : i32
        %dma_start3A_50 = tpu.memref_slice %arg7[%dma_start3A] : memref<10000xf32, #tpu.memory_space<vmem_shared>> -> memref<2000xf32, #tpu.memory_space<vmem_shared>>
        %dma_start3A_51 = arith.constant 2000 : i32
        %dma_start3A_52 = tpu.memref_slice %arg7[%dma_start3A_51] : memref<10000xf32, #tpu.memory_space<vmem_shared>> -> memref<2000xf32, #tpu.memory_space<vmem_shared>>
        tpu.enqueue_dma source(%arg6 : memref<2000xf32, #tpu.memory_space<vmem>>) target(%dma_start3A_52 : memref<2000xf32, #tpu.memory_space<vmem_shared>>) target_semaphore(%run_scoped3A : memref<!tpu.dma_semaphore, #tpu.memory_space<semaphore_mem>>)
        %dma_wait3A = arith.constant 2000 : i32
        %dma_wait3A_53 = tpu.memref_slice %arg7[%dma_wait3A] : memref<10000xf32, #tpu.memory_space<vmem_shared>> -> memref<2000xf32, #tpu.memory_space<vmem_shared>>
        %dma_wait3A_54 = arith.constant 2000 : i32
        %dma_wait3A_55 = tpu.memref_slice %arg7[%dma_wait3A_54] : memref<10000xf32, #tpu.memory_space<vmem_shared>> -> memref<2000xf32, #tpu.memory_space<vmem_shared>>
        tpu.wait_dma2 semaphore(%run_scoped3A : memref<!tpu.dma_semaphore, #tpu.memory_space<semaphore_mem>>) src(%arg6 : memref<2000xf32, #tpu.memory_space<vmem>>) dst(%dma_wait3A_55 : memref<2000xf32, #tpu.memory_space<vmem_shared>>)
        tpu.yield
      }) : () -> ()
      "tpu.region"() ({
        %run_scoped3A = tpu.sem_alloc : memref<!tpu.dma_semaphore, #tpu.memory_space<semaphore_mem>>
        %dma_start3A = arith.constant 4000 : i32
        %dma_start3A_50 = tpu.memref_slice %arg7[%dma_start3A] : memref<10000xf32, #tpu.memory_space<vmem_shared>> -> memref<2000xf32, #tpu.memory_space<vmem_shared>>
        %dma_start3A_51 = arith.constant 4000 : i32
        %dma_start3A_52 = tpu.memref_slice %arg7[%dma_start3A_51] : memref<10000xf32, #tpu.memory_space<vmem_shared>> -> memref<2000xf32, #tpu.memory_space<vmem_shared>>
        tpu.enqueue_dma source(%arg6 : memref<2000xf32, #tpu.memory_space<vmem>>) target(%dma_start3A_52 : memref<2000xf32, #tpu.memory_space<vmem_shared>>) target_semaphore(%run_scoped3A : memref<!tpu.dma_semaphore, #tpu.memory_space<semaphore_mem>>)
        %dma_wait3A = arith.constant 4000 : i32
        %dma_wait3A_53 = tpu.memref_slice %arg7[%dma_wait3A] : memref<10000xf32, #tpu.memory_space<vmem_shared>> -> memref<2000xf32, #tpu.memory_space<vmem_shared>>
        %dma_wait3A_54 = arith.constant 4000 : i32
        %dma_wait3A_55 = tpu.memref_slice %arg7[%dma_wait3A_54] : memref<10000xf32, #tpu.memory_space<vmem_shared>> -> memref<2000xf32, #tpu.memory_space<vmem_shared>>
        tpu.wait_dma2 semaphore(%run_scoped3A : memref<!tpu.dma_semaphore, #tpu.memory_space<semaphore_mem>>) src(%arg6 : memref<2000xf32, #tpu.memory_space<vmem>>) dst(%dma_wait3A_55 : memref<2000xf32, #tpu.memory_space<vmem_shared>>)
        tpu.yield
      }) : () -> ()
      "tpu.region"() ({
        %run_scoped3A = tpu.sem_alloc : memref<!tpu.dma_semaphore, #tpu.memory_space<semaphore_mem>>
        %dma_start3A = arith.constant 6000 : i32
        %dma_start3A_50 = tpu.memref_slice %arg7[%dma_start3A] : memref<10000xf32, #tpu.memory_space<vmem_shared>> -> memref<2000xf32, #tpu.memory_space<vmem_shared>>
        %dma_start3A_51 = arith.constant 6000 : i32
        %dma_start3A_52 = tpu.memref_slice %arg7[%dma_start3A_51] : memref<10000xf32, #tpu.memory_space<vmem_shared>> -> memref<2000xf32, #tpu.memory_space<vmem_shared>>
        tpu.enqueue_dma source(%arg6 : memref<2000xf32, #tpu.memory_space<vmem>>) target(%dma_start3A_52 : memref<2000xf32, #tpu.memory_space<vmem_shared>>) target_semaphore(%run_scoped3A : memref<!tpu.dma_semaphore, #tpu.memory_space<semaphore_mem>>)
        %dma_wait3A = arith.constant 6000 : i32
        %dma_wait3A_53 = tpu.memref_slice %arg7[%dma_wait3A] : memref<10000xf32, #tpu.memory_space<vmem_shared>> -> memref<2000xf32, #tpu.memory_space<vmem_shared>>
        %dma_wait3A_54 = arith.constant 6000 : i32
        %dma_wait3A_55 = tpu.memref_slice %arg7[%dma_wait3A_54] : memref<10000xf32, #tpu.memory_space<vmem_shared>> -> memref<2000xf32, #tpu.memory_space<vmem_shared>>
        tpu.wait_dma2 semaphore(%run_scoped3A : memref<!tpu.dma_semaphore, #tpu.memory_space<semaphore_mem>>) src(%arg6 : memref<2000xf32, #tpu.memory_space<vmem>>) dst(%dma_wait3A_55 : memref<2000xf32, #tpu.memory_space<vmem_shared>>)
        tpu.yield
      }) : () -> ()
      "tpu.region"() ({
        %run_scoped3A = tpu.sem_alloc : memref<!tpu.dma_semaphore, #tpu.memory_space<semaphore_mem>>
        %dma_start3A = arith.constant 8000 : i32
        %dma_start3A_50 = tpu.memref_slice %arg7[%dma_start3A] : memref<10000xf32, #tpu.memory_space<vmem_shared>> -> memref<2000xf32, #tpu.memory_space<vmem_shared>>
        %dma_start3A_51 = arith.constant 8000 : i32
        %dma_start3A_52 = tpu.memref_slice %arg7[%dma_start3A_51] : memref<10000xf32, #tpu.memory_space<vmem_shared>> -> memref<2000xf32, #tpu.memory_space<vmem_shared>>
        tpu.enqueue_dma source(%arg6 : memref<2000xf32, #tpu.memory_space<vmem>>) target(%dma_start3A_52 : memref<2000xf32, #tpu.memory_space<vmem_shared>>) target_semaphore(%run_scoped3A : memref<!tpu.dma_semaphore, #tpu.memory_space<semaphore_mem>>)
        %dma_wait3A = arith.constant 8000 : i32
        %dma_wait3A_53 = tpu.memref_slice %arg7[%dma_wait3A] : memref<10000xf32, #tpu.memory_space<vmem_shared>> -> memref<2000xf32, #tpu.memory_space<vmem_shared>>
        %dma_wait3A_54 = arith.constant 8000 : i32
        %dma_wait3A_55 = tpu.memref_slice %arg7[%dma_wait3A_54] : memref<10000xf32, #tpu.memory_space<vmem_shared>> -> memref<2000xf32, #tpu.memory_space<vmem_shared>>
        tpu.wait_dma2 semaphore(%run_scoped3A : memref<!tpu.dma_semaphore, #tpu.memory_space<semaphore_mem>>) src(%arg6 : memref<2000xf32, #tpu.memory_space<vmem>>) dst(%dma_wait3A_55 : memref<2000xf32, #tpu.memory_space<vmem_shared>>)
        tpu.yield
      }) : () -> ()
    } else {
    }
    %barrier3A = arith.constant 0 : index
    tpu.barrier barrier_id(%barrier3A)
    "tpu.region"() ({
      %run_scoped3A = tpu.sem_alloc : memref<!tpu.dma_semaphore, #tpu.memory_space<semaphore_mem>>
      %dma_start3A = arith.constant 0 : i32
      %dma_start3A_50 = arith.constant 0 : i32
      %dma_start3A_51 = tpu.memref_slice %arg2[%add3A, %dma_start3A, %dma_start3A_50] : memref<32x125x80xi32, #tpu.memory_space<hbm>> -> memref<1x125x80xi32, #tpu.memory_space<hbm>>
      %dma_start3A_52 = tpu.memref_squeeze %dma_start3A_51 : memref<1x125x80xi32, #tpu.memory_space<hbm>> -> memref<125x80xi32, #tpu.memory_space<hbm>>
      %dma_start3A_53 = arith.constant 0 : i32
      %dma_start3A_54 = arith.constant 0 : i32
      %dma_start3A_55 = tpu.memref_slice %arg2[%add3A, %dma_start3A_53, %dma_start3A_54] : memref<32x125x80xi32, #tpu.memory_space<hbm>> -> memref<1x125x80xi32, #tpu.memory_space<hbm>>
      %dma_start3A_56 = tpu.memref_squeeze %dma_start3A_55 : memref<1x125x80xi32, #tpu.memory_space<hbm>> -> memref<125x80xi32, #tpu.memory_space<hbm>>
      tpu.enqueue_dma source(%dma_start3A_56 : memref<125x80xi32, #tpu.memory_space<hbm>>) target(%arg4 : memref<125x80xi32, #tpu.memory_space<vmem>>) target_semaphore(%run_scoped3A : memref<!tpu.dma_semaphore, #tpu.memory_space<semaphore_mem>>)
      %dma_wait3A = arith.constant 0 : i32
      %dma_wait3A_57 = arith.constant 0 : i32
      %dma_wait3A_58 = tpu.memref_slice %arg2[%add3A, %dma_wait3A, %dma_wait3A_57] : memref<32x125x80xi32, #tpu.memory_space<hbm>> -> memref<1x125x80xi32, #tpu.memory_space<hbm>>
      %dma_wait3A_59 = tpu.memref_squeeze %dma_wait3A_58 : memref<1x125x80xi32, #tpu.memory_space<hbm>> -> memref<125x80xi32, #tpu.memory_space<hbm>>
      %dma_wait3A_60 = arith.constant 0 : i32
      %dma_wait3A_61 = arith.constant 0 : i32
      %dma_wait3A_62 = tpu.memref_slice %arg2[%add3A, %dma_wait3A_60, %dma_wait3A_61] : memref<32x125x80xi32, #tpu.memory_space<hbm>> -> memref<1x125x80xi32, #tpu.memory_space<hbm>>
      %dma_wait3A_63 = tpu.memref_squeeze %dma_wait3A_62 : memref<1x125x80xi32, #tpu.memory_space<hbm>> -> memref<125x80xi32, #tpu.memory_space<hbm>>
      tpu.wait_dma2 semaphore(%run_scoped3A : memref<!tpu.dma_semaphore, #tpu.memory_space<semaphore_mem>>) src(%dma_wait3A_63 : memref<125x80xi32, #tpu.memory_space<hbm>>) dst(%arg4 : memref<125x80xi32, #tpu.memory_space<vmem>>)
      tpu.yield
    }) : () -> ()
    %scan3A_37 = arith.constant 0 : i32
    %scan3A_38 = arith.constant 0 : i32
    %scan3A_39 = arith.constant 125 : i32
    %scan3A_40 = arith.addi %scan3A_38, %scan3A_39 : i32
    %scan3A_41 = arith.constant 1 : i32
    %scan3A_42 = scf.for %scan3A_50 = %scan3A_38 to %scan3A_40 step %scan3A_41 iter_args(%scan3A_51 = %scan3A_37) -> (i32)  : i32 {
      "tpu.region"() ({
        %run_scoped3A = tpu.sem_alloc : memref<!tpu.dma_semaphore, #tpu.memory_space<semaphore_mem>>
        %dma_start3A = arith.constant 0 : i32
        %dma_start3A_53 = tpu.memref_slice %arg4[%scan3A_50, %dma_start3A] : memref<125x80xi32, #tpu.memory_space<vmem>> -> memref<1x80xi32, #tpu.memory_space<vmem>>
        %dma_start3A_54 = tpu.memref_squeeze %dma_start3A_53 : memref<1x80xi32, #tpu.memory_space<vmem>> -> memref<80xi32, #tpu.memory_space<vmem>>
        %dma_start3A_55 = arith.constant 0 : i32
        %dma_start3A_56 = tpu.memref_slice %arg7[%dma_start3A_55] : memref<10000xf32, #tpu.memory_space<vmem_shared>> -> memref<10000xf32, #tpu.memory_space<vmem_shared>>
        tpu.enqueue_indirect_dma source(%arg5 : memref<80xf32, #tpu.memory_space<vmem>>) target(%dma_start3A_56 : memref<10000xf32, #tpu.memory_space<vmem_shared>>) offsets(%dma_start3A_54 : memref<80xi32, #tpu.memory_space<vmem>>) semaphore(%run_scoped3A : memref<!tpu.dma_semaphore, #tpu.memory_space<semaphore_mem>>) {add = true}
        %dma_wait3A = arith.constant 0 : i32
        %dma_wait3A_57 = tpu.memref_slice %arg4[%scan3A_50, %dma_wait3A] : memref<125x80xi32, #tpu.memory_space<vmem>> -> memref<1x80xi32, #tpu.memory_space<vmem>>
        %dma_wait3A_58 = tpu.memref_squeeze %dma_wait3A_57 : memref<1x80xi32, #tpu.memory_space<vmem>> -> memref<80xi32, #tpu.memory_space<vmem>>
        %dma_wait3A_59 = arith.constant 0 : i32
        %dma_wait3A_60 = tpu.memref_slice %arg7[%dma_wait3A_59] : memref<10000xf32, #tpu.memory_space<vmem_shared>> -> memref<10000xf32, #tpu.memory_space<vmem_shared>>
        tpu.wait_indirect_dma semaphore(%run_scoped3A : memref<!tpu.dma_semaphore, #tpu.memory_space<semaphore_mem>>) src(%arg5 : memref<80xf32, #tpu.memory_space<vmem>>) dst(%dma_wait3A_60 : memref<10000xf32, #tpu.memory_space<vmem_shared>>)
        tpu.yield
      }) : () -> ()
      %scan3A_52 = arith.constant 0 : i32
      scf.yield %scan3A_52 : i32
    }
    %scan3A_43 = arith.constant 125 : i32
    %barrier3A_44 = arith.constant 0 : index
    tpu.barrier barrier_id(%barrier3A_44)
    %eq3A_45 = arith.constant 0 : i32
    %eq3A_46 = arith.cmpi eq, %arg1, %eq3A_45 : i32
    %convert_element_type3A_47 = arith.extui %eq3A_46 : i1 to i32
    %cond3A_48 = arith.constant 0 : i32
    %cond3A_49 = arith.cmpi ne, %convert_element_type3A_47, %cond3A_48 : i32
    scf.if %cond3A_49 {
      "tpu.region"() ({
        %run_scoped3A = tpu.sem_alloc : memref<!tpu.dma_semaphore, #tpu.memory_space<semaphore_mem>>
        %dma_start3A = arith.constant 0 : i32
        %dma_start3A_50 = tpu.memref_slice %arg3[%arg0, %dma_start3A] : memref<2x10000xf32, #tpu.memory_space<hbm>> -> memref<1x10000xf32, #tpu.memory_space<hbm>>
        %dma_start3A_51 = tpu.memref_squeeze %dma_start3A_50 : memref<1x10000xf32, #tpu.memory_space<hbm>> -> memref<10000xf32, #tpu.memory_space<hbm>>
        tpu.enqueue_dma source(%arg7 : memref<10000xf32, #tpu.memory_space<vmem_shared>>) target(%dma_start3A_51 : memref<10000xf32, #tpu.memory_space<hbm>>) target_semaphore(%run_scoped3A : memref<!tpu.dma_semaphore, #tpu.memory_space<semaphore_mem>>)
        %dma_wait3A = arith.constant 0 : i32
        %dma_wait3A_52 = tpu.memref_slice %arg3[%arg0, %dma_wait3A] : memref<2x10000xf32, #tpu.memory_space<hbm>> -> memref<1x10000xf32, #tpu.memory_space<hbm>>
        %dma_wait3A_53 = tpu.memref_squeeze %dma_wait3A_52 : memref<1x10000xf32, #tpu.memory_space<hbm>> -> memref<10000xf32, #tpu.memory_space<hbm>>
        tpu.wait_dma2 semaphore(%run_scoped3A : memref<!tpu.dma_semaphore, #tpu.memory_space<semaphore_mem>>) src(%arg7 : memref<10000xf32, #tpu.memory_space<vmem_shared>>) dst(%dma_wait3A_53 : memref<10000xf32, #tpu.memory_space<hbm>>)
        tpu.yield
      }) : () -> ()
    } else {
    }
    return
  }
}

#map = affine_map<(d0, d1) -> (0, 0)>
#map1 = affine_map<(d0, d1) -> (0, 0, 0)>
module attributes {stable_mosaic.version = 14 : i64} {
  func.func @_sc_agg_body(%arg0: i32, %arg1: i32, %arg2: memref<10000x128xf32, #tpu.memory_space<hbm>>, %arg3: memref<32x80x125xi32, #tpu.memory_space<hbm>>, %arg4: memref<32x80x125xi32, #tpu.memory_space<hbm>>, %arg5: memref<2x10000x128xf32, #tpu.memory_space<hbm>>, %arg6: memref<80x125xi32, #tpu.memory_space<vmem>>, %arg7: memref<80x125xi32, #tpu.memory_space<vmem>>, %arg8: memref<125x128xf32, #tpu.memory_space<vmem>>, %arg9: memref<10000x128xf32, #tpu.memory_space<vmem_shared>>, %arg10: memref<!tpu.dma_semaphore, #tpu.memory_space<semaphore_mem>>) attributes {dimension_semantics = [#tpu.dimension_semantics<core_parallel>, #tpu.dimension_semantics<subcore_parallel>], iteration_bounds = array<i64: 2, 16>, scalar_prefetch = 0 : i64, scratch_operands = 5 : i64, tpu.core_type = #tpu.core_type<sc_vector_subcore>, window_params = [{transform_indices = #map}, {transform_indices = #map1}, {transform_indices = #map1}, {transform_indices = #map1}]} {
    %mul3A = arith.constant 16 : i32
    %mul3A_0 = arith.muli %arg0, %mul3A : i32
    %add3A = arith.addi %mul3A_0, %arg1 : i32
    %scan3A = arith.constant 0 : i32
    %scan3A_1 = arith.constant 0 : i32
    %scan3A_2 = arith.constant 80 : i32
    %scan3A_3 = arith.addi %scan3A_1, %scan3A_2 : i32
    %scan3A_4 = arith.constant 1 : i32
    %scan3A_5 = scf.for %scan3A_37 = %scan3A_1 to %scan3A_3 step %scan3A_4 iter_args(%scan3A_38 = %scan3A) -> (i32)  : i32 {
      %broadcast_in_dim3A = arith.constant 0.000000e+00 : f32
      %broadcast_in_dim3A_39 = vector.broadcast %broadcast_in_dim3A : f32 to vector<16xf32>
      %swap3A = arith.index_cast %scan3A_37 : i32 to index
      %swap3A_40 = arith.constant 0 : index
      %swap3A_41 = tpu.vector_load %arg8[%swap3A, %swap3A_40] {strides = array<i32>} : memref<125x128xf32, #tpu.memory_space<vmem>>, vector<1x16xf32>,
      %swap3A_42 = vector.shape_cast %swap3A_41 : vector<1x16xf32> to vector<16xf32>
      %swap3A_43 = vector.shape_cast %broadcast_in_dim3A_39 : vector<16xf32> to vector<1x16xf32>
      tpu.vector_store %arg8[%swap3A, %swap3A_40], %swap3A_43 {strides = array<i32>} : memref<125x128xf32, #tpu.memory_space<vmem>>, vector<1x16xf32>,
      %broadcast_in_dim3A_44 = arith.constant 0.000000e+00 : f32
      %broadcast_in_dim3A_45 = vector.broadcast %broadcast_in_dim3A_44 : f32 to vector<16xf32>
      %swap3A_46 = arith.index_cast %scan3A_37 : i32 to index
      %swap3A_47 = arith.constant 16 : index
      %swap3A_48 = tpu.vector_load %arg8[%swap3A_46, %swap3A_47] {strides = array<i32>} : memref<125x128xf32, #tpu.memory_space<vmem>>, vector<1x16xf32>,
      %swap3A_49 = vector.shape_cast %swap3A_48 : vector<1x16xf32> to vector<16xf32>
      %swap3A_50 = vector.shape_cast %broadcast_in_dim3A_45 : vector<16xf32> to vector<1x16xf32>
      tpu.vector_store %arg8[%swap3A_46, %swap3A_47], %swap3A_50 {strides = array<i32>} : memref<125x128xf32, #tpu.memory_space<vmem>>, vector<1x16xf32>,
      %broadcast_in_dim3A_51 = arith.constant 0.000000e+00 : f32
      %broadcast_in_dim3A_52 = vector.broadcast %broadcast_in_dim3A_51 : f32 to vector<16xf32>
      %swap3A_53 = arith.index_cast %scan3A_37 : i32 to index
      %swap3A_54 = arith.constant 32 : index
      %swap3A_55 = tpu.vector_load %arg8[%swap3A_53, %swap3A_54] {strides = array<i32>} : memref<125x128xf32, #tpu.memory_space<vmem>>, vector<1x16xf32>,
      %swap3A_56 = vector.shape_cast %swap3A_55 : vector<1x16xf32> to vector<16xf32>
      %swap3A_57 = vector.shape_cast %broadcast_in_dim3A_52 : vector<16xf32> to vector<1x16xf32>
      tpu.vector_store %arg8[%swap3A_53, %swap3A_54], %swap3A_57 {strides = array<i32>} : memref<125x128xf32, #tpu.memory_space<vmem>>, vector<1x16xf32>,
      %broadcast_in_dim3A_58 = arith.constant 0.000000e+00 : f32
      %broadcast_in_dim3A_59 = vector.broadcast %broadcast_in_dim3A_58 : f32 to vector<16xf32>
      %swap3A_60 = arith.index_cast %scan3A_37 : i32 to index
      %swap3A_61 = arith.constant 48 : index
      %swap3A_62 = tpu.vector_load %arg8[%swap3A_60, %swap3A_61] {strides = array<i32>} : memref<125x128xf32, #tpu.memory_space<vmem>>, vector<1x16xf32>,
      %swap3A_63 = vector.shape_cast %swap3A_62 : vector<1x16xf32> to vector<16xf32>
      %swap3A_64 = vector.shape_cast %broadcast_in_dim3A_59 : vector<16xf32> to vector<1x16xf32>
      tpu.vector_store %arg8[%swap3A_60, %swap3A_61], %swap3A_64 {strides = array<i32>} : memref<125x128xf32, #tpu.memory_space<vmem>>, vector<1x16xf32>,
      %broadcast_in_dim3A_65 = arith.constant 0.000000e+00 : f32
      %broadcast_in_dim3A_66 = vector.broadcast %broadcast_in_dim3A_65 : f32 to vector<16xf32>
      %swap3A_67 = arith.index_cast %scan3A_37 : i32 to index
      %swap3A_68 = arith.constant 64 : index
      %swap3A_69 = tpu.vector_load %arg8[%swap3A_67, %swap3A_68] {strides = array<i32>} : memref<125x128xf32, #tpu.memory_space<vmem>>, vector<1x16xf32>,
      %swap3A_70 = vector.shape_cast %swap3A_69 : vector<1x16xf32> to vector<16xf32>
      %swap3A_71 = vector.shape_cast %broadcast_in_dim3A_66 : vector<16xf32> to vector<1x16xf32>
      tpu.vector_store %arg8[%swap3A_67, %swap3A_68], %swap3A_71 {strides = array<i32>} : memref<125x128xf32, #tpu.memory_space<vmem>>, vector<1x16xf32>,
      %broadcast_in_dim3A_72 = arith.constant 0.000000e+00 : f32
      %broadcast_in_dim3A_73 = vector.broadcast %broadcast_in_dim3A_72 : f32 to vector<16xf32>
      %swap3A_74 = arith.index_cast %scan3A_37 : i32 to index
      %swap3A_75 = arith.constant 80 : index
      %swap3A_76 = tpu.vector_load %arg8[%swap3A_74, %swap3A_75] {strides = array<i32>} : memref<125x128xf32, #tpu.memory_space<vmem>>, vector<1x16xf32>,
      %swap3A_77 = vector.shape_cast %swap3A_76 : vector<1x16xf32> to vector<16xf32>
      %swap3A_78 = vector.shape_cast %broadcast_in_dim3A_73 : vector<16xf32> to vector<1x16xf32>
      tpu.vector_store %arg8[%swap3A_74, %swap3A_75], %swap3A_78 {strides = array<i32>} : memref<125x128xf32, #tpu.memory_space<vmem>>, vector<1x16xf32>,
      %broadcast_in_dim3A_79 = arith.constant 0.000000e+00 : f32
      %broadcast_in_dim3A_80 = vector.broadcast %broadcast_in_dim3A_79 : f32 to vector<16xf32>
      %swap3A_81 = arith.index_cast %scan3A_37 : i32 to index
      %swap3A_82 = arith.constant 96 : index
      %swap3A_83 = tpu.vector_load %arg8[%swap3A_81, %swap3A_82] {strides = array<i32>} : memref<125x128xf32, #tpu.memory_space<vmem>>, vector<1x16xf32>,
      %swap3A_84 = vector.shape_cast %swap3A_83 : vector<1x16xf32> to vector<16xf32>
      %swap3A_85 = vector.shape_cast %broadcast_in_dim3A_80 : vector<16xf32> to vector<1x16xf32>
      tpu.vector_store %arg8[%swap3A_81, %swap3A_82], %swap3A_85 {strides = array<i32>} : memref<125x128xf32, #tpu.memory_space<vmem>>, vector<1x16xf32>,
      %broadcast_in_dim3A_86 = arith.constant 0.000000e+00 : f32
      %broadcast_in_dim3A_87 = vector.broadcast %broadcast_in_dim3A_86 : f32 to vector<16xf32>
      %swap3A_88 = arith.index_cast %scan3A_37 : i32 to index
      %swap3A_89 = arith.constant 112 : index
      %swap3A_90 = tpu.vector_load %arg8[%swap3A_88, %swap3A_89] {strides = array<i32>} : memref<125x128xf32, #tpu.memory_space<vmem>>, vector<1x16xf32>,
      %swap3A_91 = vector.shape_cast %swap3A_90 : vector<1x16xf32> to vector<16xf32>
      %swap3A_92 = vector.shape_cast %broadcast_in_dim3A_87 : vector<16xf32> to vector<1x16xf32>
      tpu.vector_store %arg8[%swap3A_88, %swap3A_89], %swap3A_92 {strides = array<i32>} : memref<125x128xf32, #tpu.memory_space<vmem>>, vector<1x16xf32>,
      %scan3A_93 = arith.constant 0 : i32
      scf.yield %scan3A_93 : i32
    }
    %scan3A_6 = arith.constant 80 : i32
    %mul3A_7 = arith.constant 640 : i32
    %mul3A_8 = arith.muli %arg1, %mul3A_7 : i32
    %eq3A = arith.constant 15 : i32
    %eq3A_9 = arith.cmpi eq, %arg1, %eq3A : i32
    %jit3A = arith.constant 5 : i32
    %jit3A_10 = arith.constant 8 : i32
    %select_n3A = arith.select %eq3A_9, %jit3A, %jit3A_10 : i32
    %while3A = arith.constant 0 : i32
    %while3A_11 = arith.constant 0 : i32
    %while3A_12 = arith.subi %select_n3A, %while3A : i32
    %while3A_13 = arith.addi %while3A, %while3A_12 : i32
    %while3A_14 = arith.constant 1 : i32
    %while3A_15 = arith.divsi %while3A_12, %while3A_14 : i32
    %while3A_16 = arith.muli %while3A_15, %while3A_14 : i32
    %while3A_17 = arith.addi %while3A, %while3A_16 : i32
    %while3A_18 = arith.constant 1 : i32
    %while3A_19 = scf.for %while3A_37 = %while3A to %while3A_17 step %while3A_18 iter_args(%while3A_38 = %while3A_11) -> (i32)  : i32 {
      %mul3A_39 = arith.constant 80 : i32
      %mul3A_40 = arith.muli %while3A_37, %mul3A_39 : i32
      %add3A_41 = arith.addi %mul3A_8, %mul3A_40 : i32
      "tpu.region"() ({
        %run_scoped3A = tpu.sem_alloc : memref<!tpu.dma_semaphore, #tpu.memory_space<semaphore_mem>>
        %dma_start3A = arith.constant 0 : i32
        %dma_start3A_43 = arith.constant 0 : i32
        %dma_start3A_44 = tpu.memref_slice %arg8[%dma_start3A, %dma_start3A_43] : memref<125x128xf32, #tpu.memory_space<vmem>> -> memref<80x128xf32, #tpu.memory_space<vmem>>
        %dma_start3A_45 = arith.constant 0 : i32
        %dma_start3A_46 = tpu.memref_slice %arg9[%add3A_41, %dma_start3A_45] : memref<10000x128xf32, #tpu.memory_space<vmem_shared>> -> memref<80x128xf32, #tpu.memory_space<vmem_shared>>
        %dma_start3A_47 = arith.constant 0 : i32
        %dma_start3A_48 = tpu.memref_slice %arg9[%add3A_41, %dma_start3A_47] : memref<10000x128xf32, #tpu.memory_space<vmem_shared>> -> memref<80x128xf32, #tpu.memory_space<vmem_shared>>
        %dma_start3A_49 = arith.constant 0 : i32
        %dma_start3A_50 = arith.constant 0 : i32
        %dma_start3A_51 = tpu.memref_slice %arg8[%dma_start3A_49, %dma_start3A_50] : memref<125x128xf32, #tpu.memory_space<vmem>> -> memref<80x128xf32, #tpu.memory_space<vmem>>
        tpu.enqueue_dma source(%dma_start3A_51 : memref<80x128xf32, #tpu.memory_space<vmem>>) target(%dma_start3A_48 : memref<80x128xf32, #tpu.memory_space<vmem_shared>>) target_semaphore(%run_scoped3A : memref<!tpu.dma_semaphore, #tpu.memory_space<semaphore_mem>>)
        %dma_wait3A = arith.constant 0 : i32
        %dma_wait3A_52 = arith.constant 0 : i32
        %dma_wait3A_53 = tpu.memref_slice %arg8[%dma_wait3A, %dma_wait3A_52] : memref<125x128xf32, #tpu.memory_space<vmem>> -> memref<80x128xf32, #tpu.memory_space<vmem>>
        %dma_wait3A_54 = arith.constant 0 : i32
        %dma_wait3A_55 = tpu.memref_slice %arg9[%add3A_41, %dma_wait3A_54] : memref<10000x128xf32, #tpu.memory_space<vmem_shared>> -> memref<80x128xf32, #tpu.memory_space<vmem_shared>>
        %dma_wait3A_56 = arith.constant 0 : i32
        %dma_wait3A_57 = tpu.memref_slice %arg9[%add3A_41, %dma_wait3A_56] : memref<10000x128xf32, #tpu.memory_space<vmem_shared>> -> memref<80x128xf32, #tpu.memory_space<vmem_shared>>
        %dma_wait3A_58 = arith.constant 0 : i32
        %dma_wait3A_59 = arith.constant 0 : i32
        %dma_wait3A_60 = tpu.memref_slice %arg8[%dma_wait3A_58, %dma_wait3A_59] : memref<125x128xf32, #tpu.memory_space<vmem>> -> memref<80x128xf32, #tpu.memory_space<vmem>>
        tpu.wait_dma2 semaphore(%run_scoped3A : memref<!tpu.dma_semaphore, #tpu.memory_space<semaphore_mem>>) src(%dma_wait3A_60 : memref<80x128xf32, #tpu.memory_space<vmem>>) dst(%dma_wait3A_57 : memref<80x128xf32, #tpu.memory_space<vmem_shared>>)
        tpu.yield
      }) : () -> ()
      %while3A_42 = arith.constant 0 : i32
      scf.yield %while3A_42 : i32
    }
    %while3A_20 = arith.constant 1 : i32
    %while3A_21 = scf.for %while3A_37 = %while3A_17 to %while3A_13 step %while3A_20 iter_args(%while3A_38 = %while3A_19) -> (i32)  : i32 {
      %mul3A_39 = arith.constant 80 : i32
      %mul3A_40 = arith.muli %while3A_37, %mul3A_39 : i32
      %add3A_41 = arith.addi %mul3A_8, %mul3A_40 : i32
      "tpu.region"() ({
        %run_scoped3A = tpu.sem_alloc : memref<!tpu.dma_semaphore, #tpu.memory_space<semaphore_mem>>
        %dma_start3A = arith.constant 0 : i32
        %dma_start3A_43 = arith.constant 0 : i32
        %dma_start3A_44 = tpu.memref_slice %arg8[%dma_start3A, %dma_start3A_43] : memref<125x128xf32, #tpu.memory_space<vmem>> -> memref<80x128xf32, #tpu.memory_space<vmem>>
        %dma_start3A_45 = arith.constant 0 : i32
        %dma_start3A_46 = tpu.memref_slice %arg9[%add3A_41, %dma_start3A_45] : memref<10000x128xf32, #tpu.memory_space<vmem_shared>> -> memref<80x128xf32, #tpu.memory_space<vmem_shared>>
        %dma_start3A_47 = arith.constant 0 : i32
        %dma_start3A_48 = tpu.memref_slice %arg9[%add3A_41, %dma_start3A_47] : memref<10000x128xf32, #tpu.memory_space<vmem_shared>> -> memref<80x128xf32, #tpu.memory_space<vmem_shared>>
        %dma_start3A_49 = arith.constant 0 : i32
        %dma_start3A_50 = arith.constant 0 : i32
        %dma_start3A_51 = tpu.memref_slice %arg8[%dma_start3A_49, %dma_start3A_50] : memref<125x128xf32, #tpu.memory_space<vmem>> -> memref<80x128xf32, #tpu.memory_space<vmem>>
        tpu.enqueue_dma source(%dma_start3A_51 : memref<80x128xf32, #tpu.memory_space<vmem>>) target(%dma_start3A_48 : memref<80x128xf32, #tpu.memory_space<vmem_shared>>) target_semaphore(%run_scoped3A : memref<!tpu.dma_semaphore, #tpu.memory_space<semaphore_mem>>)
        %dma_wait3A = arith.constant 0 : i32
        %dma_wait3A_52 = arith.constant 0 : i32
        %dma_wait3A_53 = tpu.memref_slice %arg8[%dma_wait3A, %dma_wait3A_52] : memref<125x128xf32, #tpu.memory_space<vmem>> -> memref<80x128xf32, #tpu.memory_space<vmem>>
        %dma_wait3A_54 = arith.constant 0 : i32
        %dma_wait3A_55 = tpu.memref_slice %arg9[%add3A_41, %dma_wait3A_54] : memref<10000x128xf32, #tpu.memory_space<vmem_shared>> -> memref<80x128xf32, #tpu.memory_space<vmem_shared>>
        %dma_wait3A_56 = arith.constant 0 : i32
        %dma_wait3A_57 = tpu.memref_slice %arg9[%add3A_41, %dma_wait3A_56] : memref<10000x128xf32, #tpu.memory_space<vmem_shared>> -> memref<80x128xf32, #tpu.memory_space<vmem_shared>>
        %dma_wait3A_58 = arith.constant 0 : i32
        %dma_wait3A_59 = arith.constant 0 : i32
        %dma_wait3A_60 = tpu.memref_slice %arg8[%dma_wait3A_58, %dma_wait3A_59] : memref<125x128xf32, #tpu.memory_space<vmem>> -> memref<80x128xf32, #tpu.memory_space<vmem>>
        tpu.wait_dma2 semaphore(%run_scoped3A : memref<!tpu.dma_semaphore, #tpu.memory_space<semaphore_mem>>) src(%dma_wait3A_60 : memref<80x128xf32, #tpu.memory_space<vmem>>) dst(%dma_wait3A_57 : memref<80x128xf32, #tpu.memory_space<vmem_shared>>)
        tpu.yield
      }) : () -> ()
      %while3A_42 = arith.constant 0 : i32
      scf.yield %while3A_42 : i32
    }
    %barrier3A = arith.constant 0 : index
    tpu.barrier barrier_id(%barrier3A)
    "tpu.region"() ({
      %run_scoped3A = tpu.sem_alloc : memref<!tpu.dma_semaphore, #tpu.memory_space<semaphore_mem>>
      %dma_start3A = arith.constant 0 : i32
      %dma_start3A_37 = arith.constant 0 : i32
      %dma_start3A_38 = tpu.memref_slice %arg3[%add3A, %dma_start3A, %dma_start3A_37] : memref<32x80x125xi32, #tpu.memory_space<hbm>> -> memref<1x80x125xi32, #tpu.memory_space<hbm>>
      %dma_start3A_39 = tpu.memref_squeeze %dma_start3A_38 : memref<1x80x125xi32, #tpu.memory_space<hbm>> -> memref<80x125xi32, #tpu.memory_space<hbm>>
      %dma_start3A_40 = arith.constant 0 : i32
      %dma_start3A_41 = arith.constant 0 : i32
      %dma_start3A_42 = tpu.memref_slice %arg3[%add3A, %dma_start3A_40, %dma_start3A_41] : memref<32x80x125xi32, #tpu.memory_space<hbm>> -> memref<1x80x125xi32, #tpu.memory_space<hbm>>
      %dma_start3A_43 = tpu.memref_squeeze %dma_start3A_42 : memref<1x80x125xi32, #tpu.memory_space<hbm>> -> memref<80x125xi32, #tpu.memory_space<hbm>>
      tpu.enqueue_dma source(%dma_start3A_43 : memref<80x125xi32, #tpu.memory_space<hbm>>) target(%arg6 : memref<80x125xi32, #tpu.memory_space<vmem>>) target_semaphore(%run_scoped3A : memref<!tpu.dma_semaphore, #tpu.memory_space<semaphore_mem>>)
      %dma_wait3A = arith.constant 0 : i32
      %dma_wait3A_44 = arith.constant 0 : i32
      %dma_wait3A_45 = tpu.memref_slice %arg3[%add3A, %dma_wait3A, %dma_wait3A_44] : memref<32x80x125xi32, #tpu.memory_space<hbm>> -> memref<1x80x125xi32, #tpu.memory_space<hbm>>
      %dma_wait3A_46 = tpu.memref_squeeze %dma_wait3A_45 : memref<1x80x125xi32, #tpu.memory_space<hbm>> -> memref<80x125xi32, #tpu.memory_space<hbm>>
      %dma_wait3A_47 = arith.constant 0 : i32
      %dma_wait3A_48 = arith.constant 0 : i32
      %dma_wait3A_49 = tpu.memref_slice %arg3[%add3A, %dma_wait3A_47, %dma_wait3A_48] : memref<32x80x125xi32, #tpu.memory_space<hbm>> -> memref<1x80x125xi32, #tpu.memory_space<hbm>>
      %dma_wait3A_50 = tpu.memref_squeeze %dma_wait3A_49 : memref<1x80x125xi32, #tpu.memory_space<hbm>> -> memref<80x125xi32, #tpu.memory_space<hbm>>
      tpu.wait_dma2 semaphore(%run_scoped3A : memref<!tpu.dma_semaphore, #tpu.memory_space<semaphore_mem>>) src(%dma_wait3A_50 : memref<80x125xi32, #tpu.memory_space<hbm>>) dst(%arg6 : memref<80x125xi32, #tpu.memory_space<vmem>>)
      tpu.yield
    }) : () -> ()
    "tpu.region"() ({
      %run_scoped3A = tpu.sem_alloc : memref<!tpu.dma_semaphore, #tpu.memory_space<semaphore_mem>>
      %dma_start3A = arith.constant 0 : i32
      %dma_start3A_37 = arith.constant 0 : i32
      %dma_start3A_38 = tpu.memref_slice %arg4[%add3A, %dma_start3A, %dma_start3A_37] : memref<32x80x125xi32, #tpu.memory_space<hbm>> -> memref<1x80x125xi32, #tpu.memory_space<hbm>>
      %dma_start3A_39 = tpu.memref_squeeze %dma_start3A_38 : memref<1x80x125xi32, #tpu.memory_space<hbm>> -> memref<80x125xi32, #tpu.memory_space<hbm>>
      %dma_start3A_40 = arith.constant 0 : i32
      %dma_start3A_41 = arith.constant 0 : i32
      %dma_start3A_42 = tpu.memref_slice %arg4[%add3A, %dma_start3A_40, %dma_start3A_41] : memref<32x80x125xi32, #tpu.memory_space<hbm>> -> memref<1x80x125xi32, #tpu.memory_space<hbm>>
      %dma_start3A_43 = tpu.memref_squeeze %dma_start3A_42 : memref<1x80x125xi32, #tpu.memory_space<hbm>> -> memref<80x125xi32, #tpu.memory_space<hbm>>
      tpu.enqueue_dma source(%dma_start3A_43 : memref<80x125xi32, #tpu.memory_space<hbm>>) target(%arg7 : memref<80x125xi32, #tpu.memory_space<vmem>>) target_semaphore(%run_scoped3A : memref<!tpu.dma_semaphore, #tpu.memory_space<semaphore_mem>>)
      %dma_wait3A = arith.constant 0 : i32
      %dma_wait3A_44 = arith.constant 0 : i32
      %dma_wait3A_45 = tpu.memref_slice %arg4[%add3A, %dma_wait3A, %dma_wait3A_44] : memref<32x80x125xi32, #tpu.memory_space<hbm>> -> memref<1x80x125xi32, #tpu.memory_space<hbm>>
      %dma_wait3A_46 = tpu.memref_squeeze %dma_wait3A_45 : memref<1x80x125xi32, #tpu.memory_space<hbm>> -> memref<80x125xi32, #tpu.memory_space<hbm>>
      %dma_wait3A_47 = arith.constant 0 : i32
      %dma_wait3A_48 = arith.constant 0 : i32
      %dma_wait3A_49 = tpu.memref_slice %arg4[%add3A, %dma_wait3A_47, %dma_wait3A_48] : memref<32x80x125xi32, #tpu.memory_space<hbm>> -> memref<1x80x125xi32, #tpu.memory_space<hbm>>
      %dma_wait3A_50 = tpu.memref_squeeze %dma_wait3A_49 : memref<1x80x125xi32, #tpu.memory_space<hbm>> -> memref<80x125xi32, #tpu.memory_space<hbm>>
      tpu.wait_dma2 semaphore(%run_scoped3A : memref<!tpu.dma_semaphore, #tpu.memory_space<semaphore_mem>>) src(%dma_wait3A_50 : memref<80x125xi32, #tpu.memory_space<hbm>>) dst(%arg7 : memref<80x125xi32, #tpu.memory_space<vmem>>)
      tpu.yield
    }) : () -> ()
    %scan3A_22 = arith.constant 0 : i32
    %scan3A_23 = arith.constant 0 : i32
    %scan3A_24 = arith.constant 80 : i32
    %scan3A_25 = arith.addi %scan3A_23, %scan3A_24 : i32
    %scan3A_26 = arith.constant 1 : i32
    %scan3A_27 = scf.for %scan3A_37 = %scan3A_23 to %scan3A_25 step %scan3A_26 iter_args(%scan3A_38 = %scan3A_22) -> (i32)  : i32 {
      %dma_start3A = arith.constant 0 : i32
      %dma_start3A_39 = tpu.memref_slice %arg6[%scan3A_37, %dma_start3A] : memref<80x125xi32, #tpu.memory_space<vmem>> -> memref<1x125xi32, #tpu.memory_space<vmem>>
      %dma_start3A_40 = tpu.memref_squeeze %dma_start3A_39 : memref<1x125xi32, #tpu.memory_space<vmem>> -> memref<125xi32, #tpu.memory_space<vmem>>
      %dma_start3A_41 = arith.constant 0 : i32
      %dma_start3A_42 = arith.constant 0 : i32
      %dma_start3A_43 = tpu.memref_slice %arg2[%dma_start3A_41, %dma_start3A_42] : memref<10000x128xf32, #tpu.memory_space<hbm>> -> memref<10000x128xf32, #tpu.memory_space<hbm>>
      tpu.enqueue_indirect_dma source(%dma_start3A_43 : memref<10000x128xf32, #tpu.memory_space<hbm>>) target(%arg8 : memref<125x128xf32, #tpu.memory_space<vmem>>) offsets(%dma_start3A_40 : memref<125xi32, #tpu.memory_space<vmem>>) semaphore(%arg10 : memref<!tpu.dma_semaphore, #tpu.memory_space<semaphore_mem>>)
      %dma_wait3A = arith.constant 0 : i32
      %dma_wait3A_44 = tpu.memref_slice %arg6[%scan3A_37, %dma_wait3A] : memref<80x125xi32, #tpu.memory_space<vmem>> -> memref<1x125xi32, #tpu.memory_space<vmem>>
      %dma_wait3A_45 = tpu.memref_squeeze %dma_wait3A_44 : memref<1x125xi32, #tpu.memory_space<vmem>> -> memref<125xi32, #tpu.memory_space<vmem>>
      %dma_wait3A_46 = arith.constant 0 : i32
      %dma_wait3A_47 = arith.constant 0 : i32
      %dma_wait3A_48 = tpu.memref_slice %arg2[%dma_wait3A_46, %dma_wait3A_47] : memref<10000x128xf32, #tpu.memory_space<hbm>> -> memref<10000x128xf32, #tpu.memory_space<hbm>>
      tpu.wait_indirect_dma semaphore(%arg10 : memref<!tpu.dma_semaphore, #tpu.memory_space<semaphore_mem>>) src(%dma_wait3A_48 : memref<10000x128xf32, #tpu.memory_space<hbm>>) dst(%arg8 : memref<125x128xf32, #tpu.memory_space<vmem>>)
      "tpu.region"() ({
        %run_scoped3A = tpu.sem_alloc : memref<!tpu.dma_semaphore, #tpu.memory_space<semaphore_mem>>
        %dma_start3A_50 = arith.constant 0 : i32
        %dma_start3A_51 = tpu.memref_slice %arg7[%scan3A_37, %dma_start3A_50] : memref<80x125xi32, #tpu.memory_space<vmem>> -> memref<1x125xi32, #tpu.memory_space<vmem>>
        %dma_start3A_52 = tpu.memref_squeeze %dma_start3A_51 : memref<1x125xi32, #tpu.memory_space<vmem>> -> memref<125xi32, #tpu.memory_space<vmem>>
        %dma_start3A_53 = arith.constant 0 : i32
        %dma_start3A_54 = arith.constant 0 : i32
        %dma_start3A_55 = tpu.memref_slice %arg9[%dma_start3A_53, %dma_start3A_54] : memref<10000x128xf32, #tpu.memory_space<vmem_shared>> -> memref<10000x128xf32, #tpu.memory_space<vmem_shared>>
        tpu.enqueue_indirect_dma source(%arg8 : memref<125x128xf32, #tpu.memory_space<vmem>>) target(%dma_start3A_55 : memref<10000x128xf32, #tpu.memory_space<vmem_shared>>) offsets(%dma_start3A_52 : memref<125xi32, #tpu.memory_space<vmem>>) semaphore(%run_scoped3A : memref<!tpu.dma_semaphore, #tpu.memory_space<semaphore_mem>>) {add = true}
        %dma_wait3A_56 = arith.constant 0 : i32
        %dma_wait3A_57 = tpu.memref_slice %arg7[%scan3A_37, %dma_wait3A_56] : memref<80x125xi32, #tpu.memory_space<vmem>> -> memref<1x125xi32, #tpu.memory_space<vmem>>
        %dma_wait3A_58 = tpu.memref_squeeze %dma_wait3A_57 : memref<1x125xi32, #tpu.memory_space<vmem>> -> memref<125xi32, #tpu.memory_space<vmem>>
        %dma_wait3A_59 = arith.constant 0 : i32
        %dma_wait3A_60 = arith.constant 0 : i32
        %dma_wait3A_61 = tpu.memref_slice %arg9[%dma_wait3A_59, %dma_wait3A_60] : memref<10000x128xf32, #tpu.memory_space<vmem_shared>> -> memref<10000x128xf32, #tpu.memory_space<vmem_shared>>
        tpu.wait_indirect_dma semaphore(%run_scoped3A : memref<!tpu.dma_semaphore, #tpu.memory_space<semaphore_mem>>) src(%arg8 : memref<125x128xf32, #tpu.memory_space<vmem>>) dst(%dma_wait3A_61 : memref<10000x128xf32, #tpu.memory_space<vmem_shared>>)
        tpu.yield
      }) : () -> ()
      %scan3A_49 = arith.constant 0 : i32
      scf.yield %scan3A_49 : i32
    }
    %scan3A_28 = arith.constant 80 : i32
    %barrier3A_29 = arith.constant 0 : index
    tpu.barrier barrier_id(%barrier3A_29)
    %lt3A = arith.constant 15 : i32
    %lt3A_30 = arith.cmpi slt, %arg1, %lt3A : i32
    %convert_element_type3A = arith.extui %lt3A_30 : i1 to i32
    %cond3A = arith.constant 0 : i32
    %cond3A_31 = arith.cmpi ne, %convert_element_type3A, %cond3A : i32
    scf.if %cond3A_31 {
      "tpu.region"() ({
        %run_scoped3A = tpu.sem_alloc : memref<!tpu.dma_semaphore, #tpu.memory_space<semaphore_mem>>
        %dma_start3A = arith.constant 0 : i32
        %dma_start3A_37 = tpu.memref_slice %arg5[%arg0, %mul3A_8, %dma_start3A] : memref<2x10000x128xf32, #tpu.memory_space<hbm>> -> memref<1x640x128xf32, #tpu.memory_space<hbm>>
        %dma_start3A_38 = tpu.memref_squeeze %dma_start3A_37 : memref<1x640x128xf32, #tpu.memory_space<hbm>> -> memref<640x128xf32, #tpu.memory_space<hbm>>
        %dma_start3A_39 = arith.constant 0 : i32
        %dma_start3A_40 = tpu.memref_slice %arg9[%mul3A_8, %dma_start3A_39] : memref<10000x128xf32, #tpu.memory_space<vmem_shared>> -> memref<640x128xf32, #tpu.memory_space<vmem_shared>>
        tpu.enqueue_dma source(%dma_start3A_40 : memref<640x128xf32, #tpu.memory_space<vmem_shared>>) target(%dma_start3A_38 : memref<640x128xf32, #tpu.memory_space<hbm>>) target_semaphore(%run_scoped3A : memref<!tpu.dma_semaphore, #tpu.memory_space<semaphore_mem>>)
        %dma_wait3A = arith.constant 0 : i32
        %dma_wait3A_41 = tpu.memref_slice %arg5[%arg0, %mul3A_8, %dma_wait3A] : memref<2x10000x128xf32, #tpu.memory_space<hbm>> -> memref<1x640x128xf32, #tpu.memory_space<hbm>>
        %dma_wait3A_42 = tpu.memref_squeeze %dma_wait3A_41 : memref<1x640x128xf32, #tpu.memory_space<hbm>> -> memref<640x128xf32, #tpu.memory_space<hbm>>
        %dma_wait3A_43 = arith.constant 0 : i32
        %dma_wait3A_44 = tpu.memref_slice %arg9[%mul3A_8, %dma_wait3A_43] : memref<10000x128xf32, #tpu.memory_space<vmem_shared>> -> memref<640x128xf32, #tpu.memory_space<vmem_shared>>
        tpu.wait_dma2 semaphore(%run_scoped3A : memref<!tpu.dma_semaphore, #tpu.memory_space<semaphore_mem>>) src(%dma_wait3A_44 : memref<640x128xf32, #tpu.memory_space<vmem_shared>>) dst(%dma_wait3A_42 : memref<640x128xf32, #tpu.memory_space<hbm>>)
        tpu.yield
      }) : () -> ()
    } else {
    }
    %eq3A_32 = arith.constant 15 : i32
    %eq3A_33 = arith.cmpi eq, %arg1, %eq3A_32 : i32
    %convert_element_type3A_34 = arith.extui %eq3A_33 : i1 to i32
    %cond3A_35 = arith.constant 0 : i32
    %cond3A_36 = arith.cmpi ne, %convert_element_type3A_34, %cond3A_35 : i32
    scf.if %cond3A_36 {
      "tpu.region"() ({
        %run_scoped3A = tpu.sem_alloc : memref<!tpu.dma_semaphore, #tpu.memory_space<semaphore_mem>>
        %dma_start3A = arith.constant 0 : i32
        %dma_start3A_37 = tpu.memref_slice %arg5[%arg0, %mul3A_8, %dma_start3A] : memref<2x10000x128xf32, #tpu.memory_space<hbm>> -> memref<1x400x128xf32, #tpu.memory_space<hbm>>
        %dma_start3A_38 = tpu.memref_squeeze %dma_start3A_37 : memref<1x400x128xf32, #tpu.memory_space<hbm>> -> memref<400x128xf32, #tpu.memory_space<hbm>>
        %dma_start3A_39 = arith.constant 0 : i32
        %dma_start3A_40 = tpu.memref_slice %arg9[%mul3A_8, %dma_start3A_39] : memref<10000x128xf32, #tpu.memory_space<vmem_shared>> -> memref<400x128xf32, #tpu.memory_space<vmem_shared>>
        tpu.enqueue_dma source(%dma_start3A_40 : memref<400x128xf32, #tpu.memory_space<vmem_shared>>) target(%dma_start3A_38 : memref<400x128xf32, #tpu.memory_space<hbm>>) target_semaphore(%run_scoped3A : memref<!tpu.dma_semaphore, #tpu.memory_space<semaphore_mem>>)
        %dma_wait3A = arith.constant 0 : i32
        %dma_wait3A_41 = tpu.memref_slice %arg5[%arg0, %mul3A_8, %dma_wait3A] : memref<2x10000x128xf32, #tpu.memory_space<hbm>> -> memref<1x400x128xf32, #tpu.memory_space<hbm>>
        %dma_wait3A_42 = tpu.memref_squeeze %dma_wait3A_41 : memref<1x400x128xf32, #tpu.memory_space<hbm>> -> memref<400x128xf32, #tpu.memory_space<hbm>>
        %dma_wait3A_43 = arith.constant 0 : i32
        %dma_wait3A_44 = tpu.memref_slice %arg9[%mul3A_8, %dma_wait3A_43] : memref<10000x128xf32, #tpu.memory_space<vmem_shared>> -> memref<400x128xf32, #tpu.memory_space<vmem_shared>>
        tpu.wait_dma2 semaphore(%run_scoped3A : memref<!tpu.dma_semaphore, #tpu.memory_space<semaphore_mem>>) src(%dma_wait3A_44 : memref<400x128xf32, #tpu.memory_space<vmem_shared>>) dst(%dma_wait3A_42 : memref<400x128xf32, #tpu.memory_space<hbm>>)
        tpu.yield
      }) : () -> ()
    } else {
    }
    return
  }
}

#map = affine_map<(d0, d1) -> (0, 0)>
#map1 = affine_map<(d0, d1) -> (0, 0, 0)>
module attributes {stable_mosaic.version = 14 : i64} {
  func.func @_sc_agg_body(%arg0: i32, %arg1: i32, %arg2: memref<10000x128xf32, #tpu.memory_space<hbm>>, %arg3: memref<32x80x125xi32, #tpu.memory_space<hbm>>, %arg4: memref<32x80x125xi32, #tpu.memory_space<hbm>>, %arg5: memref<2x10000x128xf32, #tpu.memory_space<hbm>>, %arg6: memref<80x125xi32, #tpu.memory_space<vmem>>, %arg7: memref<80x125xi32, #tpu.memory_space<vmem>>, %arg8: memref<125x128xf32, #tpu.memory_space<vmem>>, %arg9: memref<10000x128xf32, #tpu.memory_space<vmem_shared>>, %arg10: memref<!tpu.dma_semaphore, #tpu.memory_space<semaphore_mem>>) attributes {dimension_semantics = [#tpu.dimension_semantics<core_parallel>, #tpu.dimension_semantics<subcore_parallel>], iteration_bounds = array<i64: 2, 16>, scalar_prefetch = 0 : i64, scratch_operands = 5 : i64, tpu.core_type = #tpu.core_type<sc_vector_subcore>, window_params = [{transform_indices = #map}, {transform_indices = #map1}, {transform_indices = #map1}, {transform_indices = #map1}]} {
    %mul3A = arith.constant 16 : i32
    %mul3A_0 = arith.muli %arg0, %mul3A : i32
    %add3A = arith.addi %mul3A_0, %arg1 : i32
    %scan3A = arith.constant 0 : i32
    %scan3A_1 = arith.constant 0 : i32
    %scan3A_2 = arith.constant 80 : i32
    %scan3A_3 = arith.addi %scan3A_1, %scan3A_2 : i32
    %scan3A_4 = arith.constant 1 : i32
    %scan3A_5 = scf.for %scan3A_37 = %scan3A_1 to %scan3A_3 step %scan3A_4 iter_args(%scan3A_38 = %scan3A) -> (i32)  : i32 {
      %broadcast_in_dim3A = arith.constant 0.000000e+00 : f32
      %broadcast_in_dim3A_39 = vector.broadcast %broadcast_in_dim3A : f32 to vector<16xf32>
      %swap3A = arith.index_cast %scan3A_37 : i32 to index
      %swap3A_40 = arith.constant 0 : index
      %swap3A_41 = tpu.vector_load %arg8[%swap3A, %swap3A_40] {strides = array<i32>} : memref<125x128xf32, #tpu.memory_space<vmem>>, vector<1x16xf32>,
      %swap3A_42 = vector.shape_cast %swap3A_41 : vector<1x16xf32> to vector<16xf32>
      %swap3A_43 = vector.shape_cast %broadcast_in_dim3A_39 : vector<16xf32> to vector<1x16xf32>
      tpu.vector_store %arg8[%swap3A, %swap3A_40], %swap3A_43 {strides = array<i32>} : memref<125x128xf32, #tpu.memory_space<vmem>>, vector<1x16xf32>,
      %broadcast_in_dim3A_44 = arith.constant 0.000000e+00 : f32
      %broadcast_in_dim3A_45 = vector.broadcast %broadcast_in_dim3A_44 : f32 to vector<16xf32>
      %swap3A_46 = arith.index_cast %scan3A_37 : i32 to index
      %swap3A_47 = arith.constant 16 : index
      %swap3A_48 = tpu.vector_load %arg8[%swap3A_46, %swap3A_47] {strides = array<i32>} : memref<125x128xf32, #tpu.memory_space<vmem>>, vector<1x16xf32>,
      %swap3A_49 = vector.shape_cast %swap3A_48 : vector<1x16xf32> to vector<16xf32>
      %swap3A_50 = vector.shape_cast %broadcast_in_dim3A_45 : vector<16xf32> to vector<1x16xf32>
      tpu.vector_store %arg8[%swap3A_46, %swap3A_47], %swap3A_50 {strides = array<i32>} : memref<125x128xf32, #tpu.memory_space<vmem>>, vector<1x16xf32>,
      %broadcast_in_dim3A_51 = arith.constant 0.000000e+00 : f32
      %broadcast_in_dim3A_52 = vector.broadcast %broadcast_in_dim3A_51 : f32 to vector<16xf32>
      %swap3A_53 = arith.index_cast %scan3A_37 : i32 to index
      %swap3A_54 = arith.constant 32 : index
      %swap3A_55 = tpu.vector_load %arg8[%swap3A_53, %swap3A_54] {strides = array<i32>} : memref<125x128xf32, #tpu.memory_space<vmem>>, vector<1x16xf32>,
      %swap3A_56 = vector.shape_cast %swap3A_55 : vector<1x16xf32> to vector<16xf32>
      %swap3A_57 = vector.shape_cast %broadcast_in_dim3A_52 : vector<16xf32> to vector<1x16xf32>
      tpu.vector_store %arg8[%swap3A_53, %swap3A_54], %swap3A_57 {strides = array<i32>} : memref<125x128xf32, #tpu.memory_space<vmem>>, vector<1x16xf32>,
      %broadcast_in_dim3A_58 = arith.constant 0.000000e+00 : f32
      %broadcast_in_dim3A_59 = vector.broadcast %broadcast_in_dim3A_58 : f32 to vector<16xf32>
      %swap3A_60 = arith.index_cast %scan3A_37 : i32 to index
      %swap3A_61 = arith.constant 48 : index
      %swap3A_62 = tpu.vector_load %arg8[%swap3A_60, %swap3A_61] {strides = array<i32>} : memref<125x128xf32, #tpu.memory_space<vmem>>, vector<1x16xf32>,
      %swap3A_63 = vector.shape_cast %swap3A_62 : vector<1x16xf32> to vector<16xf32>
      %swap3A_64 = vector.shape_cast %broadcast_in_dim3A_59 : vector<16xf32> to vector<1x16xf32>
      tpu.vector_store %arg8[%swap3A_60, %swap3A_61], %swap3A_64 {strides = array<i32>} : memref<125x128xf32, #tpu.memory_space<vmem>>, vector<1x16xf32>,
      %broadcast_in_dim3A_65 = arith.constant 0.000000e+00 : f32
      %broadcast_in_dim3A_66 = vector.broadcast %broadcast_in_dim3A_65 : f32 to vector<16xf32>
      %swap3A_67 = arith.index_cast %scan3A_37 : i32 to index
      %swap3A_68 = arith.constant 64 : index
      %swap3A_69 = tpu.vector_load %arg8[%swap3A_67, %swap3A_68] {strides = array<i32>} : memref<125x128xf32, #tpu.memory_space<vmem>>, vector<1x16xf32>,
      %swap3A_70 = vector.shape_cast %swap3A_69 : vector<1x16xf32> to vector<16xf32>
      %swap3A_71 = vector.shape_cast %broadcast_in_dim3A_66 : vector<16xf32> to vector<1x16xf32>
      tpu.vector_store %arg8[%swap3A_67, %swap3A_68], %swap3A_71 {strides = array<i32>} : memref<125x128xf32, #tpu.memory_space<vmem>>, vector<1x16xf32>,
      %broadcast_in_dim3A_72 = arith.constant 0.000000e+00 : f32
      %broadcast_in_dim3A_73 = vector.broadcast %broadcast_in_dim3A_72 : f32 to vector<16xf32>
      %swap3A_74 = arith.index_cast %scan3A_37 : i32 to index
      %swap3A_75 = arith.constant 80 : index
      %swap3A_76 = tpu.vector_load %arg8[%swap3A_74, %swap3A_75] {strides = array<i32>} : memref<125x128xf32, #tpu.memory_space<vmem>>, vector<1x16xf32>,
      %swap3A_77 = vector.shape_cast %swap3A_76 : vector<1x16xf32> to vector<16xf32>
      %swap3A_78 = vector.shape_cast %broadcast_in_dim3A_73 : vector<16xf32> to vector<1x16xf32>
      tpu.vector_store %arg8[%swap3A_74, %swap3A_75], %swap3A_78 {strides = array<i32>} : memref<125x128xf32, #tpu.memory_space<vmem>>, vector<1x16xf32>,
      %broadcast_in_dim3A_79 = arith.constant 0.000000e+00 : f32
      %broadcast_in_dim3A_80 = vector.broadcast %broadcast_in_dim3A_79 : f32 to vector<16xf32>
      %swap3A_81 = arith.index_cast %scan3A_37 : i32 to index
      %swap3A_82 = arith.constant 96 : index
      %swap3A_83 = tpu.vector_load %arg8[%swap3A_81, %swap3A_82] {strides = array<i32>} : memref<125x128xf32, #tpu.memory_space<vmem>>, vector<1x16xf32>,
      %swap3A_84 = vector.shape_cast %swap3A_83 : vector<1x16xf32> to vector<16xf32>
      %swap3A_85 = vector.shape_cast %broadcast_in_dim3A_80 : vector<16xf32> to vector<1x16xf32>
      tpu.vector_store %arg8[%swap3A_81, %swap3A_82], %swap3A_85 {strides = array<i32>} : memref<125x128xf32, #tpu.memory_space<vmem>>, vector<1x16xf32>,
      %broadcast_in_dim3A_86 = arith.constant 0.000000e+00 : f32
      %broadcast_in_dim3A_87 = vector.broadcast %broadcast_in_dim3A_86 : f32 to vector<16xf32>
      %swap3A_88 = arith.index_cast %scan3A_37 : i32 to index
      %swap3A_89 = arith.constant 112 : index
      %swap3A_90 = tpu.vector_load %arg8[%swap3A_88, %swap3A_89] {strides = array<i32>} : memref<125x128xf32, #tpu.memory_space<vmem>>, vector<1x16xf32>,
      %swap3A_91 = vector.shape_cast %swap3A_90 : vector<1x16xf32> to vector<16xf32>
      %swap3A_92 = vector.shape_cast %broadcast_in_dim3A_87 : vector<16xf32> to vector<1x16xf32>
      tpu.vector_store %arg8[%swap3A_88, %swap3A_89], %swap3A_92 {strides = array<i32>} : memref<125x128xf32, #tpu.memory_space<vmem>>, vector<1x16xf32>,
      %scan3A_93 = arith.constant 0 : i32
      scf.yield %scan3A_93 : i32
    }
    %scan3A_6 = arith.constant 80 : i32
    %mul3A_7 = arith.constant 640 : i32
    %mul3A_8 = arith.muli %arg1, %mul3A_7 : i32
    %eq3A = arith.constant 15 : i32
    %eq3A_9 = arith.cmpi eq, %arg1, %eq3A : i32
    %jit3A = arith.constant 5 : i32
    %jit3A_10 = arith.constant 8 : i32
    %select_n3A = arith.select %eq3A_9, %jit3A, %jit3A_10 : i32
    %while3A = arith.constant 0 : i32
    %while3A_11 = arith.constant 0 : i32
    %while3A_12 = arith.subi %select_n3A, %while3A : i32
    %while3A_13 = arith.addi %while3A, %while3A_12 : i32
    %while3A_14 = arith.constant 1 : i32
    %while3A_15 = arith.divsi %while3A_12, %while3A_14 : i32
    %while3A_16 = arith.muli %while3A_15, %while3A_14 : i32
    %while3A_17 = arith.addi %while3A, %while3A_16 : i32
    %while3A_18 = arith.constant 1 : i32
    %while3A_19 = scf.for %while3A_37 = %while3A to %while3A_17 step %while3A_18 iter_args(%while3A_38 = %while3A_11) -> (i32)  : i32 {
      %mul3A_39 = arith.constant 80 : i32
      %mul3A_40 = arith.muli %while3A_37, %mul3A_39 : i32
      %add3A_41 = arith.addi %mul3A_8, %mul3A_40 : i32
      "tpu.region"() ({
        %run_scoped3A = tpu.sem_alloc : memref<!tpu.dma_semaphore, #tpu.memory_space<semaphore_mem>>
        %dma_start3A = arith.constant 0 : i32
        %dma_start3A_43 = arith.constant 0 : i32
        %dma_start3A_44 = tpu.memref_slice %arg8[%dma_start3A, %dma_start3A_43] : memref<125x128xf32, #tpu.memory_space<vmem>> -> memref<80x128xf32, #tpu.memory_space<vmem>>
        %dma_start3A_45 = arith.constant 0 : i32
        %dma_start3A_46 = tpu.memref_slice %arg9[%add3A_41, %dma_start3A_45] : memref<10000x128xf32, #tpu.memory_space<vmem_shared>> -> memref<80x128xf32, #tpu.memory_space<vmem_shared>>
        %dma_start3A_47 = arith.constant 0 : i32
        %dma_start3A_48 = tpu.memref_slice %arg9[%add3A_41, %dma_start3A_47] : memref<10000x128xf32, #tpu.memory_space<vmem_shared>> -> memref<80x128xf32, #tpu.memory_space<vmem_shared>>
        %dma_start3A_49 = arith.constant 0 : i32
        %dma_start3A_50 = arith.constant 0 : i32
        %dma_start3A_51 = tpu.memref_slice %arg8[%dma_start3A_49, %dma_start3A_50] : memref<125x128xf32, #tpu.memory_space<vmem>> -> memref<80x128xf32, #tpu.memory_space<vmem>>
        tpu.enqueue_dma source(%dma_start3A_51 : memref<80x128xf32, #tpu.memory_space<vmem>>) target(%dma_start3A_48 : memref<80x128xf32, #tpu.memory_space<vmem_shared>>) target_semaphore(%run_scoped3A : memref<!tpu.dma_semaphore, #tpu.memory_space<semaphore_mem>>)
        %dma_wait3A = arith.constant 0 : i32
        %dma_wait3A_52 = arith.constant 0 : i32
        %dma_wait3A_53 = tpu.memref_slice %arg8[%dma_wait3A, %dma_wait3A_52] : memref<125x128xf32, #tpu.memory_space<vmem>> -> memref<80x128xf32, #tpu.memory_space<vmem>>
        %dma_wait3A_54 = arith.constant 0 : i32
        %dma_wait3A_55 = tpu.memref_slice %arg9[%add3A_41, %dma_wait3A_54] : memref<10000x128xf32, #tpu.memory_space<vmem_shared>> -> memref<80x128xf32, #tpu.memory_space<vmem_shared>>
        %dma_wait3A_56 = arith.constant 0 : i32
        %dma_wait3A_57 = tpu.memref_slice %arg9[%add3A_41, %dma_wait3A_56] : memref<10000x128xf32, #tpu.memory_space<vmem_shared>> -> memref<80x128xf32, #tpu.memory_space<vmem_shared>>
        %dma_wait3A_58 = arith.constant 0 : i32
        %dma_wait3A_59 = arith.constant 0 : i32
        %dma_wait3A_60 = tpu.memref_slice %arg8[%dma_wait3A_58, %dma_wait3A_59] : memref<125x128xf32, #tpu.memory_space<vmem>> -> memref<80x128xf32, #tpu.memory_space<vmem>>
        tpu.wait_dma2 semaphore(%run_scoped3A : memref<!tpu.dma_semaphore, #tpu.memory_space<semaphore_mem>>) src(%dma_wait3A_60 : memref<80x128xf32, #tpu.memory_space<vmem>>) dst(%dma_wait3A_57 : memref<80x128xf32, #tpu.memory_space<vmem_shared>>)
        tpu.yield
      }) : () -> ()
      %while3A_42 = arith.constant 0 : i32
      scf.yield %while3A_42 : i32
    }
    %while3A_20 = arith.constant 1 : i32
    %while3A_21 = scf.for %while3A_37 = %while3A_17 to %while3A_13 step %while3A_20 iter_args(%while3A_38 = %while3A_19) -> (i32)  : i32 {
      %mul3A_39 = arith.constant 80 : i32
      %mul3A_40 = arith.muli %while3A_37, %mul3A_39 : i32
      %add3A_41 = arith.addi %mul3A_8, %mul3A_40 : i32
      "tpu.region"() ({
        %run_scoped3A = tpu.sem_alloc : memref<!tpu.dma_semaphore, #tpu.memory_space<semaphore_mem>>
        %dma_start3A = arith.constant 0 : i32
        %dma_start3A_43 = arith.constant 0 : i32
        %dma_start3A_44 = tpu.memref_slice %arg8[%dma_start3A, %dma_start3A_43] : memref<125x128xf32, #tpu.memory_space<vmem>> -> memref<80x128xf32, #tpu.memory_space<vmem>>
        %dma_start3A_45 = arith.constant 0 : i32
        %dma_start3A_46 = tpu.memref_slice %arg9[%add3A_41, %dma_start3A_45] : memref<10000x128xf32, #tpu.memory_space<vmem_shared>> -> memref<80x128xf32, #tpu.memory_space<vmem_shared>>
        %dma_start3A_47 = arith.constant 0 : i32
        %dma_start3A_48 = tpu.memref_slice %arg9[%add3A_41, %dma_start3A_47] : memref<10000x128xf32, #tpu.memory_space<vmem_shared>> -> memref<80x128xf32, #tpu.memory_space<vmem_shared>>
        %dma_start3A_49 = arith.constant 0 : i32
        %dma_start3A_50 = arith.constant 0 : i32
        %dma_start3A_51 = tpu.memref_slice %arg8[%dma_start3A_49, %dma_start3A_50] : memref<125x128xf32, #tpu.memory_space<vmem>> -> memref<80x128xf32, #tpu.memory_space<vmem>>
        tpu.enqueue_dma source(%dma_start3A_51 : memref<80x128xf32, #tpu.memory_space<vmem>>) target(%dma_start3A_48 : memref<80x128xf32, #tpu.memory_space<vmem_shared>>) target_semaphore(%run_scoped3A : memref<!tpu.dma_semaphore, #tpu.memory_space<semaphore_mem>>)
        %dma_wait3A = arith.constant 0 : i32
        %dma_wait3A_52 = arith.constant 0 : i32
        %dma_wait3A_53 = tpu.memref_slice %arg8[%dma_wait3A, %dma_wait3A_52] : memref<125x128xf32, #tpu.memory_space<vmem>> -> memref<80x128xf32, #tpu.memory_space<vmem>>
        %dma_wait3A_54 = arith.constant 0 : i32
        %dma_wait3A_55 = tpu.memref_slice %arg9[%add3A_41, %dma_wait3A_54] : memref<10000x128xf32, #tpu.memory_space<vmem_shared>> -> memref<80x128xf32, #tpu.memory_space<vmem_shared>>
        %dma_wait3A_56 = arith.constant 0 : i32
        %dma_wait3A_57 = tpu.memref_slice %arg9[%add3A_41, %dma_wait3A_56] : memref<10000x128xf32, #tpu.memory_space<vmem_shared>> -> memref<80x128xf32, #tpu.memory_space<vmem_shared>>
        %dma_wait3A_58 = arith.constant 0 : i32
        %dma_wait3A_59 = arith.constant 0 : i32
        %dma_wait3A_60 = tpu.memref_slice %arg8[%dma_wait3A_58, %dma_wait3A_59] : memref<125x128xf32, #tpu.memory_space<vmem>> -> memref<80x128xf32, #tpu.memory_space<vmem>>
        tpu.wait_dma2 semaphore(%run_scoped3A : memref<!tpu.dma_semaphore, #tpu.memory_space<semaphore_mem>>) src(%dma_wait3A_60 : memref<80x128xf32, #tpu.memory_space<vmem>>) dst(%dma_wait3A_57 : memref<80x128xf32, #tpu.memory_space<vmem_shared>>)
        tpu.yield
      }) : () -> ()
      %while3A_42 = arith.constant 0 : i32
      scf.yield %while3A_42 : i32
    }
    %barrier3A = arith.constant 0 : index
    tpu.barrier barrier_id(%barrier3A)
    "tpu.region"() ({
      %run_scoped3A = tpu.sem_alloc : memref<!tpu.dma_semaphore, #tpu.memory_space<semaphore_mem>>
      %dma_start3A = arith.constant 0 : i32
      %dma_start3A_37 = arith.constant 0 : i32
      %dma_start3A_38 = tpu.memref_slice %arg3[%add3A, %dma_start3A, %dma_start3A_37] : memref<32x80x125xi32, #tpu.memory_space<hbm>> -> memref<1x80x125xi32, #tpu.memory_space<hbm>>
      %dma_start3A_39 = tpu.memref_squeeze %dma_start3A_38 : memref<1x80x125xi32, #tpu.memory_space<hbm>> -> memref<80x125xi32, #tpu.memory_space<hbm>>
      %dma_start3A_40 = arith.constant 0 : i32
      %dma_start3A_41 = arith.constant 0 : i32
      %dma_start3A_42 = tpu.memref_slice %arg3[%add3A, %dma_start3A_40, %dma_start3A_41] : memref<32x80x125xi32, #tpu.memory_space<hbm>> -> memref<1x80x125xi32, #tpu.memory_space<hbm>>
      %dma_start3A_43 = tpu.memref_squeeze %dma_start3A_42 : memref<1x80x125xi32, #tpu.memory_space<hbm>> -> memref<80x125xi32, #tpu.memory_space<hbm>>
      tpu.enqueue_dma source(%dma_start3A_43 : memref<80x125xi32, #tpu.memory_space<hbm>>) target(%arg6 : memref<80x125xi32, #tpu.memory_space<vmem>>) target_semaphore(%run_scoped3A : memref<!tpu.dma_semaphore, #tpu.memory_space<semaphore_mem>>)
      %dma_wait3A = arith.constant 0 : i32
      %dma_wait3A_44 = arith.constant 0 : i32
      %dma_wait3A_45 = tpu.memref_slice %arg3[%add3A, %dma_wait3A, %dma_wait3A_44] : memref<32x80x125xi32, #tpu.memory_space<hbm>> -> memref<1x80x125xi32, #tpu.memory_space<hbm>>
      %dma_wait3A_46 = tpu.memref_squeeze %dma_wait3A_45 : memref<1x80x125xi32, #tpu.memory_space<hbm>> -> memref<80x125xi32, #tpu.memory_space<hbm>>
      %dma_wait3A_47 = arith.constant 0 : i32
      %dma_wait3A_48 = arith.constant 0 : i32
      %dma_wait3A_49 = tpu.memref_slice %arg3[%add3A, %dma_wait3A_47, %dma_wait3A_48] : memref<32x80x125xi32, #tpu.memory_space<hbm>> -> memref<1x80x125xi32, #tpu.memory_space<hbm>>
      %dma_wait3A_50 = tpu.memref_squeeze %dma_wait3A_49 : memref<1x80x125xi32, #tpu.memory_space<hbm>> -> memref<80x125xi32, #tpu.memory_space<hbm>>
      tpu.wait_dma2 semaphore(%run_scoped3A : memref<!tpu.dma_semaphore, #tpu.memory_space<semaphore_mem>>) src(%dma_wait3A_50 : memref<80x125xi32, #tpu.memory_space<hbm>>) dst(%arg6 : memref<80x125xi32, #tpu.memory_space<vmem>>)
      tpu.yield
    }) : () -> ()
    "tpu.region"() ({
      %run_scoped3A = tpu.sem_alloc : memref<!tpu.dma_semaphore, #tpu.memory_space<semaphore_mem>>
      %dma_start3A = arith.constant 0 : i32
      %dma_start3A_37 = arith.constant 0 : i32
      %dma_start3A_38 = tpu.memref_slice %arg4[%add3A, %dma_start3A, %dma_start3A_37] : memref<32x80x125xi32, #tpu.memory_space<hbm>> -> memref<1x80x125xi32, #tpu.memory_space<hbm>>
      %dma_start3A_39 = tpu.memref_squeeze %dma_start3A_38 : memref<1x80x125xi32, #tpu.memory_space<hbm>> -> memref<80x125xi32, #tpu.memory_space<hbm>>
      %dma_start3A_40 = arith.constant 0 : i32
      %dma_start3A_41 = arith.constant 0 : i32
      %dma_start3A_42 = tpu.memref_slice %arg4[%add3A, %dma_start3A_40, %dma_start3A_41] : memref<32x80x125xi32, #tpu.memory_space<hbm>> -> memref<1x80x125xi32, #tpu.memory_space<hbm>>
      %dma_start3A_43 = tpu.memref_squeeze %dma_start3A_42 : memref<1x80x125xi32, #tpu.memory_space<hbm>> -> memref<80x125xi32, #tpu.memory_space<hbm>>
      tpu.enqueue_dma source(%dma_start3A_43 : memref<80x125xi32, #tpu.memory_space<hbm>>) target(%arg7 : memref<80x125xi32, #tpu.memory_space<vmem>>) target_semaphore(%run_scoped3A : memref<!tpu.dma_semaphore, #tpu.memory_space<semaphore_mem>>)
      %dma_wait3A = arith.constant 0 : i32
      %dma_wait3A_44 = arith.constant 0 : i32
      %dma_wait3A_45 = tpu.memref_slice %arg4[%add3A, %dma_wait3A, %dma_wait3A_44] : memref<32x80x125xi32, #tpu.memory_space<hbm>> -> memref<1x80x125xi32, #tpu.memory_space<hbm>>
      %dma_wait3A_46 = tpu.memref_squeeze %dma_wait3A_45 : memref<1x80x125xi32, #tpu.memory_space<hbm>> -> memref<80x125xi32, #tpu.memory_space<hbm>>
      %dma_wait3A_47 = arith.constant 0 : i32
      %dma_wait3A_48 = arith.constant 0 : i32
      %dma_wait3A_49 = tpu.memref_slice %arg4[%add3A, %dma_wait3A_47, %dma_wait3A_48] : memref<32x80x125xi32, #tpu.memory_space<hbm>> -> memref<1x80x125xi32, #tpu.memory_space<hbm>>
      %dma_wait3A_50 = tpu.memref_squeeze %dma_wait3A_49 : memref<1x80x125xi32, #tpu.memory_space<hbm>> -> memref<80x125xi32, #tpu.memory_space<hbm>>
      tpu.wait_dma2 semaphore(%run_scoped3A : memref<!tpu.dma_semaphore, #tpu.memory_space<semaphore_mem>>) src(%dma_wait3A_50 : memref<80x125xi32, #tpu.memory_space<hbm>>) dst(%arg7 : memref<80x125xi32, #tpu.memory_space<vmem>>)
      tpu.yield
    }) : () -> ()
    %scan3A_22 = arith.constant 0 : i32
    %scan3A_23 = arith.constant 0 : i32
    %scan3A_24 = arith.constant 80 : i32
    %scan3A_25 = arith.addi %scan3A_23, %scan3A_24 : i32
    %scan3A_26 = arith.constant 1 : i32
    %scan3A_27 = scf.for %scan3A_37 = %scan3A_23 to %scan3A_25 step %scan3A_26 iter_args(%scan3A_38 = %scan3A_22) -> (i32)  : i32 {
      %dma_start3A = arith.constant 0 : i32
      %dma_start3A_39 = tpu.memref_slice %arg6[%scan3A_37, %dma_start3A] : memref<80x125xi32, #tpu.memory_space<vmem>> -> memref<1x125xi32, #tpu.memory_space<vmem>>
      %dma_start3A_40 = tpu.memref_squeeze %dma_start3A_39 : memref<1x125xi32, #tpu.memory_space<vmem>> -> memref<125xi32, #tpu.memory_space<vmem>>
      %dma_start3A_41 = arith.constant 0 : i32
      %dma_start3A_42 = arith.constant 0 : i32
      %dma_start3A_43 = tpu.memref_slice %arg2[%dma_start3A_41, %dma_start3A_42] : memref<10000x128xf32, #tpu.memory_space<hbm>> -> memref<10000x128xf32, #tpu.memory_space<hbm>>
      tpu.enqueue_indirect_dma source(%dma_start3A_43 : memref<10000x128xf32, #tpu.memory_space<hbm>>) target(%arg8 : memref<125x128xf32, #tpu.memory_space<vmem>>) offsets(%dma_start3A_40 : memref<125xi32, #tpu.memory_space<vmem>>) semaphore(%arg10 : memref<!tpu.dma_semaphore, #tpu.memory_space<semaphore_mem>>)
      %dma_wait3A = arith.constant 0 : i32
      %dma_wait3A_44 = tpu.memref_slice %arg6[%scan3A_37, %dma_wait3A] : memref<80x125xi32, #tpu.memory_space<vmem>> -> memref<1x125xi32, #tpu.memory_space<vmem>>
      %dma_wait3A_45 = tpu.memref_squeeze %dma_wait3A_44 : memref<1x125xi32, #tpu.memory_space<vmem>> -> memref<125xi32, #tpu.memory_space<vmem>>
      %dma_wait3A_46 = arith.constant 0 : i32
      %dma_wait3A_47 = arith.constant 0 : i32
      %dma_wait3A_48 = tpu.memref_slice %arg2[%dma_wait3A_46, %dma_wait3A_47] : memref<10000x128xf32, #tpu.memory_space<hbm>> -> memref<10000x128xf32, #tpu.memory_space<hbm>>
      tpu.wait_indirect_dma semaphore(%arg10 : memref<!tpu.dma_semaphore, #tpu.memory_space<semaphore_mem>>) src(%dma_wait3A_48 : memref<10000x128xf32, #tpu.memory_space<hbm>>) dst(%arg8 : memref<125x128xf32, #tpu.memory_space<vmem>>)
      "tpu.region"() ({
        %run_scoped3A = tpu.sem_alloc : memref<!tpu.dma_semaphore, #tpu.memory_space<semaphore_mem>>
        %dma_start3A_50 = arith.constant 0 : i32
        %dma_start3A_51 = tpu.memref_slice %arg7[%scan3A_37, %dma_start3A_50] : memref<80x125xi32, #tpu.memory_space<vmem>> -> memref<1x125xi32, #tpu.memory_space<vmem>>
        %dma_start3A_52 = tpu.memref_squeeze %dma_start3A_51 : memref<1x125xi32, #tpu.memory_space<vmem>> -> memref<125xi32, #tpu.memory_space<vmem>>
        %dma_start3A_53 = arith.constant 0 : i32
        %dma_start3A_54 = arith.constant 0 : i32
        %dma_start3A_55 = tpu.memref_slice %arg9[%dma_start3A_53, %dma_start3A_54] : memref<10000x128xf32, #tpu.memory_space<vmem_shared>> -> memref<10000x128xf32, #tpu.memory_space<vmem_shared>>
        tpu.enqueue_indirect_dma source(%arg8 : memref<125x128xf32, #tpu.memory_space<vmem>>) target(%dma_start3A_55 : memref<10000x128xf32, #tpu.memory_space<vmem_shared>>) offsets(%dma_start3A_52 : memref<125xi32, #tpu.memory_space<vmem>>) semaphore(%run_scoped3A : memref<!tpu.dma_semaphore, #tpu.memory_space<semaphore_mem>>) {add = true}
        %dma_wait3A_56 = arith.constant 0 : i32
        %dma_wait3A_57 = tpu.memref_slice %arg7[%scan3A_37, %dma_wait3A_56] : memref<80x125xi32, #tpu.memory_space<vmem>> -> memref<1x125xi32, #tpu.memory_space<vmem>>
        %dma_wait3A_58 = tpu.memref_squeeze %dma_wait3A_57 : memref<1x125xi32, #tpu.memory_space<vmem>> -> memref<125xi32, #tpu.memory_space<vmem>>
        %dma_wait3A_59 = arith.constant 0 : i32
        %dma_wait3A_60 = arith.constant 0 : i32
        %dma_wait3A_61 = tpu.memref_slice %arg9[%dma_wait3A_59, %dma_wait3A_60] : memref<10000x128xf32, #tpu.memory_space<vmem_shared>> -> memref<10000x128xf32, #tpu.memory_space<vmem_shared>>
        tpu.wait_indirect_dma semaphore(%run_scoped3A : memref<!tpu.dma_semaphore, #tpu.memory_space<semaphore_mem>>) src(%arg8 : memref<125x128xf32, #tpu.memory_space<vmem>>) dst(%dma_wait3A_61 : memref<10000x128xf32, #tpu.memory_space<vmem_shared>>)
        tpu.yield
      }) : () -> ()
      %scan3A_49 = arith.constant 0 : i32
      scf.yield %scan3A_49 : i32
    }
    %scan3A_28 = arith.constant 80 : i32
    %barrier3A_29 = arith.constant 0 : index
    tpu.barrier barrier_id(%barrier3A_29)
    %lt3A = arith.constant 15 : i32
    %lt3A_30 = arith.cmpi slt, %arg1, %lt3A : i32
    %convert_element_type3A = arith.extui %lt3A_30 : i1 to i32
    %cond3A = arith.constant 0 : i32
    %cond3A_31 = arith.cmpi ne, %convert_element_type3A, %cond3A : i32
    scf.if %cond3A_31 {
      "tpu.region"() ({
        %run_scoped3A = tpu.sem_alloc : memref<!tpu.dma_semaphore, #tpu.memory_space<semaphore_mem>>
        %dma_start3A = arith.constant 0 : i32
        %dma_start3A_37 = tpu.memref_slice %arg5[%arg0, %mul3A_8, %dma_start3A] : memref<2x10000x128xf32, #tpu.memory_space<hbm>> -> memref<1x640x128xf32, #tpu.memory_space<hbm>>
        %dma_start3A_38 = tpu.memref_squeeze %dma_start3A_37 : memref<1x640x128xf32, #tpu.memory_space<hbm>> -> memref<640x128xf32, #tpu.memory_space<hbm>>
        %dma_start3A_39 = arith.constant 0 : i32
        %dma_start3A_40 = tpu.memref_slice %arg9[%mul3A_8, %dma_start3A_39] : memref<10000x128xf32, #tpu.memory_space<vmem_shared>> -> memref<640x128xf32, #tpu.memory_space<vmem_shared>>
        tpu.enqueue_dma source(%dma_start3A_40 : memref<640x128xf32, #tpu.memory_space<vmem_shared>>) target(%dma_start3A_38 : memref<640x128xf32, #tpu.memory_space<hbm>>) target_semaphore(%run_scoped3A : memref<!tpu.dma_semaphore, #tpu.memory_space<semaphore_mem>>)
        %dma_wait3A = arith.constant 0 : i32
        %dma_wait3A_41 = tpu.memref_slice %arg5[%arg0, %mul3A_8, %dma_wait3A] : memref<2x10000x128xf32, #tpu.memory_space<hbm>> -> memref<1x640x128xf32, #tpu.memory_space<hbm>>
        %dma_wait3A_42 = tpu.memref_squeeze %dma_wait3A_41 : memref<1x640x128xf32, #tpu.memory_space<hbm>> -> memref<640x128xf32, #tpu.memory_space<hbm>>
        %dma_wait3A_43 = arith.constant 0 : i32
        %dma_wait3A_44 = tpu.memref_slice %arg9[%mul3A_8, %dma_wait3A_43] : memref<10000x128xf32, #tpu.memory_space<vmem_shared>> -> memref<640x128xf32, #tpu.memory_space<vmem_shared>>
        tpu.wait_dma2 semaphore(%run_scoped3A : memref<!tpu.dma_semaphore, #tpu.memory_space<semaphore_mem>>) src(%dma_wait3A_44 : memref<640x128xf32, #tpu.memory_space<vmem_shared>>) dst(%dma_wait3A_42 : memref<640x128xf32, #tpu.memory_space<hbm>>)
        tpu.yield
      }) : () -> ()
    } else {
    }
    %eq3A_32 = arith.constant 15 : i32
    %eq3A_33 = arith.cmpi eq, %arg1, %eq3A_32 : i32
    %convert_element_type3A_34 = arith.extui %eq3A_33 : i1 to i32
    %cond3A_35 = arith.constant 0 : i32
    %cond3A_36 = arith.cmpi ne, %convert_element_type3A_34, %cond3A_35 : i32
    scf.if %cond3A_36 {
      "tpu.region"() ({
        %run_scoped3A = tpu.sem_alloc : memref<!tpu.dma_semaphore, #tpu.memory_space<semaphore_mem>>
        %dma_start3A = arith.constant 0 : i32
        %dma_start3A_37 = tpu.memref_slice %arg5[%arg0, %mul3A_8, %dma_start3A] : memref<2x10000x128xf32, #tpu.memory_space<hbm>> -> memref<1x400x128xf32, #tpu.memory_space<hbm>>
        %dma_start3A_38 = tpu.memref_squeeze %dma_start3A_37 : memref<1x400x128xf32, #tpu.memory_space<hbm>> -> memref<400x128xf32, #tpu.memory_space<hbm>>
        %dma_start3A_39 = arith.constant 0 : i32
        %dma_start3A_40 = tpu.memref_slice %arg9[%mul3A_8, %dma_start3A_39] : memref<10000x128xf32, #tpu.memory_space<vmem_shared>> -> memref<400x128xf32, #tpu.memory_space<vmem_shared>>
        tpu.enqueue_dma source(%dma_start3A_40 : memref<400x128xf32, #tpu.memory_space<vmem_shared>>) target(%dma_start3A_38 : memref<400x128xf32, #tpu.memory_space<hbm>>) target_semaphore(%run_scoped3A : memref<!tpu.dma_semaphore, #tpu.memory_space<semaphore_mem>>)
        %dma_wait3A = arith.constant 0 : i32
        %dma_wait3A_41 = tpu.memref_slice %arg5[%arg0, %mul3A_8, %dma_wait3A] : memref<2x10000x128xf32, #tpu.memory_space<hbm>> -> memref<1x400x128xf32, #tpu.memory_space<hbm>>
        %dma_wait3A_42 = tpu.memref_squeeze %dma_wait3A_41 : memref<1x400x128xf32, #tpu.memory_space<hbm>> -> memref<400x128xf32, #tpu.memory_space<hbm>>
        %dma_wait3A_43 = arith.constant 0 : i32
        %dma_wait3A_44 = tpu.memref_slice %arg9[%mul3A_8, %dma_wait3A_43] : memref<10000x128xf32, #tpu.memory_space<vmem_shared>> -> memref<400x128xf32, #tpu.memory_space<vmem_shared>>
        tpu.wait_dma2 semaphore(%run_scoped3A : memref<!tpu.dma_semaphore, #tpu.memory_space<semaphore_mem>>) src(%dma_wait3A_44 : memref<400x128xf32, #tpu.memory_space<vmem_shared>>) dst(%dma_wait3A_42 : memref<400x128xf32, #tpu.memory_space<hbm>>)
        tpu.yield
      }) : () -> ()
    } else {
    }
    return
  }
}

#map = affine_map<(d0, d1) -> (0, 0)>
#map1 = affine_map<(d0, d1) -> (0, 0, 0)>
module attributes {stable_mosaic.version = 14 : i64} {
  func.func @_sc_agg_body(%arg0: i32, %arg1: i32, %arg2: memref<10000x128xf32, #tpu.memory_space<hbm>>, %arg3: memref<32x80x125xi32, #tpu.memory_space<hbm>>, %arg4: memref<32x80x125xi32, #tpu.memory_space<hbm>>, %arg5: memref<2x10000x128xf32, #tpu.memory_space<hbm>>, %arg6: memref<80x125xi32, #tpu.memory_space<vmem>>, %arg7: memref<80x125xi32, #tpu.memory_space<vmem>>, %arg8: memref<125x128xf32, #tpu.memory_space<vmem>>, %arg9: memref<10000x128xf32, #tpu.memory_space<vmem_shared>>, %arg10: memref<!tpu.dma_semaphore, #tpu.memory_space<semaphore_mem>>) attributes {dimension_semantics = [#tpu.dimension_semantics<core_parallel>, #tpu.dimension_semantics<subcore_parallel>], iteration_bounds = array<i64: 2, 16>, scalar_prefetch = 0 : i64, scratch_operands = 5 : i64, tpu.core_type = #tpu.core_type<sc_vector_subcore>, window_params = [{transform_indices = #map}, {transform_indices = #map1}, {transform_indices = #map1}, {transform_indices = #map1}]} {
    %mul3A = arith.constant 16 : i32
    %mul3A_0 = arith.muli %arg0, %mul3A : i32
    %add3A = arith.addi %mul3A_0, %arg1 : i32
    %scan3A = arith.constant 0 : i32
    %scan3A_1 = arith.constant 0 : i32
    %scan3A_2 = arith.constant 80 : i32
    %scan3A_3 = arith.addi %scan3A_1, %scan3A_2 : i32
    %scan3A_4 = arith.constant 1 : i32
    %scan3A_5 = scf.for %scan3A_37 = %scan3A_1 to %scan3A_3 step %scan3A_4 iter_args(%scan3A_38 = %scan3A) -> (i32)  : i32 {
      %broadcast_in_dim3A = arith.constant 0.000000e+00 : f32
      %broadcast_in_dim3A_39 = vector.broadcast %broadcast_in_dim3A : f32 to vector<16xf32>
      %swap3A = arith.index_cast %scan3A_37 : i32 to index
      %swap3A_40 = arith.constant 0 : index
      %swap3A_41 = tpu.vector_load %arg8[%swap3A, %swap3A_40] {strides = array<i32>} : memref<125x128xf32, #tpu.memory_space<vmem>>, vector<1x16xf32>,
      %swap3A_42 = vector.shape_cast %swap3A_41 : vector<1x16xf32> to vector<16xf32>
      %swap3A_43 = vector.shape_cast %broadcast_in_dim3A_39 : vector<16xf32> to vector<1x16xf32>
      tpu.vector_store %arg8[%swap3A, %swap3A_40], %swap3A_43 {strides = array<i32>} : memref<125x128xf32, #tpu.memory_space<vmem>>, vector<1x16xf32>,
      %broadcast_in_dim3A_44 = arith.constant 0.000000e+00 : f32
      %broadcast_in_dim3A_45 = vector.broadcast %broadcast_in_dim3A_44 : f32 to vector<16xf32>
      %swap3A_46 = arith.index_cast %scan3A_37 : i32 to index
      %swap3A_47 = arith.constant 16 : index
      %swap3A_48 = tpu.vector_load %arg8[%swap3A_46, %swap3A_47] {strides = array<i32>} : memref<125x128xf32, #tpu.memory_space<vmem>>, vector<1x16xf32>,
      %swap3A_49 = vector.shape_cast %swap3A_48 : vector<1x16xf32> to vector<16xf32>
      %swap3A_50 = vector.shape_cast %broadcast_in_dim3A_45 : vector<16xf32> to vector<1x16xf32>
      tpu.vector_store %arg8[%swap3A_46, %swap3A_47], %swap3A_50 {strides = array<i32>} : memref<125x128xf32, #tpu.memory_space<vmem>>, vector<1x16xf32>,
      %broadcast_in_dim3A_51 = arith.constant 0.000000e+00 : f32
      %broadcast_in_dim3A_52 = vector.broadcast %broadcast_in_dim3A_51 : f32 to vector<16xf32>
      %swap3A_53 = arith.index_cast %scan3A_37 : i32 to index
      %swap3A_54 = arith.constant 32 : index
      %swap3A_55 = tpu.vector_load %arg8[%swap3A_53, %swap3A_54] {strides = array<i32>} : memref<125x128xf32, #tpu.memory_space<vmem>>, vector<1x16xf32>,
      %swap3A_56 = vector.shape_cast %swap3A_55 : vector<1x16xf32> to vector<16xf32>
      %swap3A_57 = vector.shape_cast %broadcast_in_dim3A_52 : vector<16xf32> to vector<1x16xf32>
      tpu.vector_store %arg8[%swap3A_53, %swap3A_54], %swap3A_57 {strides = array<i32>} : memref<125x128xf32, #tpu.memory_space<vmem>>, vector<1x16xf32>,
      %broadcast_in_dim3A_58 = arith.constant 0.000000e+00 : f32
      %broadcast_in_dim3A_59 = vector.broadcast %broadcast_in_dim3A_58 : f32 to vector<16xf32>
      %swap3A_60 = arith.index_cast %scan3A_37 : i32 to index
      %swap3A_61 = arith.constant 48 : index
      %swap3A_62 = tpu.vector_load %arg8[%swap3A_60, %swap3A_61] {strides = array<i32>} : memref<125x128xf32, #tpu.memory_space<vmem>>, vector<1x16xf32>,
      %swap3A_63 = vector.shape_cast %swap3A_62 : vector<1x16xf32> to vector<16xf32>
      %swap3A_64 = vector.shape_cast %broadcast_in_dim3A_59 : vector<16xf32> to vector<1x16xf32>
      tpu.vector_store %arg8[%swap3A_60, %swap3A_61], %swap3A_64 {strides = array<i32>} : memref<125x128xf32, #tpu.memory_space<vmem>>, vector<1x16xf32>,
      %broadcast_in_dim3A_65 = arith.constant 0.000000e+00 : f32
      %broadcast_in_dim3A_66 = vector.broadcast %broadcast_in_dim3A_65 : f32 to vector<16xf32>
      %swap3A_67 = arith.index_cast %scan3A_37 : i32 to index
      %swap3A_68 = arith.constant 64 : index
      %swap3A_69 = tpu.vector_load %arg8[%swap3A_67, %swap3A_68] {strides = array<i32>} : memref<125x128xf32, #tpu.memory_space<vmem>>, vector<1x16xf32>,
      %swap3A_70 = vector.shape_cast %swap3A_69 : vector<1x16xf32> to vector<16xf32>
      %swap3A_71 = vector.shape_cast %broadcast_in_dim3A_66 : vector<16xf32> to vector<1x16xf32>
      tpu.vector_store %arg8[%swap3A_67, %swap3A_68], %swap3A_71 {strides = array<i32>} : memref<125x128xf32, #tpu.memory_space<vmem>>, vector<1x16xf32>,
      %broadcast_in_dim3A_72 = arith.constant 0.000000e+00 : f32
      %broadcast_in_dim3A_73 = vector.broadcast %broadcast_in_dim3A_72 : f32 to vector<16xf32>
      %swap3A_74 = arith.index_cast %scan3A_37 : i32 to index
      %swap3A_75 = arith.constant 80 : index
      %swap3A_76 = tpu.vector_load %arg8[%swap3A_74, %swap3A_75] {strides = array<i32>} : memref<125x128xf32, #tpu.memory_space<vmem>>, vector<1x16xf32>,
      %swap3A_77 = vector.shape_cast %swap3A_76 : vector<1x16xf32> to vector<16xf32>
      %swap3A_78 = vector.shape_cast %broadcast_in_dim3A_73 : vector<16xf32> to vector<1x16xf32>
      tpu.vector_store %arg8[%swap3A_74, %swap3A_75], %swap3A_78 {strides = array<i32>} : memref<125x128xf32, #tpu.memory_space<vmem>>, vector<1x16xf32>,
      %broadcast_in_dim3A_79 = arith.constant 0.000000e+00 : f32
      %broadcast_in_dim3A_80 = vector.broadcast %broadcast_in_dim3A_79 : f32 to vector<16xf32>
      %swap3A_81 = arith.index_cast %scan3A_37 : i32 to index
      %swap3A_82 = arith.constant 96 : index
      %swap3A_83 = tpu.vector_load %arg8[%swap3A_81, %swap3A_82] {strides = array<i32>} : memref<125x128xf32, #tpu.memory_space<vmem>>, vector<1x16xf32>,
      %swap3A_84 = vector.shape_cast %swap3A_83 : vector<1x16xf32> to vector<16xf32>
      %swap3A_85 = vector.shape_cast %broadcast_in_dim3A_80 : vector<16xf32> to vector<1x16xf32>
      tpu.vector_store %arg8[%swap3A_81, %swap3A_82], %swap3A_85 {strides = array<i32>} : memref<125x128xf32, #tpu.memory_space<vmem>>, vector<1x16xf32>,
      %broadcast_in_dim3A_86 = arith.constant 0.000000e+00 : f32
      %broadcast_in_dim3A_87 = vector.broadcast %broadcast_in_dim3A_86 : f32 to vector<16xf32>
      %swap3A_88 = arith.index_cast %scan3A_37 : i32 to index
      %swap3A_89 = arith.constant 112 : index
      %swap3A_90 = tpu.vector_load %arg8[%swap3A_88, %swap3A_89] {strides = array<i32>} : memref<125x128xf32, #tpu.memory_space<vmem>>, vector<1x16xf32>,
      %swap3A_91 = vector.shape_cast %swap3A_90 : vector<1x16xf32> to vector<16xf32>
      %swap3A_92 = vector.shape_cast %broadcast_in_dim3A_87 : vector<16xf32> to vector<1x16xf32>
      tpu.vector_store %arg8[%swap3A_88, %swap3A_89], %swap3A_92 {strides = array<i32>} : memref<125x128xf32, #tpu.memory_space<vmem>>, vector<1x16xf32>,
      %scan3A_93 = arith.constant 0 : i32
      scf.yield %scan3A_93 : i32
    }
    %scan3A_6 = arith.constant 80 : i32
    %mul3A_7 = arith.constant 640 : i32
    %mul3A_8 = arith.muli %arg1, %mul3A_7 : i32
    %eq3A = arith.constant 15 : i32
    %eq3A_9 = arith.cmpi eq, %arg1, %eq3A : i32
    %jit3A = arith.constant 5 : i32
    %jit3A_10 = arith.constant 8 : i32
    %select_n3A = arith.select %eq3A_9, %jit3A, %jit3A_10 : i32
    %while3A = arith.constant 0 : i32
    %while3A_11 = arith.constant 0 : i32
    %while3A_12 = arith.subi %select_n3A, %while3A : i32
    %while3A_13 = arith.addi %while3A, %while3A_12 : i32
    %while3A_14 = arith.constant 1 : i32
    %while3A_15 = arith.divsi %while3A_12, %while3A_14 : i32
    %while3A_16 = arith.muli %while3A_15, %while3A_14 : i32
    %while3A_17 = arith.addi %while3A, %while3A_16 : i32
    %while3A_18 = arith.constant 1 : i32
    %while3A_19 = scf.for %while3A_37 = %while3A to %while3A_17 step %while3A_18 iter_args(%while3A_38 = %while3A_11) -> (i32)  : i32 {
      %mul3A_39 = arith.constant 80 : i32
      %mul3A_40 = arith.muli %while3A_37, %mul3A_39 : i32
      %add3A_41 = arith.addi %mul3A_8, %mul3A_40 : i32
      "tpu.region"() ({
        %run_scoped3A = tpu.sem_alloc : memref<!tpu.dma_semaphore, #tpu.memory_space<semaphore_mem>>
        %dma_start3A = arith.constant 0 : i32
        %dma_start3A_43 = arith.constant 0 : i32
        %dma_start3A_44 = tpu.memref_slice %arg8[%dma_start3A, %dma_start3A_43] : memref<125x128xf32, #tpu.memory_space<vmem>> -> memref<80x128xf32, #tpu.memory_space<vmem>>
        %dma_start3A_45 = arith.constant 0 : i32
        %dma_start3A_46 = tpu.memref_slice %arg9[%add3A_41, %dma_start3A_45] : memref<10000x128xf32, #tpu.memory_space<vmem_shared>> -> memref<80x128xf32, #tpu.memory_space<vmem_shared>>
        %dma_start3A_47 = arith.constant 0 : i32
        %dma_start3A_48 = tpu.memref_slice %arg9[%add3A_41, %dma_start3A_47] : memref<10000x128xf32, #tpu.memory_space<vmem_shared>> -> memref<80x128xf32, #tpu.memory_space<vmem_shared>>
        %dma_start3A_49 = arith.constant 0 : i32
        %dma_start3A_50 = arith.constant 0 : i32
        %dma_start3A_51 = tpu.memref_slice %arg8[%dma_start3A_49, %dma_start3A_50] : memref<125x128xf32, #tpu.memory_space<vmem>> -> memref<80x128xf32, #tpu.memory_space<vmem>>
        tpu.enqueue_dma source(%dma_start3A_51 : memref<80x128xf32, #tpu.memory_space<vmem>>) target(%dma_start3A_48 : memref<80x128xf32, #tpu.memory_space<vmem_shared>>) target_semaphore(%run_scoped3A : memref<!tpu.dma_semaphore, #tpu.memory_space<semaphore_mem>>)
        %dma_wait3A = arith.constant 0 : i32
        %dma_wait3A_52 = arith.constant 0 : i32
        %dma_wait3A_53 = tpu.memref_slice %arg8[%dma_wait3A, %dma_wait3A_52] : memref<125x128xf32, #tpu.memory_space<vmem>> -> memref<80x128xf32, #tpu.memory_space<vmem>>
        %dma_wait3A_54 = arith.constant 0 : i32
        %dma_wait3A_55 = tpu.memref_slice %arg9[%add3A_41, %dma_wait3A_54] : memref<10000x128xf32, #tpu.memory_space<vmem_shared>> -> memref<80x128xf32, #tpu.memory_space<vmem_shared>>
        %dma_wait3A_56 = arith.constant 0 : i32
        %dma_wait3A_57 = tpu.memref_slice %arg9[%add3A_41, %dma_wait3A_56] : memref<10000x128xf32, #tpu.memory_space<vmem_shared>> -> memref<80x128xf32, #tpu.memory_space<vmem_shared>>
        %dma_wait3A_58 = arith.constant 0 : i32
        %dma_wait3A_59 = arith.constant 0 : i32
        %dma_wait3A_60 = tpu.memref_slice %arg8[%dma_wait3A_58, %dma_wait3A_59] : memref<125x128xf32, #tpu.memory_space<vmem>> -> memref<80x128xf32, #tpu.memory_space<vmem>>
        tpu.wait_dma2 semaphore(%run_scoped3A : memref<!tpu.dma_semaphore, #tpu.memory_space<semaphore_mem>>) src(%dma_wait3A_60 : memref<80x128xf32, #tpu.memory_space<vmem>>) dst(%dma_wait3A_57 : memref<80x128xf32, #tpu.memory_space<vmem_shared>>)
        tpu.yield
      }) : () -> ()
      %while3A_42 = arith.constant 0 : i32
      scf.yield %while3A_42 : i32
    }
    %while3A_20 = arith.constant 1 : i32
    %while3A_21 = scf.for %while3A_37 = %while3A_17 to %while3A_13 step %while3A_20 iter_args(%while3A_38 = %while3A_19) -> (i32)  : i32 {
      %mul3A_39 = arith.constant 80 : i32
      %mul3A_40 = arith.muli %while3A_37, %mul3A_39 : i32
      %add3A_41 = arith.addi %mul3A_8, %mul3A_40 : i32
      "tpu.region"() ({
        %run_scoped3A = tpu.sem_alloc : memref<!tpu.dma_semaphore, #tpu.memory_space<semaphore_mem>>
        %dma_start3A = arith.constant 0 : i32
        %dma_start3A_43 = arith.constant 0 : i32
        %dma_start3A_44 = tpu.memref_slice %arg8[%dma_start3A, %dma_start3A_43] : memref<125x128xf32, #tpu.memory_space<vmem>> -> memref<80x128xf32, #tpu.memory_space<vmem>>
        %dma_start3A_45 = arith.constant 0 : i32
        %dma_start3A_46 = tpu.memref_slice %arg9[%add3A_41, %dma_start3A_45] : memref<10000x128xf32, #tpu.memory_space<vmem_shared>> -> memref<80x128xf32, #tpu.memory_space<vmem_shared>>
        %dma_start3A_47 = arith.constant 0 : i32
        %dma_start3A_48 = tpu.memref_slice %arg9[%add3A_41, %dma_start3A_47] : memref<10000x128xf32, #tpu.memory_space<vmem_shared>> -> memref<80x128xf32, #tpu.memory_space<vmem_shared>>
        %dma_start3A_49 = arith.constant 0 : i32
        %dma_start3A_50 = arith.constant 0 : i32
        %dma_start3A_51 = tpu.memref_slice %arg8[%dma_start3A_49, %dma_start3A_50] : memref<125x128xf32, #tpu.memory_space<vmem>> -> memref<80x128xf32, #tpu.memory_space<vmem>>
        tpu.enqueue_dma source(%dma_start3A_51 : memref<80x128xf32, #tpu.memory_space<vmem>>) target(%dma_start3A_48 : memref<80x128xf32, #tpu.memory_space<vmem_shared>>) target_semaphore(%run_scoped3A : memref<!tpu.dma_semaphore, #tpu.memory_space<semaphore_mem>>)
        %dma_wait3A = arith.constant 0 : i32
        %dma_wait3A_52 = arith.constant 0 : i32
        %dma_wait3A_53 = tpu.memref_slice %arg8[%dma_wait3A, %dma_wait3A_52] : memref<125x128xf32, #tpu.memory_space<vmem>> -> memref<80x128xf32, #tpu.memory_space<vmem>>
        %dma_wait3A_54 = arith.constant 0 : i32
        %dma_wait3A_55 = tpu.memref_slice %arg9[%add3A_41, %dma_wait3A_54] : memref<10000x128xf32, #tpu.memory_space<vmem_shared>> -> memref<80x128xf32, #tpu.memory_space<vmem_shared>>
        %dma_wait3A_56 = arith.constant 0 : i32
        %dma_wait3A_57 = tpu.memref_slice %arg9[%add3A_41, %dma_wait3A_56] : memref<10000x128xf32, #tpu.memory_space<vmem_shared>> -> memref<80x128xf32, #tpu.memory_space<vmem_shared>>
        %dma_wait3A_58 = arith.constant 0 : i32
        %dma_wait3A_59 = arith.constant 0 : i32
        %dma_wait3A_60 = tpu.memref_slice %arg8[%dma_wait3A_58, %dma_wait3A_59] : memref<125x128xf32, #tpu.memory_space<vmem>> -> memref<80x128xf32, #tpu.memory_space<vmem>>
        tpu.wait_dma2 semaphore(%run_scoped3A : memref<!tpu.dma_semaphore, #tpu.memory_space<semaphore_mem>>) src(%dma_wait3A_60 : memref<80x128xf32, #tpu.memory_space<vmem>>) dst(%dma_wait3A_57 : memref<80x128xf32, #tpu.memory_space<vmem_shared>>)
        tpu.yield
      }) : () -> ()
      %while3A_42 = arith.constant 0 : i32
      scf.yield %while3A_42 : i32
    }
    %barrier3A = arith.constant 0 : index
    tpu.barrier barrier_id(%barrier3A)
    "tpu.region"() ({
      %run_scoped3A = tpu.sem_alloc : memref<!tpu.dma_semaphore, #tpu.memory_space<semaphore_mem>>
      %dma_start3A = arith.constant 0 : i32
      %dma_start3A_37 = arith.constant 0 : i32
      %dma_start3A_38 = tpu.memref_slice %arg3[%add3A, %dma_start3A, %dma_start3A_37] : memref<32x80x125xi32, #tpu.memory_space<hbm>> -> memref<1x80x125xi32, #tpu.memory_space<hbm>>
      %dma_start3A_39 = tpu.memref_squeeze %dma_start3A_38 : memref<1x80x125xi32, #tpu.memory_space<hbm>> -> memref<80x125xi32, #tpu.memory_space<hbm>>
      %dma_start3A_40 = arith.constant 0 : i32
      %dma_start3A_41 = arith.constant 0 : i32
      %dma_start3A_42 = tpu.memref_slice %arg3[%add3A, %dma_start3A_40, %dma_start3A_41] : memref<32x80x125xi32, #tpu.memory_space<hbm>> -> memref<1x80x125xi32, #tpu.memory_space<hbm>>
      %dma_start3A_43 = tpu.memref_squeeze %dma_start3A_42 : memref<1x80x125xi32, #tpu.memory_space<hbm>> -> memref<80x125xi32, #tpu.memory_space<hbm>>
      tpu.enqueue_dma source(%dma_start3A_43 : memref<80x125xi32, #tpu.memory_space<hbm>>) target(%arg6 : memref<80x125xi32, #tpu.memory_space<vmem>>) target_semaphore(%run_scoped3A : memref<!tpu.dma_semaphore, #tpu.memory_space<semaphore_mem>>)
      %dma_wait3A = arith.constant 0 : i32
      %dma_wait3A_44 = arith.constant 0 : i32
      %dma_wait3A_45 = tpu.memref_slice %arg3[%add3A, %dma_wait3A, %dma_wait3A_44] : memref<32x80x125xi32, #tpu.memory_space<hbm>> -> memref<1x80x125xi32, #tpu.memory_space<hbm>>
      %dma_wait3A_46 = tpu.memref_squeeze %dma_wait3A_45 : memref<1x80x125xi32, #tpu.memory_space<hbm>> -> memref<80x125xi32, #tpu.memory_space<hbm>>
      %dma_wait3A_47 = arith.constant 0 : i32
      %dma_wait3A_48 = arith.constant 0 : i32
      %dma_wait3A_49 = tpu.memref_slice %arg3[%add3A, %dma_wait3A_47, %dma_wait3A_48] : memref<32x80x125xi32, #tpu.memory_space<hbm>> -> memref<1x80x125xi32, #tpu.memory_space<hbm>>
      %dma_wait3A_50 = tpu.memref_squeeze %dma_wait3A_49 : memref<1x80x125xi32, #tpu.memory_space<hbm>> -> memref<80x125xi32, #tpu.memory_space<hbm>>
      tpu.wait_dma2 semaphore(%run_scoped3A : memref<!tpu.dma_semaphore, #tpu.memory_space<semaphore_mem>>) src(%dma_wait3A_50 : memref<80x125xi32, #tpu.memory_space<hbm>>) dst(%arg6 : memref<80x125xi32, #tpu.memory_space<vmem>>)
      tpu.yield
    }) : () -> ()
    "tpu.region"() ({
      %run_scoped3A = tpu.sem_alloc : memref<!tpu.dma_semaphore, #tpu.memory_space<semaphore_mem>>
      %dma_start3A = arith.constant 0 : i32
      %dma_start3A_37 = arith.constant 0 : i32
      %dma_start3A_38 = tpu.memref_slice %arg4[%add3A, %dma_start3A, %dma_start3A_37] : memref<32x80x125xi32, #tpu.memory_space<hbm>> -> memref<1x80x125xi32, #tpu.memory_space<hbm>>
      %dma_start3A_39 = tpu.memref_squeeze %dma_start3A_38 : memref<1x80x125xi32, #tpu.memory_space<hbm>> -> memref<80x125xi32, #tpu.memory_space<hbm>>
      %dma_start3A_40 = arith.constant 0 : i32
      %dma_start3A_41 = arith.constant 0 : i32
      %dma_start3A_42 = tpu.memref_slice %arg4[%add3A, %dma_start3A_40, %dma_start3A_41] : memref<32x80x125xi32, #tpu.memory_space<hbm>> -> memref<1x80x125xi32, #tpu.memory_space<hbm>>
      %dma_start3A_43 = tpu.memref_squeeze %dma_start3A_42 : memref<1x80x125xi32, #tpu.memory_space<hbm>> -> memref<80x125xi32, #tpu.memory_space<hbm>>
      tpu.enqueue_dma source(%dma_start3A_43 : memref<80x125xi32, #tpu.memory_space<hbm>>) target(%arg7 : memref<80x125xi32, #tpu.memory_space<vmem>>) target_semaphore(%run_scoped3A : memref<!tpu.dma_semaphore, #tpu.memory_space<semaphore_mem>>)
      %dma_wait3A = arith.constant 0 : i32
      %dma_wait3A_44 = arith.constant 0 : i32
      %dma_wait3A_45 = tpu.memref_slice %arg4[%add3A, %dma_wait3A, %dma_wait3A_44] : memref<32x80x125xi32, #tpu.memory_space<hbm>> -> memref<1x80x125xi32, #tpu.memory_space<hbm>>
      %dma_wait3A_46 = tpu.memref_squeeze %dma_wait3A_45 : memref<1x80x125xi32, #tpu.memory_space<hbm>> -> memref<80x125xi32, #tpu.memory_space<hbm>>
      %dma_wait3A_47 = arith.constant 0 : i32
      %dma_wait3A_48 = arith.constant 0 : i32
      %dma_wait3A_49 = tpu.memref_slice %arg4[%add3A, %dma_wait3A_47, %dma_wait3A_48] : memref<32x80x125xi32, #tpu.memory_space<hbm>> -> memref<1x80x125xi32, #tpu.memory_space<hbm>>
      %dma_wait3A_50 = tpu.memref_squeeze %dma_wait3A_49 : memref<1x80x125xi32, #tpu.memory_space<hbm>> -> memref<80x125xi32, #tpu.memory_space<hbm>>
      tpu.wait_dma2 semaphore(%run_scoped3A : memref<!tpu.dma_semaphore, #tpu.memory_space<semaphore_mem>>) src(%dma_wait3A_50 : memref<80x125xi32, #tpu.memory_space<hbm>>) dst(%arg7 : memref<80x125xi32, #tpu.memory_space<vmem>>)
      tpu.yield
    }) : () -> ()
    %scan3A_22 = arith.constant 0 : i32
    %scan3A_23 = arith.constant 0 : i32
    %scan3A_24 = arith.constant 80 : i32
    %scan3A_25 = arith.addi %scan3A_23, %scan3A_24 : i32
    %scan3A_26 = arith.constant 1 : i32
    %scan3A_27 = scf.for %scan3A_37 = %scan3A_23 to %scan3A_25 step %scan3A_26 iter_args(%scan3A_38 = %scan3A_22) -> (i32)  : i32 {
      %dma_start3A = arith.constant 0 : i32
      %dma_start3A_39 = tpu.memref_slice %arg6[%scan3A_37, %dma_start3A] : memref<80x125xi32, #tpu.memory_space<vmem>> -> memref<1x125xi32, #tpu.memory_space<vmem>>
      %dma_start3A_40 = tpu.memref_squeeze %dma_start3A_39 : memref<1x125xi32, #tpu.memory_space<vmem>> -> memref<125xi32, #tpu.memory_space<vmem>>
      %dma_start3A_41 = arith.constant 0 : i32
      %dma_start3A_42 = arith.constant 0 : i32
      %dma_start3A_43 = tpu.memref_slice %arg2[%dma_start3A_41, %dma_start3A_42] : memref<10000x128xf32, #tpu.memory_space<hbm>> -> memref<10000x128xf32, #tpu.memory_space<hbm>>
      tpu.enqueue_indirect_dma source(%dma_start3A_43 : memref<10000x128xf32, #tpu.memory_space<hbm>>) target(%arg8 : memref<125x128xf32, #tpu.memory_space<vmem>>) offsets(%dma_start3A_40 : memref<125xi32, #tpu.memory_space<vmem>>) semaphore(%arg10 : memref<!tpu.dma_semaphore, #tpu.memory_space<semaphore_mem>>)
      %dma_wait3A = arith.constant 0 : i32
      %dma_wait3A_44 = tpu.memref_slice %arg6[%scan3A_37, %dma_wait3A] : memref<80x125xi32, #tpu.memory_space<vmem>> -> memref<1x125xi32, #tpu.memory_space<vmem>>
      %dma_wait3A_45 = tpu.memref_squeeze %dma_wait3A_44 : memref<1x125xi32, #tpu.memory_space<vmem>> -> memref<125xi32, #tpu.memory_space<vmem>>
      %dma_wait3A_46 = arith.constant 0 : i32
      %dma_wait3A_47 = arith.constant 0 : i32
      %dma_wait3A_48 = tpu.memref_slice %arg2[%dma_wait3A_46, %dma_wait3A_47] : memref<10000x128xf32, #tpu.memory_space<hbm>> -> memref<10000x128xf32, #tpu.memory_space<hbm>>
      tpu.wait_indirect_dma semaphore(%arg10 : memref<!tpu.dma_semaphore, #tpu.memory_space<semaphore_mem>>) src(%dma_wait3A_48 : memref<10000x128xf32, #tpu.memory_space<hbm>>) dst(%arg8 : memref<125x128xf32, #tpu.memory_space<vmem>>)
      "tpu.region"() ({
        %run_scoped3A = tpu.sem_alloc : memref<!tpu.dma_semaphore, #tpu.memory_space<semaphore_mem>>
        %dma_start3A_50 = arith.constant 0 : i32
        %dma_start3A_51 = tpu.memref_slice %arg7[%scan3A_37, %dma_start3A_50] : memref<80x125xi32, #tpu.memory_space<vmem>> -> memref<1x125xi32, #tpu.memory_space<vmem>>
        %dma_start3A_52 = tpu.memref_squeeze %dma_start3A_51 : memref<1x125xi32, #tpu.memory_space<vmem>> -> memref<125xi32, #tpu.memory_space<vmem>>
        %dma_start3A_53 = arith.constant 0 : i32
        %dma_start3A_54 = arith.constant 0 : i32
        %dma_start3A_55 = tpu.memref_slice %arg9[%dma_start3A_53, %dma_start3A_54] : memref<10000x128xf32, #tpu.memory_space<vmem_shared>> -> memref<10000x128xf32, #tpu.memory_space<vmem_shared>>
        tpu.enqueue_indirect_dma source(%arg8 : memref<125x128xf32, #tpu.memory_space<vmem>>) target(%dma_start3A_55 : memref<10000x128xf32, #tpu.memory_space<vmem_shared>>) offsets(%dma_start3A_52 : memref<125xi32, #tpu.memory_space<vmem>>) semaphore(%run_scoped3A : memref<!tpu.dma_semaphore, #tpu.memory_space<semaphore_mem>>) {add = true}
        %dma_wait3A_56 = arith.constant 0 : i32
        %dma_wait3A_57 = tpu.memref_slice %arg7[%scan3A_37, %dma_wait3A_56] : memref<80x125xi32, #tpu.memory_space<vmem>> -> memref<1x125xi32, #tpu.memory_space<vmem>>
        %dma_wait3A_58 = tpu.memref_squeeze %dma_wait3A_57 : memref<1x125xi32, #tpu.memory_space<vmem>> -> memref<125xi32, #tpu.memory_space<vmem>>
        %dma_wait3A_59 = arith.constant 0 : i32
        %dma_wait3A_60 = arith.constant 0 : i32
        %dma_wait3A_61 = tpu.memref_slice %arg9[%dma_wait3A_59, %dma_wait3A_60] : memref<10000x128xf32, #tpu.memory_space<vmem_shared>> -> memref<10000x128xf32, #tpu.memory_space<vmem_shared>>
        tpu.wait_indirect_dma semaphore(%run_scoped3A : memref<!tpu.dma_semaphore, #tpu.memory_space<semaphore_mem>>) src(%arg8 : memref<125x128xf32, #tpu.memory_space<vmem>>) dst(%dma_wait3A_61 : memref<10000x128xf32, #tpu.memory_space<vmem_shared>>)
        tpu.yield
      }) : () -> ()
      %scan3A_49 = arith.constant 0 : i32
      scf.yield %scan3A_49 : i32
    }
    %scan3A_28 = arith.constant 80 : i32
    %barrier3A_29 = arith.constant 0 : index
    tpu.barrier barrier_id(%barrier3A_29)
    %lt3A = arith.constant 15 : i32
    %lt3A_30 = arith.cmpi slt, %arg1, %lt3A : i32
    %convert_element_type3A = arith.extui %lt3A_30 : i1 to i32
    %cond3A = arith.constant 0 : i32
    %cond3A_31 = arith.cmpi ne, %convert_element_type3A, %cond3A : i32
    scf.if %cond3A_31 {
      "tpu.region"() ({
        %run_scoped3A = tpu.sem_alloc : memref<!tpu.dma_semaphore, #tpu.memory_space<semaphore_mem>>
        %dma_start3A = arith.constant 0 : i32
        %dma_start3A_37 = tpu.memref_slice %arg5[%arg0, %mul3A_8, %dma_start3A] : memref<2x10000x128xf32, #tpu.memory_space<hbm>> -> memref<1x640x128xf32, #tpu.memory_space<hbm>>
        %dma_start3A_38 = tpu.memref_squeeze %dma_start3A_37 : memref<1x640x128xf32, #tpu.memory_space<hbm>> -> memref<640x128xf32, #tpu.memory_space<hbm>>
        %dma_start3A_39 = arith.constant 0 : i32
        %dma_start3A_40 = tpu.memref_slice %arg9[%mul3A_8, %dma_start3A_39] : memref<10000x128xf32, #tpu.memory_space<vmem_shared>> -> memref<640x128xf32, #tpu.memory_space<vmem_shared>>
        tpu.enqueue_dma source(%dma_start3A_40 : memref<640x128xf32, #tpu.memory_space<vmem_shared>>) target(%dma_start3A_38 : memref<640x128xf32, #tpu.memory_space<hbm>>) target_semaphore(%run_scoped3A : memref<!tpu.dma_semaphore, #tpu.memory_space<semaphore_mem>>)
        %dma_wait3A = arith.constant 0 : i32
        %dma_wait3A_41 = tpu.memref_slice %arg5[%arg0, %mul3A_8, %dma_wait3A] : memref<2x10000x128xf32, #tpu.memory_space<hbm>> -> memref<1x640x128xf32, #tpu.memory_space<hbm>>
        %dma_wait3A_42 = tpu.memref_squeeze %dma_wait3A_41 : memref<1x640x128xf32, #tpu.memory_space<hbm>> -> memref<640x128xf32, #tpu.memory_space<hbm>>
        %dma_wait3A_43 = arith.constant 0 : i32
        %dma_wait3A_44 = tpu.memref_slice %arg9[%mul3A_8, %dma_wait3A_43] : memref<10000x128xf32, #tpu.memory_space<vmem_shared>> -> memref<640x128xf32, #tpu.memory_space<vmem_shared>>
        tpu.wait_dma2 semaphore(%run_scoped3A : memref<!tpu.dma_semaphore, #tpu.memory_space<semaphore_mem>>) src(%dma_wait3A_44 : memref<640x128xf32, #tpu.memory_space<vmem_shared>>) dst(%dma_wait3A_42 : memref<640x128xf32, #tpu.memory_space<hbm>>)
        tpu.yield
      }) : () -> ()
    } else {
    }
    %eq3A_32 = arith.constant 15 : i32
    %eq3A_33 = arith.cmpi eq, %arg1, %eq3A_32 : i32
    %convert_element_type3A_34 = arith.extui %eq3A_33 : i1 to i32
    %cond3A_35 = arith.constant 0 : i32
    %cond3A_36 = arith.cmpi ne, %convert_element_type3A_34, %cond3A_35 : i32
    scf.if %cond3A_36 {
      "tpu.region"() ({
        %run_scoped3A = tpu.sem_alloc : memref<!tpu.dma_semaphore, #tpu.memory_space<semaphore_mem>>
        %dma_start3A = arith.constant 0 : i32
        %dma_start3A_37 = tpu.memref_slice %arg5[%arg0, %mul3A_8, %dma_start3A] : memref<2x10000x128xf32, #tpu.memory_space<hbm>> -> memref<1x400x128xf32, #tpu.memory_space<hbm>>
        %dma_start3A_38 = tpu.memref_squeeze %dma_start3A_37 : memref<1x400x128xf32, #tpu.memory_space<hbm>> -> memref<400x128xf32, #tpu.memory_space<hbm>>
        %dma_start3A_39 = arith.constant 0 : i32
        %dma_start3A_40 = tpu.memref_slice %arg9[%mul3A_8, %dma_start3A_39] : memref<10000x128xf32, #tpu.memory_space<vmem_shared>> -> memref<400x128xf32, #tpu.memory_space<vmem_shared>>
        tpu.enqueue_dma source(%dma_start3A_40 : memref<400x128xf32, #tpu.memory_space<vmem_shared>>) target(%dma_start3A_38 : memref<400x128xf32, #tpu.memory_space<hbm>>) target_semaphore(%run_scoped3A : memref<!tpu.dma_semaphore, #tpu.memory_space<semaphore_mem>>)
        %dma_wait3A = arith.constant 0 : i32
        %dma_wait3A_41 = tpu.memref_slice %arg5[%arg0, %mul3A_8, %dma_wait3A] : memref<2x10000x128xf32, #tpu.memory_space<hbm>> -> memref<1x400x128xf32, #tpu.memory_space<hbm>>
        %dma_wait3A_42 = tpu.memref_squeeze %dma_wait3A_41 : memref<1x400x128xf32, #tpu.memory_space<hbm>> -> memref<400x128xf32, #tpu.memory_space<hbm>>
        %dma_wait3A_43 = arith.constant 0 : i32
        %dma_wait3A_44 = tpu.memref_slice %arg9[%mul3A_8, %dma_wait3A_43] : memref<10000x128xf32, #tpu.memory_space<vmem_shared>> -> memref<400x128xf32, #tpu.memory_space<vmem_shared>>
        tpu.wait_dma2 semaphore(%run_scoped3A : memref<!tpu.dma_semaphore, #tpu.memory_space<semaphore_mem>>) src(%dma_wait3A_44 : memref<400x128xf32, #tpu.memory_space<vmem_shared>>) dst(%dma_wait3A_42 : memref<400x128xf32, #tpu.memory_space<hbm>>)
        tpu.yield
      }) : () -> ()
    } else {
    }
    return
  }
}

module attributes {stable_mosaic.version = 14 : i64} {
  func.func @_tc_emb_body(%arg0: memref<10000x128xf32, #tpu.memory_space<vmem>>, %arg1: memref<128x128xf32, #tpu.memory_space<vmem>>, %arg2: memref<1x128xf32, #tpu.memory_space<vmem>>, %arg3: memref<10000x128xf32, #tpu.memory_space<vmem>>) attributes {dimension_semantics = [], scalar_prefetch = 0 : i64, scratch_operands = 0 : i64, tpu.core_type = #tpu.core_type<tc>} {
    %get3A = arith.constant 0 : index
    %get3A_0 = arith.constant 0 : index
    %get3A_1 = vector.load %arg0[%get3A, %get3A_0] : memref<10000x128xf32, #tpu.memory_space<vmem>>, vector<10000x128xf32>
    %get3A_2 = arith.constant 0 : index
    %get3A_3 = arith.constant 0 : index
    %get3A_4 = vector.load %arg1[%get3A_2, %get3A_3] : memref<128x128xf32, #tpu.memory_space<vmem>>, vector<128x128xf32>
    %dot_general3A = arith.constant dense<0.000000e+00> : vector<10000x128xf32>
    %dot_general3A_5 = tpu.matmul %get3A_1, %get3A_4, %dot_general3A {dimension_numbers = #tpu.dot_dimension_numbers<[1], [0], [0], [1], [0, 0, 1, 1], [], []>, transpose_lhs_hint = false} : vector<10000x128xf32>, vector<128x128xf32>, vector<10000x128xf32> -> vector<10000x128xf32>
    %get3A_6 = arith.constant 0 : index
    %get3A_7 = arith.constant 0 : index
    %get3A_8 = vector.load %arg2[%get3A_6, %get3A_7] : memref<1x128xf32, #tpu.memory_space<vmem>>, vector<1x128xf32>
    %add3A = vector.broadcast %get3A_8 : vector<1x128xf32> to vector<10000x128xf32>
    %add3A_9 = arith.addf %dot_general3A_5, %add3A : vector<10000x128xf32>
    %swap3A = arith.constant 0 : index
    %swap3A_10 = arith.constant 0 : index
    %swap3A_11 = vector.load %arg3[%swap3A, %swap3A_10] : memref<10000x128xf32, #tpu.memory_space<vmem>>, vector<10000x128xf32>
    tpu.vector_store %arg3[%swap3A, %swap3A_10], %add3A_9 {strides = array<i32>} : memref<10000x128xf32, #tpu.memory_space<vmem>>, vector<10000x128xf32>,
    return
  }
}

module attributes {stable_mosaic.version = 14 : i64} {
  func.func @_tc_scale_body(%arg0: memref<10000x128xf32, #tpu.memory_space<vmem>>, %arg1: memref<10000x2xf32, #tpu.memory_space<vmem>>, %arg2: memref<128x128xf32, #tpu.memory_space<vmem>>, %arg3: memref<10000x128xf32, #tpu.memory_space<vmem>>, %arg4: memref<10000x1xf32, #tpu.memory_space<vmem>>) attributes {dimension_semantics = [], scalar_prefetch = 0 : i64, scratch_operands = 0 : i64, tpu.core_type = #tpu.core_type<tc>} {
    %get3A = arith.constant 0 : index
    %get3A_0 = arith.constant 0 : index
    %get3A_1 = vector.load %arg1[%get3A, %get3A_0] : memref<10000x2xf32, #tpu.memory_space<vmem>>, vector<10000x1xf32>
    %get3A_2 = arith.constant 0 : index
    %get3A_3 = arith.constant 1 : index
    %get3A_4 = vector.load %arg1[%get3A_2, %get3A_3] : memref<10000x2xf32, #tpu.memory_space<vmem>>, vector<10000x1xf32>
    %add3A = arith.addf %get3A_1, %get3A_4 : vector<10000x1xf32>
    %add3A_5 = arith.constant 1.000000e+00 : f32
    %add3A_6 = vector.broadcast %add3A_5 : f32 to vector<10000x1xf32>
    %add3A_7 = arith.addf %add3A, %add3A_6 : vector<10000x1xf32>
    %sqrt3A = math.sqrt %add3A_7 : vector<10000x1xf32>
    %div3A = arith.constant 1.000000e+00 : f32
    %div3A_8 = vector.broadcast %div3A : f32 to vector<10000x1xf32>
    %div3A_9 = arith.divf %div3A_8, %sqrt3A : vector<10000x1xf32>
    %get3A_10 = arith.constant 0 : index
    %get3A_11 = arith.constant 0 : index
    %get3A_12 = vector.load %arg0[%get3A_10, %get3A_11] : memref<10000x128xf32, #tpu.memory_space<vmem>>, vector<10000x128xf32>
    %get3A_13 = arith.constant 0 : index
    %get3A_14 = arith.constant 0 : index
    %get3A_15 = vector.load %arg2[%get3A_13, %get3A_14] : memref<128x128xf32, #tpu.memory_space<vmem>>, vector<128x128xf32>
    %dot_general3A = arith.constant dense<0.000000e+00> : vector<10000x128xf32>
    %dot_general3A_16 = tpu.matmul %get3A_12, %get3A_15, %dot_general3A {dimension_numbers = #tpu.dot_dimension_numbers<[1], [0], [0], [1], [0, 0, 1, 1], [], []>, transpose_lhs_hint = false} : vector<10000x128xf32>, vector<128x128xf32>, vector<10000x128xf32> -> vector<10000x128xf32>
    %mul3A = vector.broadcast %div3A_9 : vector<10000x1xf32> to vector<10000x128xf32>
    %mul3A_17 = arith.mulf %dot_general3A_16, %mul3A : vector<10000x128xf32>
    %swap3A = arith.constant 0 : index
    %swap3A_18 = arith.constant 0 : index
    %swap3A_19 = vector.load %arg3[%swap3A, %swap3A_18] : memref<10000x128xf32, #tpu.memory_space<vmem>>, vector<10000x128xf32>
    tpu.vector_store %arg3[%swap3A, %swap3A_18], %mul3A_17 {strides = array<i32>} : memref<10000x128xf32, #tpu.memory_space<vmem>>, vector<10000x128xf32>,
    %swap3A_20 = arith.constant 0 : index
    %swap3A_21 = arith.constant 0 : index
    %swap3A_22 = vector.load %arg4[%swap3A_20, %swap3A_21] : memref<10000x1xf32, #tpu.memory_space<vmem>>, vector<10000x1xf32>
    tpu.vector_store %arg4[%swap3A_20, %swap3A_21], %div3A_9 {strides = array<i32>} : memref<10000x1xf32, #tpu.memory_space<vmem>>, vector<10000x1xf32>,
    return
  }
}

module attributes {stable_mosaic.version = 14 : i64} {
  func.func @_tc_layer_body(%arg0: memref<10000x128xf32, #tpu.memory_space<vmem>>, %arg1: memref<10000x128xf32, #tpu.memory_space<vmem>>, %arg2: memref<10000x128xf32, #tpu.memory_space<vmem>>, %arg3: memref<10000x128xf32, #tpu.memory_space<vmem>>, %arg4: memref<10000x1xf32, #tpu.memory_space<vmem>>, %arg5: memref<1x128xf32, #tpu.memory_space<vmem>>, %arg6: memref<1x128xf32, #tpu.memory_space<vmem>>, %arg7: memref<1x128xf32, #tpu.memory_space<vmem>>, %arg8: memref<128x128xf32, #tpu.memory_space<vmem>>, %arg9: memref<10000x128xf32, #tpu.memory_space<vmem>>, %arg10: memref<10000x128xf32, #tpu.memory_space<vmem>>) attributes {dimension_semantics = [], scalar_prefetch = 0 : i64, scratch_operands = 0 : i64, tpu.core_type = #tpu.core_type<tc>} {
    %get3A = arith.constant 0 : index
    %get3A_0 = arith.constant 0 : index
    %get3A_1 = vector.load %arg4[%get3A, %get3A_0] : memref<10000x1xf32, #tpu.memory_space<vmem>>, vector<10000x1xf32>
    %get3A_2 = arith.constant 0 : index
    %get3A_3 = arith.constant 0 : index
    %get3A_4 = vector.load %arg0[%get3A_2, %get3A_3] : memref<10000x128xf32, #tpu.memory_space<vmem>>, vector<10000x128xf32>
    %get3A_5 = arith.constant 0 : index
    %get3A_6 = arith.constant 0 : index
    %get3A_7 = vector.load %arg1[%get3A_5, %get3A_6] : memref<10000x128xf32, #tpu.memory_space<vmem>>, vector<10000x128xf32>
    %get3A_8 = arith.constant 0 : index
    %get3A_9 = arith.constant 0 : index
    %get3A_10 = vector.load %arg2[%get3A_8, %get3A_9] : memref<10000x128xf32, #tpu.memory_space<vmem>>, vector<10000x128xf32>
    %get3A_11 = arith.constant 0 : index
    %get3A_12 = arith.constant 0 : index
    %get3A_13 = vector.load %arg3[%get3A_11, %get3A_12] : memref<10000x128xf32, #tpu.memory_space<vmem>>, vector<10000x128xf32>
    %get3A_14 = arith.constant 0 : index
    %get3A_15 = arith.constant 0 : index
    %get3A_16 = vector.load %arg5[%get3A_14, %get3A_15] : memref<1x128xf32, #tpu.memory_space<vmem>>, vector<1x128xf32>
    %get3A_17 = arith.constant 0 : index
    %get3A_18 = arith.constant 0 : index
    %get3A_19 = vector.load %arg6[%get3A_17, %get3A_18] : memref<1x128xf32, #tpu.memory_space<vmem>>, vector<1x128xf32>
    %get3A_20 = arith.constant 0 : index
    %get3A_21 = arith.constant 0 : index
    %get3A_22 = vector.load %arg7[%get3A_20, %get3A_21] : memref<1x128xf32, #tpu.memory_space<vmem>>, vector<1x128xf32>
    %add3A = arith.addf %get3A_4, %get3A_7 : vector<10000x128xf32>
    %add3A_23 = arith.addf %add3A, %get3A_10 : vector<10000x128xf32>
    %mul3A = vector.broadcast %get3A_1 : vector<10000x1xf32> to vector<10000x128xf32>
    %mul3A_24 = arith.mulf %add3A_23, %mul3A : vector<10000x128xf32>
    %add3A_25 = vector.broadcast %get3A_16 : vector<1x128xf32> to vector<10000x128xf32>
    %add3A_26 = arith.addf %mul3A_24, %add3A_25 : vector<10000x128xf32>
    %reduce_sum3A = arith.constant dense<0.000000e+00> : vector<128xf32>
    %reduce_sum3A_27 = vector.multi_reduction <add>, %add3A_26, %reduce_sum3A [0] : vector<10000x128xf32> to vector<128xf32>
    %broadcast_in_dim3A = vector.shape_cast %reduce_sum3A_27 : vector<128xf32> to vector<1x128xf32>
    %div3A = arith.constant 1.000000e+04 : f32
    %div3A_28 = vector.broadcast %div3A : f32 to vector<1x128xf32>
    %div3A_29 = arith.divf %broadcast_in_dim3A, %div3A_28 : vector<1x128xf32>
    %sub3A = vector.broadcast %div3A_29 : vector<1x128xf32> to vector<10000x128xf32>
    %sub3A_30 = arith.subf %add3A_26, %sub3A : vector<10000x128xf32>
    %integer_pow3A = arith.mulf %sub3A_30, %sub3A_30 : vector<10000x128xf32>
    %reduce_sum3A_31 = arith.constant dense<0.000000e+00> : vector<128xf32>
    %reduce_sum3A_32 = vector.multi_reduction <add>, %integer_pow3A, %reduce_sum3A_31 [0] : vector<10000x128xf32> to vector<128xf32>
    %broadcast_in_dim3A_33 = vector.shape_cast %reduce_sum3A_32 : vector<128xf32> to vector<1x128xf32>
    %div3A_34 = arith.constant 1.000000e+04 : f32
    %div3A_35 = vector.broadcast %div3A_34 : f32 to vector<1x128xf32>
    %div3A_36 = arith.divf %broadcast_in_dim3A_33, %div3A_35 : vector<1x128xf32>
    %sub3A_37 = vector.broadcast %div3A_29 : vector<1x128xf32> to vector<10000x128xf32>
    %sub3A_38 = arith.subf %add3A_26, %sub3A_37 : vector<10000x128xf32>
    %add3A_39 = arith.constant 9.99999974E-6 : f32
    %add3A_40 = vector.broadcast %add3A_39 : f32 to vector<1x128xf32>
    %add3A_41 = arith.addf %div3A_36, %add3A_40 : vector<1x128xf32>
    %sqrt3A = math.sqrt %add3A_41 : vector<1x128xf32>
    %div3A_42 = vector.broadcast %sqrt3A : vector<1x128xf32> to vector<10000x128xf32>
    %div3A_43 = arith.divf %sub3A_38, %div3A_42 : vector<10000x128xf32>
    %mul3A_44 = vector.broadcast %get3A_19 : vector<1x128xf32> to vector<10000x128xf32>
    %mul3A_45 = arith.mulf %div3A_43, %mul3A_44 : vector<10000x128xf32>
    %add3A_46 = vector.broadcast %get3A_22 : vector<1x128xf32> to vector<10000x128xf32>
    %add3A_47 = arith.addf %mul3A_45, %add3A_46 : vector<10000x128xf32>
    %max3A = arith.constant 0.000000e+00 : f32
    %max3A_48 = vector.broadcast %max3A : f32 to vector<10000x128xf32>
    %max3A_49 = arith.maximumf %add3A_47, %max3A_48 : vector<10000x128xf32>
    %add3A_50 = arith.addf %max3A_49, %get3A_13 : vector<10000x128xf32>
    %swap3A = arith.constant 0 : index
    %swap3A_51 = arith.constant 0 : index
    %swap3A_52 = vector.load %arg9[%swap3A, %swap3A_51] : memref<10000x128xf32, #tpu.memory_space<vmem>>, vector<10000x128xf32>
    tpu.vector_store %arg9[%swap3A, %swap3A_51], %add3A_50 {strides = array<i32>} : memref<10000x128xf32, #tpu.memory_space<vmem>>, vector<10000x128xf32>,
    %get3A_53 = arith.constant 0 : index
    %get3A_54 = arith.constant 0 : index
    %get3A_55 = vector.load %arg8[%get3A_53, %get3A_54] : memref<128x128xf32, #tpu.memory_space<vmem>>, vector<128x128xf32>
    %dot_general3A = arith.constant dense<0.000000e+00> : vector<10000x128xf32>
    %dot_general3A_56 = tpu.matmul %add3A_50, %get3A_55, %dot_general3A {dimension_numbers = #tpu.dot_dimension_numbers<[1], [0], [0], [1], [0, 0, 1, 1], [], []>, transpose_lhs_hint = false} : vector<10000x128xf32>, vector<128x128xf32>, vector<10000x128xf32> -> vector<10000x128xf32>
    %mul3A_57 = vector.broadcast %get3A_1 : vector<10000x1xf32> to vector<10000x128xf32>
    %mul3A_58 = arith.mulf %dot_general3A_56, %mul3A_57 : vector<10000x128xf32>
    %swap3A_59 = arith.constant 0 : index
    %swap3A_60 = arith.constant 0 : index
    %swap3A_61 = vector.load %arg10[%swap3A_59, %swap3A_60] : memref<10000x128xf32, #tpu.memory_space<vmem>>, vector<10000x128xf32>
    tpu.vector_store %arg10[%swap3A_59, %swap3A_60], %mul3A_58 {strides = array<i32>} : memref<10000x128xf32, #tpu.memory_space<vmem>>, vector<10000x128xf32>,
    return
  }
}

module attributes {stable_mosaic.version = 14 : i64} {
  func.func @_tc_final_body(%arg0: memref<10000x128xf32, #tpu.memory_space<vmem>>, %arg1: memref<10000x128xf32, #tpu.memory_space<vmem>>, %arg2: memref<10000x128xf32, #tpu.memory_space<vmem>>, %arg3: memref<10000x128xf32, #tpu.memory_space<vmem>>, %arg4: memref<10000x1xf32, #tpu.memory_space<vmem>>, %arg5: memref<1x128xf32, #tpu.memory_space<vmem>>, %arg6: memref<1x128xf32, #tpu.memory_space<vmem>>, %arg7: memref<1x128xf32, #tpu.memory_space<vmem>>, %arg8: memref<1x10000xi32, #tpu.memory_space<vmem>>, %arg9: memref<128x64xf32, #tpu.memory_space<vmem>>, %arg10: memref<1x64xf32, #tpu.memory_space<vmem>>, %arg11: memref<64x32xf32, #tpu.memory_space<vmem>>, %arg12: memref<1x32xf32, #tpu.memory_space<vmem>>, %arg13: memref<32x10xf32, #tpu.memory_space<vmem>>, %arg14: memref<1x10xf32, #tpu.memory_space<vmem>>, %arg15: memref<64x10xf32, #tpu.memory_space<vmem>>) attributes {dimension_semantics = [], scalar_prefetch = 0 : i64, scratch_operands = 0 : i64, tpu.core_type = #tpu.core_type<tc>} {
    %get3A = arith.constant 0 : index
    %get3A_0 = arith.constant 0 : index
    %get3A_1 = vector.load %arg0[%get3A, %get3A_0] : memref<10000x128xf32, #tpu.memory_space<vmem>>, vector<10000x128xf32>
    %get3A_2 = arith.constant 0 : index
    %get3A_3 = arith.constant 0 : index
    %get3A_4 = vector.load %arg1[%get3A_2, %get3A_3] : memref<10000x128xf32, #tpu.memory_space<vmem>>, vector<10000x128xf32>
    %get3A_5 = arith.constant 0 : index
    %get3A_6 = arith.constant 0 : index
    %get3A_7 = vector.load %arg2[%get3A_5, %get3A_6] : memref<10000x128xf32, #tpu.memory_space<vmem>>, vector<10000x128xf32>
    %get3A_8 = arith.constant 0 : index
    %get3A_9 = arith.constant 0 : index
    %get3A_10 = vector.load %arg3[%get3A_8, %get3A_9] : memref<10000x128xf32, #tpu.memory_space<vmem>>, vector<10000x128xf32>
    %get3A_11 = arith.constant 0 : index
    %get3A_12 = arith.constant 0 : index
    %get3A_13 = vector.load %arg4[%get3A_11, %get3A_12] : memref<10000x1xf32, #tpu.memory_space<vmem>>, vector<10000x1xf32>
    %get3A_14 = arith.constant 0 : index
    %get3A_15 = arith.constant 0 : index
    %get3A_16 = vector.load %arg5[%get3A_14, %get3A_15] : memref<1x128xf32, #tpu.memory_space<vmem>>, vector<1x128xf32>
    %get3A_17 = arith.constant 0 : index
    %get3A_18 = arith.constant 0 : index
    %get3A_19 = vector.load %arg6[%get3A_17, %get3A_18] : memref<1x128xf32, #tpu.memory_space<vmem>>, vector<1x128xf32>
    %get3A_20 = arith.constant 0 : index
    %get3A_21 = arith.constant 0 : index
    %get3A_22 = vector.load %arg7[%get3A_20, %get3A_21] : memref<1x128xf32, #tpu.memory_space<vmem>>, vector<1x128xf32>
    %add3A = arith.addf %get3A_1, %get3A_4 : vector<10000x128xf32>
    %add3A_23 = arith.addf %add3A, %get3A_7 : vector<10000x128xf32>
    %mul3A = vector.broadcast %get3A_13 : vector<10000x1xf32> to vector<10000x128xf32>
    %mul3A_24 = arith.mulf %add3A_23, %mul3A : vector<10000x128xf32>
    %add3A_25 = vector.broadcast %get3A_16 : vector<1x128xf32> to vector<10000x128xf32>
    %add3A_26 = arith.addf %mul3A_24, %add3A_25 : vector<10000x128xf32>
    %reduce_sum3A = arith.constant dense<0.000000e+00> : vector<128xf32>
    %reduce_sum3A_27 = vector.multi_reduction <add>, %add3A_26, %reduce_sum3A [0] : vector<10000x128xf32> to vector<128xf32>
    %broadcast_in_dim3A = vector.shape_cast %reduce_sum3A_27 : vector<128xf32> to vector<1x128xf32>
    %div3A = arith.constant 1.000000e+04 : f32
    %div3A_28 = vector.broadcast %div3A : f32 to vector<1x128xf32>
    %div3A_29 = arith.divf %broadcast_in_dim3A, %div3A_28 : vector<1x128xf32>
    %sub3A = vector.broadcast %div3A_29 : vector<1x128xf32> to vector<10000x128xf32>
    %sub3A_30 = arith.subf %add3A_26, %sub3A : vector<10000x128xf32>
    %integer_pow3A = arith.mulf %sub3A_30, %sub3A_30 : vector<10000x128xf32>
    %reduce_sum3A_31 = arith.constant dense<0.000000e+00> : vector<128xf32>
    %reduce_sum3A_32 = vector.multi_reduction <add>, %integer_pow3A, %reduce_sum3A_31 [0] : vector<10000x128xf32> to vector<128xf32>
    %broadcast_in_dim3A_33 = vector.shape_cast %reduce_sum3A_32 : vector<128xf32> to vector<1x128xf32>
    %div3A_34 = arith.constant 1.000000e+04 : f32
    %div3A_35 = vector.broadcast %div3A_34 : f32 to vector<1x128xf32>
    %div3A_36 = arith.divf %broadcast_in_dim3A_33, %div3A_35 : vector<1x128xf32>
    %sub3A_37 = vector.broadcast %div3A_29 : vector<1x128xf32> to vector<10000x128xf32>
    %sub3A_38 = arith.subf %add3A_26, %sub3A_37 : vector<10000x128xf32>
    %add3A_39 = arith.constant 9.99999974E-6 : f32
    %add3A_40 = vector.broadcast %add3A_39 : f32 to vector<1x128xf32>
    %add3A_41 = arith.addf %div3A_36, %add3A_40 : vector<1x128xf32>
    %sqrt3A = math.sqrt %add3A_41 : vector<1x128xf32>
    %div3A_42 = vector.broadcast %sqrt3A : vector<1x128xf32> to vector<10000x128xf32>
    %div3A_43 = arith.divf %sub3A_38, %div3A_42 : vector<10000x128xf32>
    %mul3A_44 = vector.broadcast %get3A_19 : vector<1x128xf32> to vector<10000x128xf32>
    %mul3A_45 = arith.mulf %div3A_43, %mul3A_44 : vector<10000x128xf32>
    %add3A_46 = vector.broadcast %get3A_22 : vector<1x128xf32> to vector<10000x128xf32>
    %add3A_47 = arith.addf %mul3A_45, %add3A_46 : vector<10000x128xf32>
    %max3A = arith.constant 0.000000e+00 : f32
    %max3A_48 = vector.broadcast %max3A : f32 to vector<10000x128xf32>
    %max3A_49 = arith.maximumf %add3A_47, %max3A_48 : vector<10000x128xf32>
    %add3A_50 = arith.addf %max3A_49, %get3A_10 : vector<10000x128xf32>
    %iota3A = tpu.iota {dimensions = array<i32: 0>} : vector<64x10000xi32>
    %get3A_51 = arith.constant 0 : index
    %get3A_52 = arith.constant 0 : index
    %get3A_53 = vector.load %arg8[%get3A_51, %get3A_52] : memref<1x10000xi32, #tpu.memory_space<vmem>>, vector<1x10000xi32>
    %eq3A = vector.broadcast %get3A_53 : vector<1x10000xi32> to vector<64x10000xi32>
    %eq3A_54 = arith.cmpi eq, %iota3A, %eq3A : vector<64x10000xi32>
    %convert_element_type3A = arith.extui %eq3A_54 : vector<64x10000xi1> to vector<64x10000xi32>
    %convert_element_type3A_55 = arith.sitofp %convert_element_type3A : vector<64x10000xi32> to vector<64x10000xf32>
    %reduce_sum3A_56 = arith.constant dense<0.000000e+00> : vector<64xf32>
    %reduce_sum3A_57 = vector.multi_reduction <add>, %convert_element_type3A_55, %reduce_sum3A_56 [1] : vector<64x10000xf32> to vector<64xf32>
    %broadcast_in_dim3A_58 = vector.shape_cast %reduce_sum3A_57 : vector<64xf32> to vector<64x1xf32>
    %dot_general3A = arith.constant dense<0.000000e+00> : vector<64x128xf32>
    %dot_general3A_59 = tpu.matmul %convert_element_type3A_55, %add3A_50, %dot_general3A {dimension_numbers = #tpu.dot_dimension_numbers<[1], [0], [0], [1], [0, 0, 1, 1], [], []>, transpose_lhs_hint = false} : vector<64x10000xf32>, vector<10000x128xf32>, vector<64x128xf32> -> vector<64x128xf32>
    %max3A_60 = arith.constant 1.000000e+00 : f32
    %max3A_61 = vector.broadcast %max3A_60 : f32 to vector<64x1xf32>
    %max3A_62 = arith.maximumf %broadcast_in_dim3A_58, %max3A_61 : vector<64x1xf32>
    %div3A_63 = vector.broadcast %max3A_62 : vector<64x1xf32> to vector<64x128xf32>
    %div3A_64 = arith.divf %dot_general3A_59, %div3A_63 : vector<64x128xf32>
    %get3A_65 = arith.constant 0 : index
    %get3A_66 = arith.constant 0 : index
    %get3A_67 = vector.load %arg9[%get3A_65, %get3A_66] : memref<128x64xf32, #tpu.memory_space<vmem>>, vector<128x64xf32>
    %dot_general3A_68 = arith.constant dense<0.000000e+00> : vector<64x64xf32>
    %dot_general3A_69 = tpu.matmul %div3A_64, %get3A_67, %dot_general3A_68 {dimension_numbers = #tpu.dot_dimension_numbers<[1], [0], [0], [1], [0, 0, 1, 1], [], []>, transpose_lhs_hint = false} : vector<64x128xf32>, vector<128x64xf32>, vector<64x64xf32> -> vector<64x64xf32>
    %get3A_70 = arith.constant 0 : index
    %get3A_71 = arith.constant 0 : index
    %get3A_72 = vector.load %arg10[%get3A_70, %get3A_71] : memref<1x64xf32, #tpu.memory_space<vmem>>, vector<1x64xf32>
    %add3A_73 = vector.broadcast %get3A_72 : vector<1x64xf32> to vector<64x64xf32>
    %add3A_74 = arith.addf %dot_general3A_69, %add3A_73 : vector<64x64xf32>
    %max3A_75 = arith.constant 0.000000e+00 : f32
    %max3A_76 = vector.broadcast %max3A_75 : f32 to vector<64x64xf32>
    %max3A_77 = arith.maximumf %add3A_74, %max3A_76 : vector<64x64xf32>
    %get3A_78 = arith.constant 0 : index
    %get3A_79 = arith.constant 0 : index
    %get3A_80 = vector.load %arg11[%get3A_78, %get3A_79] : memref<64x32xf32, #tpu.memory_space<vmem>>, vector<64x32xf32>
    %dot_general3A_81 = arith.constant dense<0.000000e+00> : vector<64x32xf32>
    %dot_general3A_82 = tpu.matmul %max3A_77, %get3A_80, %dot_general3A_81 {dimension_numbers = #tpu.dot_dimension_numbers<[1], [0], [0], [1], [0, 0, 1, 1], [], []>, transpose_lhs_hint = false} : vector<64x64xf32>, vector<64x32xf32>, vector<64x32xf32> -> vector<64x32xf32>
    %get3A_83 = arith.constant 0 : index
    %get3A_84 = arith.constant 0 : index
    %get3A_85 = vector.load %arg12[%get3A_83, %get3A_84] : memref<1x32xf32, #tpu.memory_space<vmem>>, vector<1x32xf32>
    %add3A_86 = vector.broadcast %get3A_85 : vector<1x32xf32> to vector<64x32xf32>
    %add3A_87 = arith.addf %dot_general3A_82, %add3A_86 : vector<64x32xf32>
    %max3A_88 = arith.constant 0.000000e+00 : f32
    %max3A_89 = vector.broadcast %max3A_88 : f32 to vector<64x32xf32>
    %max3A_90 = arith.maximumf %add3A_87, %max3A_89 : vector<64x32xf32>
    %get3A_91 = arith.constant 0 : index
    %get3A_92 = arith.constant 0 : index
    %get3A_93 = vector.load %arg13[%get3A_91, %get3A_92] : memref<32x10xf32, #tpu.memory_space<vmem>>, vector<32x10xf32>
    %dot_general3A_94 = arith.constant dense<0.000000e+00> : vector<64x10xf32>
    %dot_general3A_95 = tpu.matmul %max3A_90, %get3A_93, %dot_general3A_94 {dimension_numbers = #tpu.dot_dimension_numbers<[1], [0], [0], [1], [0, 0, 1, 1], [], []>, transpose_lhs_hint = false} : vector<64x32xf32>, vector<32x10xf32>, vector<64x10xf32> -> vector<64x10xf32>
    %get3A_96 = arith.constant 0 : index
    %get3A_97 = arith.constant 0 : index
    %get3A_98 = vector.load %arg14[%get3A_96, %get3A_97] : memref<1x10xf32, #tpu.memory_space<vmem>>, vector<1x10xf32>
    %add3A_99 = vector.broadcast %get3A_98 : vector<1x10xf32> to vector<64x10xf32>
    %add3A_100 = arith.addf %dot_general3A_95, %add3A_99 : vector<64x10xf32>
    %swap3A = arith.constant 0 : index
    %swap3A_101 = arith.constant 0 : index
    %swap3A_102 = vector.load %arg15[%swap3A, %swap3A_101] : memref<64x10xf32, #tpu.memory_space<vmem>>, vector<64x10xf32>
    tpu.vector_store %arg15[%swap3A, %swap3A_101], %add3A_100 {strides = array<i32>} : memref<64x10xf32, #tpu.memory_space<vmem>>, vector<64x10xf32>,
    return
  }
}

</mosaic_0001>

<sc_bundles>
// kernel: kernel.13.cloned.1.call-start
scs
__scs_entry_jumppad:
0x0: {  	(pc) =	sbr.rel $0x88, $3  }
0x1: {  	(tag) =	ssettag $0x0;
	lr =	simm.s32 $0x1  }
0x2: {  	[smem:$0x3F92] =	sst lr;
	_ =	strace $0xD0000000  }
0x3: {  	_ = 	snop  }
0x4: {  	_ = 	snop  }
0x5: {  	_ = 	snop  }
0x6: {  	_ = 	snop  }
0x7: {  	_ = 	snop  }
__scs_overlays_trampoline_lowered:
0x8: {  	[smem:$0x3FA1] =	sst s0  }
0x9: {  	[smem:$0x3FA2] =	sst s1  }
0xa: {  	[smem:$0x3FA3] =	sst s2  }
0xb: {  	[smem:$0x3FA4] =	sst s3  }
0xc: {  	[smem:$0x3FA5] =	sst s4  }
0xd: {  	[smem:$0x3FA6] =	sst s5  }
0xe: {  	[smem:$0x3FA7] =	sst s6  }
0xf: {  	[smem:$0x3FA8] =	sst s7  }
0x10: {  	[smem:$0x3FA9] =	sst s8  }
0x11: {  	[smem:$0x3FAA] =	sst s9;
	s0 =	simm.s32 @!p0 $0x0  }
0x12: {  	s1 =	sld [smem:$0x3F90];
	s0 =	simm.s32 @p0 $0x1  }
0x13: {  	[smem:$0x3FAB] =	sst s0;
	s0 =	simm.s32 @!p1 $0x0  }
0x14: {  	s2 =	sld [smem:$0x3F8F];
	s0 =	simm.s32 @p1 $0x1  }
0x15: {  	[smem:$0x3FAC] =	sst s0;
	s0 =	simm.s32 @!p2 $0x0  }
0x16: {  	s3 =	sld [smem:$0x3FDB];
	s0 =	simm.s32 @p2 $0x1  }
0x17: {  	s4 =	simm.s32 $0x1BF5;
	[smem:$0x3FAE] =	sst s0  }
0x18: {  	s0 =	sld [smem:$0x3F91];
	_ =	swait.ge [sflag:s4], $0x0  }
0x19: {  	s7 =	sld [smem:$0x3F92]  }
0x1a: {  	s8 =	sadd.s32 $0xFFFFE003, lr  }
0x1b: {  	s9 =	sadd.s32 $0xFFFFFEF7, lr;
	s5 =	simm.s32 $0xFFFFFFFF;
	p2 =	slt.u32 s8, $0xFFFFF086  }
0x1c: {  	p1 =	slt.u32 s9, $0xF7A;
	s5 =	simm.s32 @!p2 $0x0  }
0x1d: {  	s5 =	simm.s32 @p1 $0x1;
	p0 =	seq.s32 s7, s2  }
0x1e: {  	s7 =	smul.u32 @!p0 $0xF7A, s2;
	p2 =	seq.s32 @!p0 s5, $0x0  }
0x1f: {  	s9 =	smul.u32 $0xF7A, s1;
	s8 =	simm.s32 @!p0 $0x1BF5;
	p2 =	por !p2, p0  }
0x20: {  	[sflag:s8] =	ssyncset.s32 @!p0 $0xFFFFF086;
	s6 =	sadd.s32 @!p0 s3, s7;
	s7 =	simm.s32 @!p0 $0x108  }
0x21: {  	s3 =	sadd.s32 s3, s9;
	s6 =	sadd.s32 @!p0 $0x88, s6;
	s7 =	simm.s32 @p2 $0x1082  }
0x22: {  	[simem:s7], [sflag:s8] =	dma.local @!p0 [hbm:s6], $0xF7A  }
0x23: {  	s9 =	sor.u32 $0xD0000000, s2;
	s6 =	simm.s32 $0x108;
	_ =	swait.ge @!p0 [sflag:s8], $0x0  }
0x24: {  	s3 =	sadd.s32 $0x88, s3;
	s6 =	simm.s32 @!p1 $0x1082;
	[sflag:s4] =	ssyncset.s32 $0xFFFFF086  }
0x25: {  	[simem:s6], [sflag:s4] =	dma.local [hbm:s3], $0xF7A  }
0x26: {  	[smem:$0x3F92] =	sst s1;
	(tag) =	ssettag s2;
	_ =	strace s9  }
0x27: {  	s1 =	sld [smem:$0x3FA2]  }
0x28: {  	s2 =	sld [smem:$0x3FA3]  }
0x29: {  	s4 =	sld [smem:$0x3FA5]  }
0x2a: {  	p0 =	seq.s32 s5, $0x0;
	s5 =	sld [smem:$0x3FA6]  }
0x2b: {  	s6 =	sld [smem:$0x3FA7]  }
0x2c: {  	s7 =	sld [smem:$0x3FA8]  }
0x2d: {  	s3 =	simm.s32 $0x108;
	s8 =	sld [smem:$0x3FA9]  }
0x2e: {  	s3 =	simm.s32 @!p0 $0x1082;
	s9 =	sld [smem:$0x3FAA]  }
0x2f: {  	lr =	sadd.s32 s0, s3;
	s0 =	sld [smem:$0x3FA1]  }
0x30: {  	s3 =	sld [smem:$0x3FA4]  }
0x31: {  	[smem:$0x3FAD] =	sst s10  }
0x32: {  	s10 =	sld [smem:$0x3FAB];
	_ =	sdelay $0x3  }
0x33: {  	p0 =	seq.s32 s10, $0x1;
	s10 =	sld [smem:$0x3FAD];
	_ =	sdelay $0x3  }
0x34: {  	[smem:$0x3FAD] =	sst s10  }
0x35: {  	s10 =	sld [smem:$0x3FAC];
	_ =	sdelay $0x3  }
0x36: {  	p1 =	seq.s32 s10, $0x1;
	s10 =	sld [smem:$0x3FAD];
	_ =	sdelay $0x3  }
0x37: {  	[smem:$0x3FAD] =	sst s10  }
0x38: {  	s10 =	sld [smem:$0x3FAE]  }
0x39: {  	_ = 	snop;
	(pc) =	sbr.ind lr, $3  }
0x3a: {  	_ = 	snop  }
0x3b: {  	_ = 	snop  }
0x3c: {  	p2 =	seq.s32 s10, $0x1;
	s10 =	sld [smem:$0x3FAD]  }
0x3d: {  	_ =	shalt  }
0x3e: {  	_ =	shalt  }
0x3f: {  	_ =	shalt  }
0x40: {  	_ =	shalt  }
0x41: {  	_ =	shalt  }
0x42: {  	_ =	shalt  }
0x43: {  	_ =	shalt  }
0x44: {  	_ =	shalt  }
0x45: {  	_ =	shalt  }
0x46: {  	_ =	shalt  }
0x47: {  	_ =	shalt  }
0x48: {  	_ =	shalt  }
0x49: {  	_ =	shalt  }
0x4a: {  	_ =	shalt  }
0x4b: {  	_ =	shalt  }
0x4c: {  	_ =	shalt  }
0x4d: {  	_ =	shalt  }
0x4e: {  	_ =	shalt  }
0x4f: {  	_ =	shalt  }
0x50: {  	_ =	shalt  }
0x51: {  	_ =	shalt  }
0x52: {  	_ =	shalt  }
0x53: {  	_ =	shalt  }
0x54: {  	_ =	shalt  }
0x55: {  	_ =	shalt  }
0x56: {  	_ =	shalt  }
0x57: {  	_ =	shalt  }
0x58: {  	_ =	shalt  }
0x59: {  	_ =	shalt  }
0x5a: {  	_ =	shalt  }
0x5b: {  	_ =	shalt  }
0x5c: {  	_ =	shalt  }
0x5d: {  	_ =	shalt  }
0x5e: {  	_ =	shalt  }
0x5f: {  	_ =	shalt  }
0x60: {  	_ =	shalt  }
0x61: {  	_ =	shalt  }
0x62: {  	_ =	shalt  }
0x63: {  	_ =	shalt  }
0x64: {  	_ =	shalt  }
0x65: {  	_ =	shalt  }
0x66: {  	_ =	shalt  }
0x67: {  	_ =	shalt  }
0x68: {  	_ =	shalt  }
0x69: {  	_ =	shalt  }
0x6a: {  	_ =	shalt  }
0x6b: {  	_ =	shalt  }
0x6c: {  	_ =	shalt  }
0x6d: {  	_ =	shalt  }
0x6e: {  	_ =	shalt  }
0x6f: {  	_ =	shalt  }
0x70: {  	_ =	shalt  }
0x71: {  	_ =	shalt  }
0x72: {  	_ =	shalt  }
0x73: {  	_ =	shalt  }
0x74: {  	_ =	shalt  }
0x75: {  	_ =	shalt  }
0x76: {  	_ =	shalt  }
0x77: {  	_ =	shalt  }
0x78: {  	_ =	shalt  }
0x79: {  	_ =	shalt  }
0x7a: {  	_ =	shalt  }
0x7b: {  	_ =	shalt  }
0x7c: {  	_ =	shalt  }
0x7d: {  	_ =	shalt  }
0x7e: {  	_ =	shalt  }
0x7f: {  	_ =	shalt  }
0x80: {  	_ =	shalt  }
0x81: {  	_ =	shalt  }
0x82: {  	_ =	shalt  }
0x83: {  	_ =	shalt  }
0x84: {  	_ =	shalt  }
0x85: {  	_ =	shalt  }
0x86: {  	_ =	shalt  }
0x87: {  	_ =	shalt  }
.Lfunc_end0:
.L_simem_size_0:
called_computation_lowered:
.L_overlay_start_0:
0x88: {  	s2 =	sld [smem:$0x3FD9]  }
0x89: {  	s3 =	sld [smem:$0x3FFE];
	_ =	sdelay $0x1  }
0x8a: {  	s1 =	srdreg.scid  }
0x8b: {  	s0 =	sand.u32 $0x1, s1  }
0x8c: {  	s16 =	sshll.u32 s0, $0xA;
	s2 =	sadd.s32 s3, s2  }
0x8d: {  	s2 =	sadd.s32 s2, s16  }
0x8e: {  	[smem:$0x3FB9] =	sst s2  }
0x8f: {  	_ = 	snop  }
0x90: {  	(tm) =	ssettm $0x1  }
0x91: {  	s17 =	sld [smem:$0x3FFB];
	_ =	sdelay $0x3  }
0x92: {  	_ =	strace s17  }
0x93: {  	s2 =	sld [smem:$0x3FFC];
	_ =	sdelay $0x3  }
0x94: {  	_ =	strace s2  }
0x95: {  	s2 =	sld [smem:$0x3FFD];
	_ =	sdelay $0x3  }
0x96: {  	_ =	strace s2  }
0x97: {  	_ =	strace $0x8FFFFFFF  }
0x98: {  	s18 =	sld [smem:$0x3FDB];
	_ =	sdelay $0x1  }
0x99: {  	s19 =	simm.s32 $_scs_section_size  }
0x9a: {  	s4 =	simm.s32 $_size__tile_overlayer_lowered;
	s5 =	simm.s32 $_tile_overlayer_lowered  }
0x9b: {  	s22 =	simm.s32 $0x1BFF;
	s21 =	sshll.u32 s5, $0x1;
	s2 =	sadd.s32 s19, s18  }
0x9c: {  	s6 =	simm.s32 $0x0;
	s20 =	sshll.u32 s4, $0x1;
	s4 =	sadd.s32 s21, s2  }
0x9d: {  	[timem:s6], [sflag:s22] =	dma.local [hbm:s4], s20  }
0x9e: {  	_ =	swait.ge [sflag:s22], s20  }
0x9f: {  	s3 =	ssub.s32 $0x0, s20;
	[sflag:s22] =	ssyncset.done $0x0  }
0xa0: {  	[sflag:s22] =	ssyncadd.s32 s3;
	_ =	sdelay $0x1  }
0xa1: {  	s23 =	simm.s32 $0x1B8B  }
0xa2: {  	_ =	swait.ge [sflag:s23], $0x1  }
0xa3: {  	[sflag:s23] =	ssyncset.done $0x0  }
0xa4: {  	s25 =	simm.s32 $0x1B8E;
	s24 =	sld [smem:$0x3FFE];
	[sflag:s23] =	ssyncadd.s32 $0xFFFFFFFF  }
0xa5: {  	s26 =	simm.s32 $execute0_lowered;
	[smem:$0x3FD2] =	sst s25  }
0xa6: {  	s4 =	sshll.u32 s26, $0x1;
	_ =	strace $0x80000046;
	[dreg:$0x1] =	wrdreg $0xFFFFFFFF  }
0xa7: {  	s28 =	simm.s32 $_size_execute0_lowered;
	s2 =	sadd.s32 s2, s4;
	[dreg:$0x0] =	wrdreg $0x0  }
0xa8: {  	s4 =	sshll.u32 s28, $0x1;
	[dreg:$0x2] =	wrdreg s2  }
0xa9: {  	[dreg:$0x3] =	wrdreg s4  }
0xaa: {  	[dreg:$0x4] =	wrdreg $0xC0  }
0xab: {  	_ =	task [dreg:s6], $0x5FFFF  }
0xac: {  	[dreg:$0x1] =	wrdreg $0xFFFFFFFF  }
0xad: {  	[dreg:$0x0] =	wrdreg $0x60  }
0xae: {  	[dreg:$0x2] =	wrdreg s24  }
0xaf: {  	[dreg:$0x3] =	wrdreg $0x48800  }
0xb0: {  	[dreg:$0x4] =	wrdreg $0x9  }
0xb1: {  	_ =	task.clear_ibuf [dreg:s6], $0x5FFFF;
	_ =	strace $0x90000046  }
0xb2: {  	s29 =	simm.s32 $0x9;
	_ =	strace $0x80000048  }
0xb3: {  	_ =	swait.ge [sflag:s29], $0x1  }
0xb4: {  	[sflag:s29] =	ssyncadd.s32 $0xFFFFFFFF  }
0xb5: {  	_ =	strace $0x90000048  }
0xb6: {  	_ =	sfence  }
0xb7: {  	s30 =	sld [smem:$0x0];
	_ =	sdelay $0x2  }
0xb8: {  	s31 =	sshll.u32 s1, $0xD;
	s1 =	sshrl.u32 s1, $0x2  }
0xb9: {  	s3 =	sand.u32 $0x4000, s31;
	s1 =	sadd.s32 s1, s30  }
0xba: {  	s0 =	sor.u32 s3, s0;
	s1 =	sshll.u32 s1, $0x11  }
0xbb: {  	s0 =	sor.u32 s1, s0  }
0xbc: {  	s0 =	sadd.s32 $0x8F2B, s0  }
0xbd: {  	[sflag:s0] =	ssyncadd.remote.s32 $0x1  }
0xbe: {  	_ =	sfence.sel $0xFFFF  }
0xbf: {  	[dreg:$0x0] =	wrdreg $0xFFFFFFFF;
	(pc) =	sbr.abs _section_cstart, $3  }
0xc0: {  	[dreg:$0x1] =	wrdreg $0xFFFFFFFF  }
0xc1: {  	_ =	task.clear_ibuf [dreg:s6], $0x2FFFF;
	_ =	strace $0x9FFFFFFF  }
0xc2: {  	(tm) =	ssettm $0x7FFFFFFF  }
0xc3: {  	_ =	shalt  }
tec
execute0_lowered:
.L_overlay_start_1:
0x0: {  	(tag) =	ssettag $0x1  }
0x1: {  	s3 =	rddreg [dreg:$0x0]  }
0x2: {  	s1 =	rddreg [dreg:$0x1]  }
0x3: {  	s0 =	rddreg [dreg:$0x2]  }
0x4: {  	s2 =	simm.s32 $0x0;
	s4 =	srdreg.scid;
	s10 =	stileid.u32  }
0x5: {  	s12 =	simm.s32 $0x4000;
	[smem:$0x7FF] =	sst s2;
	s4 =	sand.u32 $0x1, s4  }
0x6: {  	s5 =	sshll.u32 s10, $0xB;
	p0 =	sne.s32 s10, $0x0;
	s10 =	simm.s32 $0x1  }
0x7: {  	_ =	strace $0x80000047;
	s6 =	sshll.u32 s4, $0x4;
	s7 =	ssub.s32 $0x2, s4  }
0x8: {  	s8 =	sadd.s32 s5, s3;
	s30 =	sshll.u32 s4, $0xF;
	s4 =	sadd.s32 $0xFA0, s1  }
0x9: {  	s5 =	sadd.s32 $0x1770, s1;
	s13 =	sshrl.u32 @!p0 s1, $0x3;
	s9 =	sadd.s32 s6, s3  }
0xa: {  	s29 =	sshrl.u32 s7, $0x1;
	s3 =	sadd.s32 $0x7D0, s1;
	s31 =	sadd.s32 s30, s8  }
0xb: {  	s6 =	sadd.s32 $0x1F40, s1;
	s11 =	ssub.s32 s7, s29;
	s7 =	sadd.s32 $0x5C00, s31  }
0xc: {  	v0 =	vimm.f32 $1.000000000e+00;
	v1 =	vimm.f32 $0.0e+00;
	s8 =	sadd.s32 $0x15C00, s9;
	s9 =	smax.u32 s11, $0x1;
	s11 =	simm.s32 $0x50  }
.LBB2_1:
0xd: {  	[tilespmem:$0x4000] =	vst v0  }
0xe: {  	[tilespmem:$0x4010] =	vst v0  }
0xf: {  	[tilespmem:$0x4020] =	vst v0  }
0x10: {  	[tilespmem:$0x4030] =	vst v0  }
0x11: {  	[tilespmem:$0x4040] =	vst v0;
	s14 =	simm.s32 $0x40;
	s15 =	simm.s32 $0x0  }
.LBB2_2:
0x12: {  	p1 =	sne.s32 s14, $0x1F00;
	[tilespmem:s15+$0x4080] =	vst v1;
	s15 =	smov.u32 s14;
	s14 =	sadd.s32 $0x40, s14  }
.Ltmp0:
0x13: {  	(pc) =	sbr.rel @p1 .LBB2_2-.Ltmp0, $2  }
0x14: {  	_ =	sdelay $0x2  }
0x15: {  	s15 =	sshra.s32 s15, $0x2  }
0x16: {  	[tilespmem:s15+$0x4080] =	vst v1;
	s14 =	simm.s32 @!p0 $0x4080;
	s15 =	simm.s32 @!p0 $0x1  }
0x17: {  	[spmem:s1] =	stream.linear.scatter @!p0 [tilespmem:s14], [sflag:$0x1], $0x7D0, $0x38;
	[tilespmem:$0x4AF8] =	vst v63  }
0x18: {  	_ =	swait.ge @!p0 [sflag:s15], $0x7D0  }
0x19: {  	[sflag:s15] =	ssyncset.done @!p0 $0x0  }
0x1a: {  	[sflag:s15] =	ssyncadd.s32 @!p0 $0xFFFFF830  }
0x1b: {  	[spmem:s3] =	stream.linear.scatter @!p0 [tilespmem:s14], [sflag:$0x1], $0x7D0, $0x38;
	[tilespmem:$0x4AF8] =	vst v63  }
0x1c: {  	_ =	swait.ge @!p0 [sflag:s15], $0x7D0  }
0x1d: {  	[sflag:s15] =	ssyncset.done @!p0 $0x0  }
0x1e: {  	[sflag:s15] =	ssyncadd.s32 @!p0 $0xFFFFF830  }
0x1f: {  	[spmem:s4] =	stream.linear.scatter @!p0 [tilespmem:s14], [sflag:$0x1], $0x7D0, $0x38;
	[tilespmem:$0x4AF8] =	vst v63  }
0x20: {  	_ =	swait.ge @!p0 [sflag:s15], $0x7D0  }
0x21: {  	[sflag:s15] =	ssyncset.done @!p0 $0x0  }
0x22: {  	[sflag:s15] =	ssyncadd.s32 @!p0 $0xFFFFF830  }
0x23: {  	[spmem:s5] =	stream.linear.scatter @!p0 [tilespmem:s14], [sflag:$0x1], $0x7D0, $0x38;
	[tilespmem:$0x4AF8] =	vst v63  }
0x24: {  	_ =	swait.ge @!p0 [sflag:s15], $0x7D0  }
0x25: {  	[sflag:s15] =	ssyncset.done @!p0 $0x0  }
0x26: {  	[sflag:s15] =	ssyncadd.s32 @!p0 $0xFFFFF830  }
0x27: {  	[spmem:s6] =	stream.linear.scatter @!p0 [tilespmem:s14], [sflag:$0x1], $0x7D0, $0x38;
	[tilespmem:$0x4AF8] =	vst v63  }
0x28: {  	_ =	swait.ge @!p0 [sflag:s15], $0x7D0  }
0x29: {  	[sflag:s15] =	ssyncset.done @!p0 $0x0  }
0x2a: {  	[sflag:s15] =	ssyncadd.s32 @!p0 $0xFFFFF830  }
0x2b: {  	s30 =	simm.s32 $0x0;
	[bflag:$0x0] =	sbarrier.arrive $0xFFFF  }
0x2c: {  	[tilespmem:s30], [sflag:$0x1] =	stream.linear.gather [hbm4b:s7+s30], $0x3E80, $0x38;
	[tilespmem:$0x4AF8] =	vst v63  }
0x2d: {  	_ =	swait.ge [sflag:s10], $0x3E80  }
0x2e: {  	[sflag:s10] =	ssyncset.done $0x0  }
0x2f: {  	s31 =	simm.s32 $0x0;
	[sflag:s10] =	ssyncadd.s32 $0xFFFFC180  }
0x30: {  	[spmem:s1] =	stream.indirect.scatter.add.f32 [tilespmem:s12], [sflag:$0x1], $0x1, s31, s11, $0xb8;
	[tilespmem:$0x4AF8] =	vst v63  }
0x31: {  	_ =	swait.ge [sflag:s10], $0x50  }
0x32: {  	s14 =	simm.s32 $0x200;
	[sflag:s10] =	ssyncset.done $0x0  }
.LBB2_4:
0x33: {  	s15 =	sshra.s32 s14, $0x2;
	[sflag:s10] =	ssyncadd.s32 $0xFFFFFFB0;
	p1 =	sne.s32 s14, $0xF800  }
0x34: {  	[spmem:s1] =	stream.indirect.scatter.add.f32 [tilespmem:s12], [sflag:$0x1], $0x1, s15, s11, $0xb8;
	[tilespmem:$0x4AF8] =	vst v63  }
.Ltmp1:
0x35: {  	_ = 	snop;
	(pc) =	sbr.rel @p1 .LBB2_4-.Ltmp1, $4  }
0x36: {  	_ = 	snop  }
0x37: {  	s14 =	sadd.s32 $0x200, s14  }
0x38: {  	_ =	swait.ge [sflag:s10], $0x50  }
0x39: {  	[sflag:s10] =	ssyncset.done $0x0  }
0x3a: {  	[sflag:s10] =	ssyncadd.s32 $0xFFFFFFB0;
	s14 =	simm.s32 @!p0 $0x1;
	s2 =	sadd.s32 $0x1, s2  }
0x3b: {  	s15 =	simm.s32 @!p0 $0x20;
	s16 =	simm.s32 @!p0 $0x10;
	p1 =	sne.s32 s2, s9  }
.Ltmp2:
0x3c: {  	s17 =	simm.s32 @!p0 $0x1C01;
	[bflag:$0x0] =	sbarrier.arrive $0xFFFF;
	(pc) =	sbr.rel @p1 .LBB2_1-.Ltmp2, $4  }
0x3d: {  	[hbm:s8@s15], [sflag:s17] =	dma.strided @!p0 [spmem:s13@s16], $0x4F0, s14, $0x10   }
0x3e: {  	_ =	swait.ge @!p0 [sflag:s14], $0x4F0  }
0x3f: {  	[sflag:s14] =	ssyncset.done @!p0 $0x0  }
0x40: {  	[sflag:s14] =	ssyncadd.s32 @!p0 $0xFFFFFB10  }
0x41: {  	_ =	sfence.sel $0x180000  }
0x42: {  	[bflag:$0x0] =	sbarrier.arrive $0xFFFF  }
0x43: {  	_ =	strace $0x90000047  }
0x44: {  	s0 =	sadd.s32 @!p0 $0x100000, s0;
	[bflag:$0x2] =	sbarrier.arrive $0xFFFF  }
0x45: {  	[sflag:s0] =	ssyncadd.tile.s32 @!p0 $0x1;
	_ =	shalt  }
.Lfunc_end2:
_tile_overlayer_lowered:
.L_overlay_start_2:
0x46: {  	(tag) =	ssettag $0x2  }
0x47: {  	s0 =	rddreg [dreg:$0x0];
	s2 =	stileid.u32  }
0x48: {  	s1 =	rddreg [dreg:$0x1];
	p0 =	sne.s32 s2, $0x0  }
0x49: {  	s3 =	rddreg [dreg:$0x2];
	[bflag:$0x3] =	sbarrier.arrive $0xFFFF;
	s2 =	simm.s32 @!p0 $0x1C01  }
0x4a: {  	[timem:s3], [sflag:s2] =	dma.local @!p0 [hbm:s0], s1  }
0x4b: {  	s0 =	simm.s32 @!p0 $0x1  }
0x4c: {  	_ =	swait.ge @!p0 [sflag:s0], s1  }
0x4d: {  	s1 =	ssub.s32 @!p0 $0x0, s1;
	[sflag:s0] =	ssyncset.done @!p0 $0x0  }
0x4e: {  	[sflag:s0] =	ssyncadd.s32 @!p0 s1  }
0x4f: {  	[bflag:$0x3] =	sbarrier.arrive $0xFFFF  }
0x50: {  	_ =	shalt  }

// kernel: kernel.16.cloned.1.call-start
scs
__scs_entry_jumppad:
0x0: {  	(pc) =	sbr.rel $0x88, $3  }
0x1: {  	(tag) =	ssettag $0x0;
	lr =	simm.s32 $0x1  }
0x2: {  	[smem:$0x3F92] =	sst lr;
	_ =	strace $0xD0000000  }
0x3: {  	_ = 	snop  }
0x4: {  	_ = 	snop  }
0x5: {  	_ = 	snop  }
0x6: {  	_ = 	snop  }
0x7: {  	_ = 	snop  }
__scs_overlays_trampoline_lowered:
0x8: {  	[smem:$0x3FA1] =	sst s0  }
0x9: {  	[smem:$0x3FA2] =	sst s1  }
0xa: {  	[smem:$0x3FA3] =	sst s2  }
0xb: {  	[smem:$0x3FA4] =	sst s3  }
0xc: {  	[smem:$0x3FA5] =	sst s4  }
0xd: {  	[smem:$0x3FA6] =	sst s5  }
0xe: {  	[smem:$0x3FA7] =	sst s6  }
0xf: {  	[smem:$0x3FA8] =	sst s7  }
0x10: {  	[smem:$0x3FA9] =	sst s8  }
0x11: {  	[smem:$0x3FAA] =	sst s9;
	s0 =	simm.s32 @!p0 $0x0  }
0x12: {  	s1 =	sld [smem:$0x3F90];
	s0 =	simm.s32 @p0 $0x1  }
0x13: {  	[smem:$0x3FAB] =	sst s0;
	s0 =	simm.s32 @!p1 $0x0  }
0x14: {  	s2 =	sld [smem:$0x3F8F];
	s0 =	simm.s32 @p1 $0x1  }
0x15: {  	[smem:$0x3FAC] =	sst s0;
	s0 =	simm.s32 @!p2 $0x0  }
0x16: {  	s3 =	sld [smem:$0x3FDB];
	s0 =	simm.s32 @p2 $0x1  }
0x17: {  	s4 =	simm.s32 $0x1BF5;
	[smem:$0x3FAE] =	sst s0  }
0x18: {  	s0 =	sld [smem:$0x3F91];
	_ =	swait.ge [sflag:s4], $0x0  }
0x19: {  	s7 =	sld [smem:$0x3F92]  }
0x1a: {  	s8 =	sadd.s32 $0xFFFFE003, lr  }
0x1b: {  	s9 =	sadd.s32 $0xFFFFFEF7, lr;
	s5 =	simm.s32 $0xFFFFFFFF;
	p2 =	slt.u32 s8, $0xFFFFF086  }
0x1c: {  	p1 =	slt.u32 s9, $0xF7A;
	s5 =	simm.s32 @!p2 $0x0  }
0x1d: {  	s5 =	simm.s32 @p1 $0x1;
	p0 =	seq.s32 s7, s2  }
0x1e: {  	s7 =	smul.u32 @!p0 $0xF7A, s2;
	p2 =	seq.s32 @!p0 s5, $0x0  }
0x1f: {  	s9 =	smul.u32 $0xF7A, s1;
	s8 =	simm.s32 @!p0 $0x1BF5;
	p2 =	por !p2, p0  }
0x20: {  	[sflag:s8] =	ssyncset.s32 @!p0 $0xFFFFF086;
	s6 =	sadd.s32 @!p0 s3, s7;
	s7 =	simm.s32 @!p0 $0x108  }
0x21: {  	s3 =	sadd.s32 s3, s9;
	s6 =	sadd.s32 @!p0 $0x88, s6;
	s7 =	simm.s32 @p2 $0x1082  }
0x22: {  	[simem:s7], [sflag:s8] =	dma.local @!p0 [hbm:s6], $0xF7A  }
0x23: {  	s9 =	sor.u32 $0xD0000000, s2;
	s6 =	simm.s32 $0x108;
	_ =	swait.ge @!p0 [sflag:s8], $0x0  }
0x24: {  	s3 =	sadd.s32 $0x88, s3;
	s6 =	simm.s32 @!p1 $0x1082;
	[sflag:s4] =	ssyncset.s32 $0xFFFFF086  }
0x25: {  	[simem:s6], [sflag:s4] =	dma.local [hbm:s3], $0xF7A  }
0x26: {  	[smem:$0x3F92] =	sst s1;
	(tag) =	ssettag s2;
	_ =	strace s9  }
0x27: {  	s1 =	sld [smem:$0x3FA2]  }
0x28: {  	s2 =	sld [smem:$0x3FA3]  }
0x29: {  	s4 =	sld [smem:$0x3FA5]  }
0x2a: {  	p0 =	seq.s32 s5, $0x0;
	s5 =	sld [smem:$0x3FA6]  }
0x2b: {  	s6 =	sld [smem:$0x3FA7]  }
0x2c: {  	s7 =	sld [smem:$0x3FA8]  }
0x2d: {  	s3 =	simm.s32 $0x108;
	s8 =	sld [smem:$0x3FA9]  }
0x2e: {  	s3 =	simm.s32 @!p0 $0x1082;
	s9 =	sld [smem:$0x3FAA]  }
0x2f: {  	lr =	sadd.s32 s0, s3;
	s0 =	sld [smem:$0x3FA1]  }
0x30: {  	s3 =	sld [smem:$0x3FA4]  }
0x31: {  	[smem:$0x3FAD] =	sst s10  }
0x32: {  	s10 =	sld [smem:$0x3FAB];
	_ =	sdelay $0x3  }
0x33: {  	p0 =	seq.s32 s10, $0x1;
	s10 =	sld [smem:$0x3FAD];
	_ =	sdelay $0x3  }
0x34: {  	[smem:$0x3FAD] =	sst s10  }
0x35: {  	s10 =	sld [smem:$0x3FAC];
	_ =	sdelay $0x3  }
0x36: {  	p1 =	seq.s32 s10, $0x1;
	s10 =	sld [smem:$0x3FAD];
	_ =	sdelay $0x3  }
0x37: {  	[smem:$0x3FAD] =	sst s10  }
0x38: {  	s10 =	sld [smem:$0x3FAE]  }
0x39: {  	_ = 	snop;
	(pc) =	sbr.ind lr, $3  }
0x3a: {  	_ = 	snop  }
0x3b: {  	_ = 	snop  }
0x3c: {  	p2 =	seq.s32 s10, $0x1;
	s10 =	sld [smem:$0x3FAD]  }
0x3d: {  	_ =	shalt  }
0x3e: {  	_ =	shalt  }
0x3f: {  	_ =	shalt  }
0x40: {  	_ =	shalt  }
0x41: {  	_ =	shalt  }
0x42: {  	_ =	shalt  }
0x43: {  	_ =	shalt  }
0x44: {  	_ =	shalt  }
0x45: {  	_ =	shalt  }
0x46: {  	_ =	shalt  }
0x47: {  	_ =	shalt  }
0x48: {  	_ =	shalt  }
0x49: {  	_ =	shalt  }
0x4a: {  	_ =	shalt  }
0x4b: {  	_ =	shalt  }
0x4c: {  	_ =	shalt  }
0x4d: {  	_ =	shalt  }
0x4e: {  	_ =	shalt  }
0x4f: {  	_ =	shalt  }
0x50: {  	_ =	shalt  }
0x51: {  	_ =	shalt  }
0x52: {  	_ =	shalt  }
0x53: {  	_ =	shalt  }
0x54: {  	_ =	shalt  }
0x55: {  	_ =	shalt  }
0x56: {  	_ =	shalt  }
0x57: {  	_ =	shalt  }
0x58: {  	_ =	shalt  }
0x59: {  	_ =	shalt  }
0x5a: {  	_ =	shalt  }
0x5b: {  	_ =	shalt  }
0x5c: {  	_ =	shalt  }
0x5d: {  	_ =	shalt  }
0x5e: {  	_ =	shalt  }
0x5f: {  	_ =	shalt  }
0x60: {  	_ =	shalt  }
0x61: {  	_ =	shalt  }
0x62: {  	_ =	shalt  }
0x63: {  	_ =	shalt  }
0x64: {  	_ =	shalt  }
0x65: {  	_ =	shalt  }
0x66: {  	_ =	shalt  }
0x67: {  	_ =	shalt  }
0x68: {  	_ =	shalt  }
0x69: {  	_ =	shalt  }
0x6a: {  	_ =	shalt  }
0x6b: {  	_ =	shalt  }
0x6c: {  	_ =	shalt  }
0x6d: {  	_ =	shalt  }
0x6e: {  	_ =	shalt  }
0x6f: {  	_ =	shalt  }
0x70: {  	_ =	shalt  }
0x71: {  	_ =	shalt  }
0x72: {  	_ =	shalt  }
0x73: {  	_ =	shalt  }
0x74: {  	_ =	shalt  }
0x75: {  	_ =	shalt  }
0x76: {  	_ =	shalt  }
0x77: {  	_ =	shalt  }
0x78: {  	_ =	shalt  }
0x79: {  	_ =	shalt  }
0x7a: {  	_ =	shalt  }
0x7b: {  	_ =	shalt  }
0x7c: {  	_ =	shalt  }
0x7d: {  	_ =	shalt  }
0x7e: {  	_ =	shalt  }
0x7f: {  	_ =	shalt  }
0x80: {  	_ =	shalt  }
0x81: {  	_ =	shalt  }
0x82: {  	_ =	shalt  }
0x83: {  	_ =	shalt  }
0x84: {  	_ =	shalt  }
0x85: {  	_ =	shalt  }
0x86: {  	_ =	shalt  }
0x87: {  	_ =	shalt  }
.Lfunc_end0:
.L_simem_size_0:
called_computation.1_lowered:
.L_overlay_start_0:
0x88: {  	s2 =	sld [smem:$0x3FD9]  }
0x89: {  	s3 =	sld [smem:$0x3FFE];
	_ =	sdelay $0x1  }
0x8a: {  	s1 =	srdreg.scid  }
0x8b: {  	s0 =	sand.u32 $0x1, s1  }
0x8c: {  	s16 =	sshll.u32 s0, $0xA;
	s2 =	sadd.s32 s3, s2  }
0x8d: {  	s2 =	sadd.s32 s2, s16  }
0x8e: {  	[smem:$0x3FB9] =	sst s2  }
0x8f: {  	_ = 	snop  }
0x90: {  	(tm) =	ssettm $0x1  }
0x91: {  	s17 =	sld [smem:$0x3FFB];
	_ =	sdelay $0x3  }
0x92: {  	_ =	strace s17  }
0x93: {  	s2 =	sld [smem:$0x3FFC];
	_ =	sdelay $0x3  }
0x94: {  	_ =	strace s2  }
0x95: {  	s2 =	sld [smem:$0x3FFD];
	_ =	sdelay $0x3  }
0x96: {  	_ =	strace s2  }
0x97: {  	_ =	strace $0x8FFFFFFF  }
0x98: {  	s18 =	sld [smem:$0x3FDB];
	_ =	sdelay $0x1  }
0x99: {  	s19 =	simm.s32 $_scs_section_size  }
0x9a: {  	s4 =	simm.s32 $_size__tile_overlayer_lowered;
	s5 =	simm.s32 $_tile_overlayer_lowered  }
0x9b: {  	s22 =	simm.s32 $0x1BFF;
	s21 =	sshll.u32 s5, $0x1;
	s2 =	sadd.s32 s19, s18  }
0x9c: {  	s6 =	simm.s32 $0x0;
	s20 =	sshll.u32 s4, $0x1;
	s4 =	sadd.s32 s21, s2  }
0x9d: {  	[timem:s6], [sflag:s22] =	dma.local [hbm:s4], s20  }
0x9e: {  	_ =	swait.ge [sflag:s22], s20  }
0x9f: {  	s3 =	ssub.s32 $0x0, s20;
	[sflag:s22] =	ssyncset.done $0x0  }
0xa0: {  	[sflag:s22] =	ssyncadd.s32 s3;
	_ =	sdelay $0x1  }
0xa1: {  	s23 =	simm.s32 $0x1B8B  }
0xa2: {  	_ =	swait.ge [sflag:s23], $0x1  }
0xa3: {  	[sflag:s23] =	ssyncset.done $0x0  }
0xa4: {  	s25 =	simm.s32 $0x1B8E;
	s24 =	sld [smem:$0x3FFE];
	[sflag:s23] =	ssyncadd.s32 $0xFFFFFFFF  }
0xa5: {  	s26 =	simm.s32 $execute0_lowered;
	[smem:$0x3FD2] =	sst s25  }
0xa6: {  	s4 =	sshll.u32 s26, $0x1;
	_ =	strace $0x80000049;
	[dreg:$0x1] =	wrdreg $0xFFFFFFFF  }
0xa7: {  	s28 =	simm.s32 $_size_execute0_lowered;
	s2 =	sadd.s32 s2, s4;
	[dreg:$0x0] =	wrdreg $0x0  }
0xa8: {  	s4 =	sshll.u32 s28, $0x1;
	[dreg:$0x2] =	wrdreg s2  }
0xa9: {  	[dreg:$0x3] =	wrdreg s4  }
0xaa: {  	[dreg:$0x4] =	wrdreg $0xC0  }
0xab: {  	_ =	task [dreg:s6], $0x5FFFF  }
0xac: {  	[dreg:$0x1] =	wrdreg $0xFFFFFFFF  }
0xad: {  	[dreg:$0x0] =	wrdreg $0x60  }
0xae: {  	[dreg:$0x2] =	wrdreg s24  }
0xaf: {  	[dreg:$0x3] =	wrdreg $0x90000  }
0xb0: {  	[dreg:$0x4] =	wrdreg $0x9  }
0xb1: {  	_ =	task.clear_ibuf [dreg:s6], $0x5FFFF;
	_ =	strace $0x90000049  }
0xb2: {  	s29 =	simm.s32 $0x9;
	_ =	strace $0x8000004B  }
0xb3: {  	_ =	swait.ge [sflag:s29], $0x1  }
0xb4: {  	[sflag:s29] =	ssyncadd.s32 $0xFFFFFFFF  }
0xb5: {  	_ =	strace $0x9000004B  }
0xb6: {  	_ =	sfence  }
0xb7: {  	s30 =	sld [smem:$0x0];
	_ =	sdelay $0x2  }
0xb8: {  	s31 =	sshll.u32 s1, $0xD;
	s1 =	sshrl.u32 s1, $0x2  }
0xb9: {  	s3 =	sand.u32 $0x4000, s31;
	s1 =	sadd.s32 s1, s30  }
0xba: {  	s0 =	sor.u32 s3, s0;
	s1 =	sshll.u32 s1, $0x11  }
0xbb: {  	s0 =	sor.u32 s1, s0  }
0xbc: {  	s0 =	sadd.s32 $0x8F2B, s0  }
0xbd: {  	[sflag:s0] =	ssyncadd.remote.s32 $0x1  }
0xbe: {  	_ =	sfence.sel $0xFFFF  }
0xbf: {  	[dreg:$0x0] =	wrdreg $0xFFFFFFFF;
	(pc) =	sbr.abs _section_cstart, $3  }
0xc0: {  	[dreg:$0x1] =	wrdreg $0xFFFFFFFF  }
0xc1: {  	_ =	task.clear_ibuf [dreg:s6], $0x2FFFF;
	_ =	strace $0x9FFFFFFF  }
0xc2: {  	(tm) =	ssettm $0x7FFFFFFF  }
0xc3: {  	_ =	shalt  }
tec
execute0_lowered:
.L_overlay_start_1:
0x0: {  	(tag) =	ssettag $0x1  }
0x1: {  	s5 =	rddreg [dreg:$0x0]  }
0x2: {  	s0 =	srdreg.scid;
	s2 =	rddreg [dreg:$0x1]  }
0x3: {  	s1 =	stileid.u32;
	s3 =	simm.s32 $0x0;
	s14 =	simm.s32 $0x2800  }
0x4: {  	s15 =	simm.s32 $0x7D;
	s6 =	sand.u32 $0x1, s0;
	s0 =	rddreg [dreg:$0x2]  }
0x5: {  	s16 =	simm.s32 $0x1;
	[smem:$0x7FF] =	sst s3;
	s12 =	smul.u32 $0x14000, s1  }
0x6: {  	s10 =	sadd.s32 $0x9FC00, s5;
	p0 =	seq.s32 s1, $0xF;
	s29 =	smul.u32 $0x50000, s1  }
0x7: {  	s17 =	sadd.s32 $0x12C000, s2;
	s4 =	sshll.u32 s6, $0x4;
	_ =	strace $0x8000004A  }
0x8: {  	s8 =	ssub.s32 $0x2, s6;
	s11 =	smul.u32 $0x138800, s6;
	s17 =	sshrl.u32 @p0 s17, $0x3  }
0x9: {  	s4 =	sor.u32 s1, s4;
	s9 =	sshrl.u32 s8, $0x1;
	s31 =	sshrl.u32 s29, $0x2  }
0xa: {  	s7 =	smul.u32 $0x500, s4;
	s4 =	sadd.s32 $0x51800, s5;
	s13 =	ssub.s32 s8, s9  }
0xb: {  	s30 =	sadd.s32 s12, s11;
	s11 =	sshrl.u32 s11, $0x3;
	s12 =	simm.s32 $0x5000  }
0xc: {  	s9 =	sshrl.u32 s30, $0x3;
	s7 =	sadd.s32 s7, s5;
	s5 =	simm.s32 $0x5  }
0xd: {  	s8 =	sadd.s32 s10, s9;
	s9 =	sadd.s32 s31, s2;
	s10 =	sadd.s32 s10, s11  }
0xe: {  	s11 =	smax.u32 s13, $0x1;
	s13 =	simm.s32 $0x2;
	s5 =	simm.s32 @!p0 $0x8  }
0xf: {  	v0 =	vimm.f32 $0.0e+00;
	s6 =	sadd.s32 $0x20600, s7;
	s7 =	sadd.s32 $0x16600, s7;
	s10 =	sadd.s32 $0x25800, s10  }
.LBB2_1:
0x10: {  	s18 =	simm.s32 $0x0;
	s19 =	simm.s32 $0x200  }
.LBB2_2:
0x11: {  	p1 =	sne.s32 s19, $0x9E00;
	[tilespmem:s18+$0x5070] =	vst v0  }
0x12: {  	[tilespmem:s18+$0x5000] =	vst v0  }
0x13: {  	[tilespmem:s18+$0x5010] =	vst v0  }
.Ltmp0:
0x14: {  	[tilespmem:s18+$0x5020] =	vst v0;
	(pc) =	sbr.rel @p1 .LBB2_2-.Ltmp0, $4  }
0x15: {  	[tilespmem:s18+$0x5030] =	vst v0  }
0x16: {  	[tilespmem:s18+$0x5040] =	vst v0  }
0x17: {  	[tilespmem:s18+$0x5050] =	vst v0  }
0x18: {  	[tilespmem:s18+$0x5060] =	vst v0;
	s18 =	sshra.s32 s19, $0x2;
	s19 =	sadd.s32 $0x200, s19  }
0x19: {  	[tilespmem:s18+$0x5070] =	vst v0  }
0x1a: {  	[tilespmem:s18+$0x5000] =	vst v0  }
0x1b: {  	[tilespmem:s18+$0x5010] =	vst v0  }
0x1c: {  	[tilespmem:s18+$0x5020] =	vst v0  }
0x1d: {  	[tilespmem:s18+$0x5030] =	vst v0  }
0x1e: {  	[tilespmem:s18+$0x5040] =	vst v0;
	p1 =	sne.s32 s5, $0x1  }
.Ltmp1:
0x1f: {  	[tilespmem:s18+$0x5050] =	vst v0;
	(pc) =	sbr.rel @!p1 .LBB2_5-.Ltmp1, $4  }
0x20: {  	[tilespmem:s18+$0x5060] =	vst v0  }
0x21: {  	[spmem:s9] =	stream.linear.scatter [tilespmem:s12], [sflag:$0x2], $0x2800, $0x38;
	[tilespmem:$0x1C880] =	vst v63  }
0x22: {  	_ =	swait.ge [sflag:s13], $0x2800  }
0x23: {  	s18 =	sadd.s32 $0xFFFFFFFF, s5;
	s19 =	smov.u32 s9;
	[sflag:s13] =	ssyncset.done $0x0  }
.LBB2_4:
0x24: {  	p1 =	sne.s32 s18, $0x1;
	[sflag:s13] =	ssyncadd.s32 $0xFFFFD800;
	s19 =	sadd.s32 $0x2800, s19  }
.Ltmp2:
0x25: {  	s18 =	sadd.s32 $0xFFFFFFFF, s18;
	(pc) =	sbr.rel @p1 .LBB2_4-.Ltmp2, $4  }
0x26: {  	_ = 	snop  }
0x27: {  	[spmem:s19] =	stream.linear.scatter [tilespmem:s12], [sflag:$0x2], $0x2800, $0x38;
	[tilespmem:$0x1C880] =	vst v63  }
0x28: {  	_ =	swait.ge [sflag:s13], $0x2800  }
0x29: {  	[sflag:s13] =	ssyncset.done $0x0  }
.LBB2_5:
0x2a: {  	[sflag:s13] =	ssyncadd.s32 $0xFFFFD800  }
0x2b: {  	s18 =	simm.s32 $0x0;
	[bflag:$0x0] =	sbarrier.arrive $0xFFFF  }
0x2c: {  	[tilespmem:s18], [sflag:$0x2] =	stream.linear.gather [hbm4b:s6+s18], $0x2800, $0x38;
	[tilespmem:$0x1C880] =	vst v63  }
0x2d: {  	_ =	swait.ge [sflag:s13], $0x2800  }
0x2e: {  	[sflag:s13] =	ssyncset.done $0x0  }
0x2f: {  	[sflag:s13] =	ssyncadd.s32 $0xFFFFD800  }
0x30: {  	[tilespmem:s14], [sflag:$0x2] =	stream.linear.gather [hbm4b:s7+s18], $0x2800, $0x38;
	[tilespmem:$0x1C880] =	vst v63  }
0x31: {  	_ =	swait.ge [sflag:s13], $0x2800  }
0x32: {  	[sflag:s13] =	ssyncset.done $0x0  }
0x33: {  	s30 =	simm.s32 $0x0;
	[sflag:s13] =	ssyncadd.s32 $0xFFFFD800  }
0x34: {  	[tilespmem:s12], [sflag:$0x1] =	stream.indirect.gather [hbm4b:s4+s15], $0x80, s30, s15, $0xb8;
	[tilespmem:$0x1C880] =	vst v63  }
0x35: {  	_ =	swait.ge [sflag:s16], $0x3E80  }
0x36: {  	[sflag:s16] =	ssyncset.done $0x0  }
0x37: {  	s31 =	simm.s32 $0x2800;
	[sflag:s16] =	ssyncadd.s32 $0xFFFFC180  }
0x38: {  	[spmem:s2] =	stream.indirect.scatter.add.f32 [tilespmem:s12], [sflag:$0x2], $0x80, s31, s15, $0xb8;
	[tilespmem:$0x1C880] =	vst v63  }
0x39: {  	_ =	swait.ge [sflag:s13], $0x3E80  }
0x3a: {  	s19 =	simm.s32 $0x400;
	s18 =	simm.s32 $0x200;
	[sflag:s13] =	ssyncset.done $0x0  }
.LBB2_6:
0x3b: {  	s20 =	sshra.s32 s18, $0x2  }
0x3c: {  	[sflag:s13] =	ssyncadd.s32 $0xFFFFC180;
	s18 =	smov.u32 s19;
	s21 =	sadd.s32 $0x200, s19  }
0x3d: {  	[tilespmem:s12], [sflag:$0x1] =	stream.indirect.gather [hbm4b:s4+s15], $0x80, s20, s15, $0xb8;
	[tilespmem:$0x1C880] =	vst v63  }
0x3e: {  	p1 =	sne.s32 s19, $0x9E00;
	_ =	swait.ge [sflag:s16], $0x3E80  }
.Ltmp3:
0x3f: {  	[sflag:s16] =	ssyncset.done $0x0;
	(pc) =	sbr.rel @p1 .LBB2_6-.Ltmp3, $4  }
0x40: {  	s19 =	sadd.s32 $0x2800, s20;
	[sflag:s16] =	ssyncadd.s32 $0xFFFFC180  }
0x41: {  	[spmem:s2] =	stream.indirect.scatter.add.f32 [tilespmem:s12], [sflag:$0x2], $0x80, s19, s15, $0xb8;
	[tilespmem:$0x1C880] =	vst v63  }
0x42: {  	_ =	swait.ge [sflag:s13], $0x3E80  }
0x43: {  	s19 =	smov.u32 s21;
	[sflag:s13] =	ssyncset.done $0x0  }
0x44: {  	s18 =	sshra.s32 s18, $0x2;
	[sflag:s13] =	ssyncadd.s32 $0xFFFFC180  }
0x45: {  	[tilespmem:s12], [sflag:$0x1] =	stream.indirect.gather [hbm4b:s4+s15], $0x80, s18, s15, $0xb8;
	[tilespmem:$0x1C880] =	vst v63  }
0x46: {  	_ =	swait.ge [sflag:s16], $0x3E80  }
0x47: {  	[sflag:s16] =	ssyncset.done $0x0  }
0x48: {  	s18 =	sadd.s32 $0x2800, s18;
	[sflag:s16] =	ssyncadd.s32 $0xFFFFC180  }
0x49: {  	[spmem:s2] =	stream.indirect.scatter.add.f32 [tilespmem:s12], [sflag:$0x2], $0x80, s18, s15, $0xb8;
	[tilespmem:$0x1C880] =	vst v63  }
0x4a: {  	_ =	swait.ge [sflag:s13], $0x3E80  }
0x4b: {  	[sflag:s13] =	ssyncset.done $0x0  }
0x4c: {  	[sflag:s13] =	ssyncadd.s32 $0xFFFFC180  }
0x4d: {  	s18 =	simm.s32 @p0 $0x1FC2;
	[bflag:$0x0] =	sbarrier.arrive $0xFFFF  }
0x4e: {  	[hbm:s10], [sflag:s18] =	dma.local @p0 [spmem:s17], $0x1900  }
0x4f: {  	s18 =	simm.s32 @p0 $0x2  }
0x50: {  	s3 =	sadd.s32 $0x1, s3;
	_ =	swait.ge @p0 [sflag:s18], $0x1900  }
0x51: {  	s19 =	sshll.u32 @!p0 s1, $0x6;
	p1 =	sne.s32 s3, s11;
	[sflag:s18] =	ssyncset.done @p0 $0x0  }
0x52: {  	[sflag:s18] =	ssyncadd.s32 @p0 $0xFFFFE700;
	s18 =	sor.u32 @!p0 $0x1C02, s19;
	s19 =	sshrl.u32 @!p0 s9, $0x3  }
0x53: {  	[hbm:s8], [sflag:s18] =	dma.local @!p0 [spmem:s19], $0x2800  }
.Ltmp4:
0x54: {  	_ = 	snop;
	(pc) =	sbr.rel @p1 .LBB2_1-.Ltmp4, $4  }
0x55: {  	s18 =	simm.s32 @!p0 $0x2  }
0x56: {  	_ =	swait.ge @!p0 [sflag:s18], $0x2800  }
0x57: {  	[sflag:s18] =	ssyncset.done @!p0 $0x0  }
0x58: {  	[sflag:s18] =	ssyncadd.s32 @!p0 $0xFFFFD800  }
0x59: {  	_ =	sfence.sel $0x180000  }
0x5a: {  	[bflag:$0x0] =	sbarrier.arrive $0xFFFF  }
0x5b: {  	p0 =	sne.s32 s1, $0x0;
	_ =	strace $0x9000004A  }
0x5c: {  	s0 =	sadd.s32 @!p0 $0x100000, s0;
	[bflag:$0x2] =	sbarrier.arrive $0xFFFF  }
0x5d: {  	[sflag:s0] =	ssyncadd.tile.s32 @!p0 $0x1;
	_ =	shalt  }
.Lfunc_end2:
_tile_overlayer_lowered:
.L_overlay_start_2:
0x5e: {  	(tag) =	ssettag $0x2  }
0x5f: {  	s0 =	rddreg [dreg:$0x0];
	s2 =	stileid.u32  }
0x60: {  	s1 =	rddreg [dreg:$0x1];
	p0 =	sne.s32 s2, $0x0  }
0x61: {  	s3 =	rddreg [dreg:$0x2];
	[bflag:$0x3] =	sbarrier.arrive $0xFFFF;
	s2 =	simm.s32 @!p0 $0x1C02  }
0x62: {  	[timem:s3], [sflag:s2] =	dma.local @!p0 [hbm:s0], s1  }
0x63: {  	s0 =	simm.s32 @!p0 $0x2  }
0x64: {  	_ =	swait.ge @!p0 [sflag:s0], s1  }
0x65: {  	s1 =	ssub.s32 @!p0 $0x0, s1;
	[sflag:s0] =	ssyncset.done @!p0 $0x0  }
0x66: {  	[sflag:s0] =	ssyncadd.s32 @!p0 s1  }
0x67: {  	[bflag:$0x3] =	sbarrier.arrive $0xFFFF  }
0x68: {  	_ =	shalt  }

// kernel: kernel.19.cloned.1.call-start
scs
__scs_entry_jumppad:
0x0: {  	(pc) =	sbr.rel $0x88, $3  }
0x1: {  	(tag) =	ssettag $0x0;
	lr =	simm.s32 $0x1  }
0x2: {  	[smem:$0x3F92] =	sst lr;
	_ =	strace $0xD0000000  }
0x3: {  	_ = 	snop  }
0x4: {  	_ = 	snop  }
0x5: {  	_ = 	snop  }
0x6: {  	_ = 	snop  }
0x7: {  	_ = 	snop  }
__scs_overlays_trampoline_lowered:
0x8: {  	[smem:$0x3FA1] =	sst s0  }
0x9: {  	[smem:$0x3FA2] =	sst s1  }
0xa: {  	[smem:$0x3FA3] =	sst s2  }
0xb: {  	[smem:$0x3FA4] =	sst s3  }
0xc: {  	[smem:$0x3FA5] =	sst s4  }
0xd: {  	[smem:$0x3FA6] =	sst s5  }
0xe: {  	[smem:$0x3FA7] =	sst s6  }
0xf: {  	[smem:$0x3FA8] =	sst s7  }
0x10: {  	[smem:$0x3FA9] =	sst s8  }
0x11: {  	[smem:$0x3FAA] =	sst s9;
	s0 =	simm.s32 @!p0 $0x0  }
0x12: {  	s1 =	sld [smem:$0x3F90];
	s0 =	simm.s32 @p0 $0x1  }
0x13: {  	[smem:$0x3FAB] =	sst s0;
	s0 =	simm.s32 @!p1 $0x0  }
0x14: {  	s2 =	sld [smem:$0x3F8F];
	s0 =	simm.s32 @p1 $0x1  }
0x15: {  	[smem:$0x3FAC] =	sst s0;
	s0 =	simm.s32 @!p2 $0x0  }
0x16: {  	s3 =	sld [smem:$0x3FDB];
	s0 =	simm.s32 @p2 $0x1  }
0x17: {  	s4 =	simm.s32 $0x1BF5;
	[smem:$0x3FAE] =	sst s0  }
0x18: {  	s0 =	sld [smem:$0x3F91];
	_ =	swait.ge [sflag:s4], $0x0  }
0x19: {  	s7 =	sld [smem:$0x3F92]  }
0x1a: {  	s8 =	sadd.s32 $0xFFFFE003, lr  }
0x1b: {  	s9 =	sadd.s32 $0xFFFFFEF7, lr;
	s5 =	simm.s32 $0xFFFFFFFF;
	p2 =	slt.u32 s8, $0xFFFFF086  }
0x1c: {  	p1 =	slt.u32 s9, $0xF7A;
	s5 =	simm.s32 @!p2 $0x0  }
0x1d: {  	s5 =	simm.s32 @p1 $0x1;
	p0 =	seq.s32 s7, s2  }
0x1e: {  	s7 =	smul.u32 @!p0 $0xF7A, s2;
	p2 =	seq.s32 @!p0 s5, $0x0  }
0x1f: {  	s9 =	smul.u32 $0xF7A, s1;
	s8 =	simm.s32 @!p0 $0x1BF5;
	p2 =	por !p2, p0  }
0x20: {  	[sflag:s8] =	ssyncset.s32 @!p0 $0xFFFFF086;
	s6 =	sadd.s32 @!p0 s3, s7;
	s7 =	simm.s32 @!p0 $0x108  }
0x21: {  	s3 =	sadd.s32 s3, s9;
	s6 =	sadd.s32 @!p0 $0x88, s6;
	s7 =	simm.s32 @p2 $0x1082  }
0x22: {  	[simem:s7], [sflag:s8] =	dma.local @!p0 [hbm:s6], $0xF7A  }
0x23: {  	s9 =	sor.u32 $0xD0000000, s2;
	s6 =	simm.s32 $0x108;
	_ =	swait.ge @!p0 [sflag:s8], $0x0  }
0x24: {  	s3 =	sadd.s32 $0x88, s3;
	s6 =	simm.s32 @!p1 $0x1082;
	[sflag:s4] =	ssyncset.s32 $0xFFFFF086  }
0x25: {  	[simem:s6], [sflag:s4] =	dma.local [hbm:s3], $0xF7A  }
0x26: {  	[smem:$0x3F92] =	sst s1;
	(tag) =	ssettag s2;
	_ =	strace s9  }
0x27: {  	s1 =	sld [smem:$0x3FA2]  }
0x28: {  	s2 =	sld [smem:$0x3FA3]  }
0x29: {  	s4 =	sld [smem:$0x3FA5]  }
0x2a: {  	p0 =	seq.s32 s5, $0x0;
	s5 =	sld [smem:$0x3FA6]  }
0x2b: {  	s6 =	sld [smem:$0x3FA7]  }
0x2c: {  	s7 =	sld [smem:$0x3FA8]  }
0x2d: {  	s3 =	simm.s32 $0x108;
	s8 =	sld [smem:$0x3FA9]  }
0x2e: {  	s3 =	simm.s32 @!p0 $0x1082;
	s9 =	sld [smem:$0x3FAA]  }
0x2f: {  	lr =	sadd.s32 s0, s3;
	s0 =	sld [smem:$0x3FA1]  }
0x30: {  	s3 =	sld [smem:$0x3FA4]  }
0x31: {  	[smem:$0x3FAD] =	sst s10  }
0x32: {  	s10 =	sld [smem:$0x3FAB];
	_ =	sdelay $0x3  }
0x33: {  	p0 =	seq.s32 s10, $0x1;
	s10 =	sld [smem:$0x3FAD];
	_ =	sdelay $0x3  }
0x34: {  	[smem:$0x3FAD] =	sst s10  }
0x35: {  	s10 =	sld [smem:$0x3FAC];
	_ =	sdelay $0x3  }
0x36: {  	p1 =	seq.s32 s10, $0x1;
	s10 =	sld [smem:$0x3FAD];
	_ =	sdelay $0x3  }
0x37: {  	[smem:$0x3FAD] =	sst s10  }
0x38: {  	s10 =	sld [smem:$0x3FAE]  }
0x39: {  	_ = 	snop;
	(pc) =	sbr.ind lr, $3  }
0x3a: {  	_ = 	snop  }
0x3b: {  	_ = 	snop  }
0x3c: {  	p2 =	seq.s32 s10, $0x1;
	s10 =	sld [smem:$0x3FAD]  }
0x3d: {  	_ =	shalt  }
0x3e: {  	_ =	shalt  }
0x3f: {  	_ =	shalt  }
0x40: {  	_ =	shalt  }
0x41: {  	_ =	shalt  }
0x42: {  	_ =	shalt  }
0x43: {  	_ =	shalt  }
0x44: {  	_ =	shalt  }
0x45: {  	_ =	shalt  }
0x46: {  	_ =	shalt  }
0x47: {  	_ =	shalt  }
0x48: {  	_ =	shalt  }
0x49: {  	_ =	shalt  }
0x4a: {  	_ =	shalt  }
0x4b: {  	_ =	shalt  }
0x4c: {  	_ =	shalt  }
0x4d: {  	_ =	shalt  }
0x4e: {  	_ =	shalt  }
0x4f: {  	_ =	shalt  }
0x50: {  	_ =	shalt  }
0x51: {  	_ =	shalt  }
0x52: {  	_ =	shalt  }
0x53: {  	_ =	shalt  }
0x54: {  	_ =	shalt  }
0x55: {  	_ =	shalt  }
0x56: {  	_ =	shalt  }
0x57: {  	_ =	shalt  }
0x58: {  	_ =	shalt  }
0x59: {  	_ =	shalt  }
0x5a: {  	_ =	shalt  }
0x5b: {  	_ =	shalt  }
0x5c: {  	_ =	shalt  }
0x5d: {  	_ =	shalt  }
0x5e: {  	_ =	shalt  }
0x5f: {  	_ =	shalt  }
0x60: {  	_ =	shalt  }
0x61: {  	_ =	shalt  }
0x62: {  	_ =	shalt  }
0x63: {  	_ =	shalt  }
0x64: {  	_ =	shalt  }
0x65: {  	_ =	shalt  }
0x66: {  	_ =	shalt  }
0x67: {  	_ =	shalt  }
0x68: {  	_ =	shalt  }
0x69: {  	_ =	shalt  }
0x6a: {  	_ =	shalt  }
0x6b: {  	_ =	shalt  }
0x6c: {  	_ =	shalt  }
0x6d: {  	_ =	shalt  }
0x6e: {  	_ =	shalt  }
0x6f: {  	_ =	shalt  }
0x70: {  	_ =	shalt  }
0x71: {  	_ =	shalt  }
0x72: {  	_ =	shalt  }
0x73: {  	_ =	shalt  }
0x74: {  	_ =	shalt  }
0x75: {  	_ =	shalt  }
0x76: {  	_ =	shalt  }
0x77: {  	_ =	shalt  }
0x78: {  	_ =	shalt  }
0x79: {  	_ =	shalt  }
0x7a: {  	_ =	shalt  }
0x7b: {  	_ =	shalt  }
0x7c: {  	_ =	shalt  }
0x7d: {  	_ =	shalt  }
0x7e: {  	_ =	shalt  }
0x7f: {  	_ =	shalt  }
0x80: {  	_ =	shalt  }
0x81: {  	_ =	shalt  }
0x82: {  	_ =	shalt  }
0x83: {  	_ =	shalt  }
0x84: {  	_ =	shalt  }
0x85: {  	_ =	shalt  }
0x86: {  	_ =	shalt  }
0x87: {  	_ =	shalt  }
.Lfunc_end0:
.L_simem_size_0:
called_computation.2_lowered:
.L_overlay_start_0:
0x88: {  	s2 =	sld [smem:$0x3FD9]  }
0x89: {  	s3 =	sld [smem:$0x3FFE];
	_ =	sdelay $0x1  }
0x8a: {  	s1 =	srdreg.scid  }
0x8b: {  	s0 =	sand.u32 $0x1, s1  }
0x8c: {  	s16 =	sshll.u32 s0, $0xA;
	s2 =	sadd.s32 s3, s2  }
0x8d: {  	s2 =	sadd.s32 s2, s16  }
0x8e: {  	[smem:$0x3FB9] =	sst s2  }
0x8f: {  	_ = 	snop  }
0x90: {  	(tm) =	ssettm $0x1  }
0x91: {  	s17 =	sld [smem:$0x3FFB];
	_ =	sdelay $0x3  }
0x92: {  	_ =	strace s17  }
0x93: {  	s2 =	sld [smem:$0x3FFC];
	_ =	sdelay $0x3  }
0x94: {  	_ =	strace s2  }
0x95: {  	s2 =	sld [smem:$0x3FFD];
	_ =	sdelay $0x3  }
0x96: {  	_ =	strace s2  }
0x97: {  	_ =	strace $0x8FFFFFFF  }
0x98: {  	s18 =	sld [smem:$0x3FDB];
	_ =	sdelay $0x1  }
0x99: {  	s19 =	simm.s32 $_scs_section_size  }
0x9a: {  	s4 =	simm.s32 $_size__tile_overlayer_lowered;
	s5 =	simm.s32 $_tile_overlayer_lowered  }
0x9b: {  	s22 =	simm.s32 $0x1BFF;
	s21 =	sshll.u32 s5, $0x1;
	s2 =	sadd.s32 s19, s18  }
0x9c: {  	s6 =	simm.s32 $0x0;
	s20 =	sshll.u32 s4, $0x1;
	s4 =	sadd.s32 s21, s2  }
0x9d: {  	[timem:s6], [sflag:s22] =	dma.local [hbm:s4], s20  }
0x9e: {  	_ =	swait.ge [sflag:s22], s20  }
0x9f: {  	s3 =	ssub.s32 $0x0, s20;
	[sflag:s22] =	ssyncset.done $0x0  }
0xa0: {  	[sflag:s22] =	ssyncadd.s32 s3;
	_ =	sdelay $0x1  }
0xa1: {  	s23 =	simm.s32 $0x1B8B  }
0xa2: {  	_ =	swait.ge [sflag:s23], $0x1  }
0xa3: {  	[sflag:s23] =	ssyncset.done $0x0  }
0xa4: {  	s25 =	simm.s32 $0x1B8E;
	s24 =	sld [smem:$0x3FFE];
	[sflag:s23] =	ssyncadd.s32 $0xFFFFFFFF  }
0xa5: {  	s26 =	simm.s32 $execute0_lowered;
	[smem:$0x3FD2] =	sst s25  }
0xa6: {  	s4 =	sshll.u32 s26, $0x1;
	_ =	strace $0x8000004C;
	[dreg:$0x1] =	wrdreg $0xFFFFFFFF  }
0xa7: {  	s28 =	simm.s32 $_size_execute0_lowered;
	s2 =	sadd.s32 s2, s4;
	[dreg:$0x0] =	wrdreg $0x0  }
0xa8: {  	s4 =	sshll.u32 s28, $0x1;
	[dreg:$0x2] =	wrdreg s2  }
0xa9: {  	[dreg:$0x3] =	wrdreg s4  }
0xaa: {  	[dreg:$0x4] =	wrdreg $0xC0  }
0xab: {  	_ =	task [dreg:s6], $0x5FFFF  }
0xac: {  	[dreg:$0x1] =	wrdreg $0xFFFFFFFF  }
0xad: {  	[dreg:$0x0] =	wrdreg $0x60  }
0xae: {  	[dreg:$0x2] =	wrdreg s24  }
0xaf: {  	[dreg:$0x3] =	wrdreg $0x90000  }
0xb0: {  	[dreg:$0x4] =	wrdreg $0x9  }
0xb1: {  	_ =	task.clear_ibuf [dreg:s6], $0x5FFFF;
	_ =	strace $0x9000004C  }
0xb2: {  	s29 =	simm.s32 $0x9;
	_ =	strace $0x8000004E  }
0xb3: {  	_ =	swait.ge [sflag:s29], $0x1  }
0xb4: {  	[sflag:s29] =	ssyncadd.s32 $0xFFFFFFFF  }
0xb5: {  	_ =	strace $0x9000004E  }
0xb6: {  	_ =	sfence  }
0xb7: {  	s30 =	sld [smem:$0x0];
	_ =	sdelay $0x2  }
0xb8: {  	s31 =	sshll.u32 s1, $0xD;
	s1 =	sshrl.u32 s1, $0x2  }
0xb9: {  	s3 =	sand.u32 $0x4000, s31;
	s1 =	sadd.s32 s1, s30  }
0xba: {  	s0 =	sor.u32 s3, s0;
	s1 =	sshll.u32 s1, $0x11  }
0xbb: {  	s0 =	sor.u32 s1, s0  }
0xbc: {  	s0 =	sadd.s32 $0x8F2B, s0  }
0xbd: {  	[sflag:s0] =	ssyncadd.remote.s32 $0x1  }
0xbe: {  	_ =	sfence.sel $0xFFFF  }
0xbf: {  	[dreg:$0x0] =	wrdreg $0xFFFFFFFF;
	(pc) =	sbr.abs _section_cstart, $3  }
0xc0: {  	[dreg:$0x1] =	wrdreg $0xFFFFFFFF  }
0xc1: {  	_ =	task.clear_ibuf [dreg:s6], $0x2FFFF;
	_ =	strace $0x9FFFFFFF  }
0xc2: {  	(tm) =	ssettm $0x7FFFFFFF  }
0xc3: {  	_ =	shalt  }
tec
execute0_lowered:
.L_overlay_start_1:
0x0: {  	(tag) =	ssettag $0x1  }
0x1: {  	s5 =	rddreg [dreg:$0x0]  }
0x2: {  	s0 =	srdreg.scid;
	s2 =	rddreg [dreg:$0x1]  }
0x3: {  	s1 =	stileid.u32;
	s3 =	simm.s32 $0x0;
	s14 =	simm.s32 $0x2800  }
0x4: {  	s15 =	simm.s32 $0x7D;
	s6 =	sand.u32 $0x1, s0;
	s0 =	rddreg [dreg:$0x2]  }
0x5: {  	s16 =	simm.s32 $0x1;
	[smem:$0x7FF] =	sst s3;
	s12 =	smul.u32 $0x14000, s1  }
0x6: {  	s10 =	sadd.s32 $0x9FC00, s5;
	p0 =	seq.s32 s1, $0xF;
	s29 =	smul.u32 $0x50000, s1  }
0x7: {  	s17 =	sadd.s32 $0x12C000, s2;
	s4 =	sshll.u32 s6, $0x4;
	_ =	strace $0x8000004D  }
0x8: {  	s8 =	ssub.s32 $0x2, s6;
	s11 =	smul.u32 $0x138800, s6;
	s17 =	sshrl.u32 @p0 s17, $0x3  }
0x9: {  	s4 =	sor.u32 s1, s4;
	s9 =	sshrl.u32 s8, $0x1;
	s31 =	sshrl.u32 s29, $0x2  }
0xa: {  	s7 =	smul.u32 $0x500, s4;
	s4 =	sadd.s32 $0x2A600, s5;
	s13 =	ssub.s32 s8, s9  }
0xb: {  	s30 =	sadd.s32 s12, s11;
	s11 =	sshrl.u32 s11, $0x3;
	s12 =	simm.s32 $0x5000  }
0xc: {  	s9 =	sshrl.u32 s30, $0x3;
	s7 =	sadd.s32 s7, s5;
	s5 =	simm.s32 $0x5  }
0xd: {  	s8 =	sadd.s32 s10, s9;
	s9 =	sadd.s32 s31, s2;
	s10 =	sadd.s32 s10, s11  }
0xe: {  	s11 =	smax.u32 s13, $0x1;
	s13 =	simm.s32 $0x2;
	s5 =	simm.s32 @!p0 $0x8  }
0xf: {  	v0 =	vimm.f32 $0.0e+00;
	s6 =	sadd.s32 $0x20600, s7;
	s7 =	sadd.s32 $0x16600, s7;
	s10 =	sadd.s32 $0x25800, s10  }
.LBB2_1:
0x10: {  	s18 =	simm.s32 $0x0;
	s19 =	simm.s32 $0x200  }
.LBB2_2:
0x11: {  	p1 =	sne.s32 s19, $0x9E00;
	[tilespmem:s18+$0x5070] =	vst v0  }
0x12: {  	[tilespmem:s18+$0x5000] =	vst v0  }
0x13: {  	[tilespmem:s18+$0x5010] =	vst v0  }
.Ltmp0:
0x14: {  	[tilespmem:s18+$0x5020] =	vst v0;
	(pc) =	sbr.rel @p1 .LBB2_2-.Ltmp0, $4  }
0x15: {  	[tilespmem:s18+$0x5030] =	vst v0  }
0x16: {  	[tilespmem:s18+$0x5040] =	vst v0  }
0x17: {  	[tilespmem:s18+$0x5050] =	vst v0  }
0x18: {  	[tilespmem:s18+$0x5060] =	vst v0;
	s18 =	sshra.s32 s19, $0x2;
	s19 =	sadd.s32 $0x200, s19  }
0x19: {  	[tilespmem:s18+$0x5070] =	vst v0  }
0x1a: {  	[tilespmem:s18+$0x5000] =	vst v0  }
0x1b: {  	[tilespmem:s18+$0x5010] =	vst v0  }
0x1c: {  	[tilespmem:s18+$0x5020] =	vst v0  }
0x1d: {  	[tilespmem:s18+$0x5030] =	vst v0  }
0x1e: {  	[tilespmem:s18+$0x5040] =	vst v0;
	p1 =	sne.s32 s5, $0x1  }
.Ltmp1:
0x1f: {  	[tilespmem:s18+$0x5050] =	vst v0;
	(pc) =	sbr.rel @!p1 .LBB2_5-.Ltmp1, $4  }
0x20: {  	[tilespmem:s18+$0x5060] =	vst v0  }
0x21: {  	[spmem:s9] =	stream.linear.scatter [tilespmem:s12], [sflag:$0x2], $0x2800, $0x38;
	[tilespmem:$0x1C880] =	vst v63  }
0x22: {  	_ =	swait.ge [sflag:s13], $0x2800  }
0x23: {  	s18 =	sadd.s32 $0xFFFFFFFF, s5;
	s19 =	smov.u32 s9;
	[sflag:s13] =	ssyncset.done $0x0  }
.LBB2_4:
0x24: {  	p1 =	sne.s32 s18, $0x1;
	[sflag:s13] =	ssyncadd.s32 $0xFFFFD800;
	s19 =	sadd.s32 $0x2800, s19  }
.Ltmp2:
0x25: {  	s18 =	sadd.s32 $0xFFFFFFFF, s18;
	(pc) =	sbr.rel @p1 .LBB2_4-.Ltmp2, $4  }
0x26: {  	_ = 	snop  }
0x27: {  	[spmem:s19] =	stream.linear.scatter [tilespmem:s12], [sflag:$0x2], $0x2800, $0x38;
	[tilespmem:$0x1C880] =	vst v63  }
0x28: {  	_ =	swait.ge [sflag:s13], $0x2800  }
0x29: {  	[sflag:s13] =	ssyncset.done $0x0  }
.LBB2_5:
0x2a: {  	[sflag:s13] =	ssyncadd.s32 $0xFFFFD800  }
0x2b: {  	s18 =	simm.s32 $0x0;
	[bflag:$0x0] =	sbarrier.arrive $0xFFFF  }
0x2c: {  	[tilespmem:s18], [sflag:$0x2] =	stream.linear.gather [hbm4b:s6+s18], $0x2800, $0x38;
	[tilespmem:$0x1C880] =	vst v63  }
0x2d: {  	_ =	swait.ge [sflag:s13], $0x2800  }
0x2e: {  	[sflag:s13] =	ssyncset.done $0x0  }
0x2f: {  	[sflag:s13] =	ssyncadd.s32 $0xFFFFD800  }
0x30: {  	[tilespmem:s14], [sflag:$0x2] =	stream.linear.gather [hbm4b:s7+s18], $0x2800, $0x38;
	[tilespmem:$0x1C880] =	vst v63  }
0x31: {  	_ =	swait.ge [sflag:s13], $0x2800  }
0x32: {  	[sflag:s13] =	ssyncset.done $0x0  }
0x33: {  	s30 =	simm.s32 $0x0;
	[sflag:s13] =	ssyncadd.s32 $0xFFFFD800  }
0x34: {  	[tilespmem:s12], [sflag:$0x1] =	stream.indirect.gather [hbm4b:s4+s15], $0x80, s30, s15, $0xb8;
	[tilespmem:$0x1C880] =	vst v63  }
0x35: {  	_ =	swait.ge [sflag:s16], $0x3E80  }
0x36: {  	[sflag:s16] =	ssyncset.done $0x0  }
0x37: {  	s31 =	simm.s32 $0x2800;
	[sflag:s16] =	ssyncadd.s32 $0xFFFFC180  }
0x38: {  	[spmem:s2] =	stream.indirect.scatter.add.f32 [tilespmem:s12], [sflag:$0x2], $0x80, s31, s15, $0xb8;
	[tilespmem:$0x1C880] =	vst v63  }
0x39: {  	_ =	swait.ge [sflag:s13], $0x3E80  }
0x3a: {  	s19 =	simm.s32 $0x400;
	s18 =	simm.s32 $0x200;
	[sflag:s13] =	ssyncset.done $0x0  }
.LBB2_6:
0x3b: {  	s20 =	sshra.s32 s18, $0x2  }
0x3c: {  	[sflag:s13] =	ssyncadd.s32 $0xFFFFC180;
	s18 =	smov.u32 s19;
	s21 =	sadd.s32 $0x200, s19  }
0x3d: {  	[tilespmem:s12], [sflag:$0x1] =	stream.indirect.gather [hbm4b:s4+s15], $0x80, s20, s15, $0xb8;
	[tilespmem:$0x1C880] =	vst v63  }
0x3e: {  	p1 =	sne.s32 s19, $0x9E00;
	_ =	swait.ge [sflag:s16], $0x3E80  }
.Ltmp3:
0x3f: {  	[sflag:s16] =	ssyncset.done $0x0;
	(pc) =	sbr.rel @p1 .LBB2_6-.Ltmp3, $4  }
0x40: {  	s19 =	sadd.s32 $0x2800, s20;
	[sflag:s16] =	ssyncadd.s32 $0xFFFFC180  }
0x41: {  	[spmem:s2] =	stream.indirect.scatter.add.f32 [tilespmem:s12], [sflag:$0x2], $0x80, s19, s15, $0xb8;
	[tilespmem:$0x1C880] =	vst v63  }
0x42: {  	_ =	swait.ge [sflag:s13], $0x3E80  }
0x43: {  	s19 =	smov.u32 s21;
	[sflag:s13] =	ssyncset.done $0x0  }
0x44: {  	s18 =	sshra.s32 s18, $0x2;
	[sflag:s13] =	ssyncadd.s32 $0xFFFFC180  }
0x45: {  	[tilespmem:s12], [sflag:$0x1] =	stream.indirect.gather [hbm4b:s4+s15], $0x80, s18, s15, $0xb8;
	[tilespmem:$0x1C880] =	vst v63  }
0x46: {  	_ =	swait.ge [sflag:s16], $0x3E80  }
0x47: {  	[sflag:s16] =	ssyncset.done $0x0  }
0x48: {  	s18 =	sadd.s32 $0x2800, s18;
	[sflag:s16] =	ssyncadd.s32 $0xFFFFC180  }
0x49: {  	[spmem:s2] =	stream.indirect.scatter.add.f32 [tilespmem:s12], [sflag:$0x2], $0x80, s18, s15, $0xb8;
	[tilespmem:$0x1C880] =	vst v63  }
0x4a: {  	_ =	swait.ge [sflag:s13], $0x3E80  }
0x4b: {  	[sflag:s13] =	ssyncset.done $0x0  }
0x4c: {  	[sflag:s13] =	ssyncadd.s32 $0xFFFFC180  }
0x4d: {  	s18 =	simm.s32 @p0 $0x1FC2;
	[bflag:$0x0] =	sbarrier.arrive $0xFFFF  }
0x4e: {  	[hbm:s10], [sflag:s18] =	dma.local @p0 [spmem:s17], $0x1900  }
0x4f: {  	s18 =	simm.s32 @p0 $0x2  }
0x50: {  	s3 =	sadd.s32 $0x1, s3;
	_ =	swait.ge @p0 [sflag:s18], $0x1900  }
0x51: {  	s19 =	sshll.u32 @!p0 s1, $0x6;
	p1 =	sne.s32 s3, s11;
	[sflag:s18] =	ssyncset.done @p0 $0x0  }
0x52: {  	[sflag:s18] =	ssyncadd.s32 @p0 $0xFFFFE700;
	s18 =	sor.u32 @!p0 $0x1C02, s19;
	s19 =	sshrl.u32 @!p0 s9, $0x3  }
0x53: {  	[hbm:s8], [sflag:s18] =	dma.local @!p0 [spmem:s19], $0x2800  }
.Ltmp4:
0x54: {  	_ = 	snop;
	(pc) =	sbr.rel @p1 .LBB2_1-.Ltmp4, $4  }
0x55: {  	s18 =	simm.s32 @!p0 $0x2  }
0x56: {  	_ =	swait.ge @!p0 [sflag:s18], $0x2800  }
0x57: {  	[sflag:s18] =	ssyncset.done @!p0 $0x0  }
0x58: {  	[sflag:s18] =	ssyncadd.s32 @!p0 $0xFFFFD800  }
0x59: {  	_ =	sfence.sel $0x180000  }
0x5a: {  	[bflag:$0x0] =	sbarrier.arrive $0xFFFF  }
0x5b: {  	p0 =	sne.s32 s1, $0x0;
	_ =	strace $0x9000004D  }
0x5c: {  	s0 =	sadd.s32 @!p0 $0x100000, s0;
	[bflag:$0x2] =	sbarrier.arrive $0xFFFF  }
0x5d: {  	[sflag:s0] =	ssyncadd.tile.s32 @!p0 $0x1;
	_ =	shalt  }
.Lfunc_end2:
_tile_overlayer_lowered:
.L_overlay_start_2:
0x5e: {  	(tag) =	ssettag $0x2  }
0x5f: {  	s0 =	rddreg [dreg:$0x0];
	s2 =	stileid.u32  }
0x60: {  	s1 =	rddreg [dreg:$0x1];
	p0 =	sne.s32 s2, $0x0  }
0x61: {  	s3 =	rddreg [dreg:$0x2];
	[bflag:$0x3] =	sbarrier.arrive $0xFFFF;
	s2 =	simm.s32 @!p0 $0x1C02  }
0x62: {  	[timem:s3], [sflag:s2] =	dma.local @!p0 [hbm:s0], s1  }
0x63: {  	s0 =	simm.s32 @!p0 $0x2  }
0x64: {  	_ =	swait.ge @!p0 [sflag:s0], s1  }
0x65: {  	s1 =	ssub.s32 @!p0 $0x0, s1;
	[sflag:s0] =	ssyncset.done @!p0 $0x0  }
0x66: {  	[sflag:s0] =	ssyncadd.s32 @!p0 s1  }
0x67: {  	[bflag:$0x3] =	sbarrier.arrive $0xFFFF  }
0x68: {  	_ =	shalt  }

// kernel: kernel.22.cloned.1.call-start
scs
__scs_entry_jumppad:
0x0: {  	(pc) =	sbr.rel $0x88, $3  }
0x1: {  	(tag) =	ssettag $0x0;
	lr =	simm.s32 $0x1  }
0x2: {  	[smem:$0x3F92] =	sst lr;
	_ =	strace $0xD0000000  }
0x3: {  	_ = 	snop  }
0x4: {  	_ = 	snop  }
0x5: {  	_ = 	snop  }
0x6: {  	_ = 	snop  }
0x7: {  	_ = 	snop  }
__scs_overlays_trampoline_lowered:
0x8: {  	[smem:$0x3FA1] =	sst s0  }
0x9: {  	[smem:$0x3FA2] =	sst s1  }
0xa: {  	[smem:$0x3FA3] =	sst s2  }
0xb: {  	[smem:$0x3FA4] =	sst s3  }
0xc: {  	[smem:$0x3FA5] =	sst s4  }
0xd: {  	[smem:$0x3FA6] =	sst s5  }
0xe: {  	[smem:$0x3FA7] =	sst s6  }
0xf: {  	[smem:$0x3FA8] =	sst s7  }
0x10: {  	[smem:$0x3FA9] =	sst s8  }
0x11: {  	[smem:$0x3FAA] =	sst s9;
	s0 =	simm.s32 @!p0 $0x0  }
0x12: {  	s1 =	sld [smem:$0x3F90];
	s0 =	simm.s32 @p0 $0x1  }
0x13: {  	[smem:$0x3FAB] =	sst s0;
	s0 =	simm.s32 @!p1 $0x0  }
0x14: {  	s2 =	sld [smem:$0x3F8F];
	s0 =	simm.s32 @p1 $0x1  }
0x15: {  	[smem:$0x3FAC] =	sst s0;
	s0 =	simm.s32 @!p2 $0x0  }
0x16: {  	s3 =	sld [smem:$0x3FDB];
	s0 =	simm.s32 @p2 $0x1  }
0x17: {  	s4 =	simm.s32 $0x1BF5;
	[smem:$0x3FAE] =	sst s0  }
0x18: {  	s0 =	sld [smem:$0x3F91];
	_ =	swait.ge [sflag:s4], $0x0  }
0x19: {  	s7 =	sld [smem:$0x3F92]  }
0x1a: {  	s8 =	sadd.s32 $0xFFFFE003, lr  }
0x1b: {  	s9 =	sadd.s32 $0xFFFFFEF7, lr;
	s5 =	simm.s32 $0xFFFFFFFF;
	p2 =	slt.u32 s8, $0xFFFFF086  }
0x1c: {  	p1 =	slt.u32 s9, $0xF7A;
	s5 =	simm.s32 @!p2 $0x0  }
0x1d: {  	s5 =	simm.s32 @p1 $0x1;
	p0 =	seq.s32 s7, s2  }
0x1e: {  	s7 =	smul.u32 @!p0 $0xF7A, s2;
	p2 =	seq.s32 @!p0 s5, $0x0  }
0x1f: {  	s9 =	smul.u32 $0xF7A, s1;
	s8 =	simm.s32 @!p0 $0x1BF5;
	p2 =	por !p2, p0  }
0x20: {  	[sflag:s8] =	ssyncset.s32 @!p0 $0xFFFFF086;
	s6 =	sadd.s32 @!p0 s3, s7;
	s7 =	simm.s32 @!p0 $0x108  }
0x21: {  	s3 =	sadd.s32 s3, s9;
	s6 =	sadd.s32 @!p0 $0x88, s6;
	s7 =	simm.s32 @p2 $0x1082  }
0x22: {  	[simem:s7], [sflag:s8] =	dma.local @!p0 [hbm:s6], $0xF7A  }
0x23: {  	s9 =	sor.u32 $0xD0000000, s2;
	s6 =	simm.s32 $0x108;
	_ =	swait.ge @!p0 [sflag:s8], $0x0  }
0x24: {  	s3 =	sadd.s32 $0x88, s3;
	s6 =	simm.s32 @!p1 $0x1082;
	[sflag:s4] =	ssyncset.s32 $0xFFFFF086  }
0x25: {  	[simem:s6], [sflag:s4] =	dma.local [hbm:s3], $0xF7A  }
0x26: {  	[smem:$0x3F92] =	sst s1;
	(tag) =	ssettag s2;
	_ =	strace s9  }
0x27: {  	s1 =	sld [smem:$0x3FA2]  }
0x28: {  	s2 =	sld [smem:$0x3FA3]  }
0x29: {  	s4 =	sld [smem:$0x3FA5]  }
0x2a: {  	p0 =	seq.s32 s5, $0x0;
	s5 =	sld [smem:$0x3FA6]  }
0x2b: {  	s6 =	sld [smem:$0x3FA7]  }
0x2c: {  	s7 =	sld [smem:$0x3FA8]  }
0x2d: {  	s3 =	simm.s32 $0x108;
	s8 =	sld [smem:$0x3FA9]  }
0x2e: {  	s3 =	simm.s32 @!p0 $0x1082;
	s9 =	sld [smem:$0x3FAA]  }
0x2f: {  	lr =	sadd.s32 s0, s3;
	s0 =	sld [smem:$0x3FA1]  }
0x30: {  	s3 =	sld [smem:$0x3FA4]  }
0x31: {  	[smem:$0x3FAD] =	sst s10  }
0x32: {  	s10 =	sld [smem:$0x3FAB];
	_ =	sdelay $0x3  }
0x33: {  	p0 =	seq.s32 s10, $0x1;
	s10 =	sld [smem:$0x3FAD];
	_ =	sdelay $0x3  }
0x34: {  	[smem:$0x3FAD] =	sst s10  }
0x35: {  	s10 =	sld [smem:$0x3FAC];
	_ =	sdelay $0x3  }
0x36: {  	p1 =	seq.s32 s10, $0x1;
	s10 =	sld [smem:$0x3FAD];
	_ =	sdelay $0x3  }
0x37: {  	[smem:$0x3FAD] =	sst s10  }
0x38: {  	s10 =	sld [smem:$0x3FAE]  }
0x39: {  	_ = 	snop;
	(pc) =	sbr.ind lr, $3  }
0x3a: {  	_ = 	snop  }
0x3b: {  	_ = 	snop  }
0x3c: {  	p2 =	seq.s32 s10, $0x1;
	s10 =	sld [smem:$0x3FAD]  }
0x3d: {  	_ =	shalt  }
0x3e: {  	_ =	shalt  }
0x3f: {  	_ =	shalt  }
0x40: {  	_ =	shalt  }
0x41: {  	_ =	shalt  }
0x42: {  	_ =	shalt  }
0x43: {  	_ =	shalt  }
0x44: {  	_ =	shalt  }
0x45: {  	_ =	shalt  }
0x46: {  	_ =	shalt  }
0x47: {  	_ =	shalt  }
0x48: {  	_ =	shalt  }
0x49: {  	_ =	shalt  }
0x4a: {  	_ =	shalt  }
0x4b: {  	_ =	shalt  }
0x4c: {  	_ =	shalt  }
0x4d: {  	_ =	shalt  }
0x4e: {  	_ =	shalt  }
0x4f: {  	_ =	shalt  }
0x50: {  	_ =	shalt  }
0x51: {  	_ =	shalt  }
0x52: {  	_ =	shalt  }
0x53: {  	_ =	shalt  }
0x54: {  	_ =	shalt  }
0x55: {  	_ =	shalt  }
0x56: {  	_ =	shalt  }
0x57: {  	_ =	shalt  }
0x58: {  	_ =	shalt  }
0x59: {  	_ =	shalt  }
0x5a: {  	_ =	shalt  }
0x5b: {  	_ =	shalt  }
0x5c: {  	_ =	shalt  }
0x5d: {  	_ =	shalt  }
0x5e: {  	_ =	shalt  }
0x5f: {  	_ =	shalt  }
0x60: {  	_ =	shalt  }
0x61: {  	_ =	shalt  }
0x62: {  	_ =	shalt  }
0x63: {  	_ =	shalt  }
0x64: {  	_ =	shalt  }
0x65: {  	_ =	shalt  }
0x66: {  	_ =	shalt  }
0x67: {  	_ =	shalt  }
0x68: {  	_ =	shalt  }
0x69: {  	_ =	shalt  }
0x6a: {  	_ =	shalt  }
0x6b: {  	_ =	shalt  }
0x6c: {  	_ =	shalt  }
0x6d: {  	_ =	shalt  }
0x6e: {  	_ =	shalt  }
0x6f: {  	_ =	shalt  }
0x70: {  	_ =	shalt  }
0x71: {  	_ =	shalt  }
0x72: {  	_ =	shalt  }
0x73: {  	_ =	shalt  }
0x74: {  	_ =	shalt  }
0x75: {  	_ =	shalt  }
0x76: {  	_ =	shalt  }
0x77: {  	_ =	shalt  }
0x78: {  	_ =	shalt  }
0x79: {  	_ =	shalt  }
0x7a: {  	_ =	shalt  }
0x7b: {  	_ =	shalt  }
0x7c: {  	_ =	shalt  }
0x7d: {  	_ =	shalt  }
0x7e: {  	_ =	shalt  }
0x7f: {  	_ =	shalt  }
0x80: {  	_ =	shalt  }
0x81: {  	_ =	shalt  }
0x82: {  	_ =	shalt  }
0x83: {  	_ =	shalt  }
0x84: {  	_ =	shalt  }
0x85: {  	_ =	shalt  }
0x86: {  	_ =	shalt  }
0x87: {  	_ =	shalt  }
.Lfunc_end0:
.L_simem_size_0:
called_computation.3_lowered:
.L_overlay_start_0:
0x88: {  	s2 =	sld [smem:$0x3FD9]  }
0x89: {  	s3 =	sld [smem:$0x3FFE];
	_ =	sdelay $0x1  }
0x8a: {  	s1 =	srdreg.scid  }
0x8b: {  	s0 =	sand.u32 $0x1, s1  }
0x8c: {  	s16 =	sshll.u32 s0, $0xA;
	s2 =	sadd.s32 s3, s2  }
0x8d: {  	s2 =	sadd.s32 s2, s16  }
0x8e: {  	[smem:$0x3FB9] =	sst s2  }
0x8f: {  	_ = 	snop  }
0x90: {  	(tm) =	ssettm $0x1  }
0x91: {  	s17 =	sld [smem:$0x3FFB];
	_ =	sdelay $0x3  }
0x92: {  	_ =	strace s17  }
0x93: {  	s2 =	sld [smem:$0x3FFC];
	_ =	sdelay $0x3  }
0x94: {  	_ =	strace s2  }
0x95: {  	s2 =	sld [smem:$0x3FFD];
	_ =	sdelay $0x3  }
0x96: {  	_ =	strace s2  }
0x97: {  	_ =	strace $0x8FFFFFFF  }
0x98: {  	s18 =	sld [smem:$0x3FDB];
	_ =	sdelay $0x1  }
0x99: {  	s19 =	simm.s32 $_scs_section_size  }
0x9a: {  	s4 =	simm.s32 $_size__tile_overlayer_lowered;
	s5 =	simm.s32 $_tile_overlayer_lowered  }
0x9b: {  	s22 =	simm.s32 $0x1BFF;
	s21 =	sshll.u32 s5, $0x1;
	s2 =	sadd.s32 s19, s18  }
0x9c: {  	s6 =	simm.s32 $0x0;
	s20 =	sshll.u32 s4, $0x1;
	s4 =	sadd.s32 s21, s2  }
0x9d: {  	[timem:s6], [sflag:s22] =	dma.local [hbm:s4], s20  }
0x9e: {  	_ =	swait.ge [sflag:s22], s20  }
0x9f: {  	s3 =	ssub.s32 $0x0, s20;
	[sflag:s22] =	ssyncset.done $0x0  }
0xa0: {  	[sflag:s22] =	ssyncadd.s32 s3;
	_ =	sdelay $0x1  }
0xa1: {  	s23 =	simm.s32 $0x1B8B  }
0xa2: {  	_ =	swait.ge [sflag:s23], $0x1  }
0xa3: {  	[sflag:s23] =	ssyncset.done $0x0  }
0xa4: {  	s25 =	simm.s32 $0x1B8E;
	s24 =	sld [smem:$0x3FFE];
	[sflag:s23] =	ssyncadd.s32 $0xFFFFFFFF  }
0xa5: {  	s26 =	simm.s32 $execute0_lowered;
	[smem:$0x3FD2] =	sst s25  }
0xa6: {  	s4 =	sshll.u32 s26, $0x1;
	_ =	strace $0x8000004F;
	[dreg:$0x1] =	wrdreg $0xFFFFFFFF  }
0xa7: {  	s28 =	simm.s32 $_size_execute0_lowered;
	s2 =	sadd.s32 s2, s4;
	[dreg:$0x0] =	wrdreg $0x0  }
0xa8: {  	s4 =	sshll.u32 s28, $0x1;
	[dreg:$0x2] =	wrdreg s2  }
0xa9: {  	[dreg:$0x3] =	wrdreg s4  }
0xaa: {  	[dreg:$0x4] =	wrdreg $0xC0  }
0xab: {  	_ =	task [dreg:s6], $0x5FFFF  }
0xac: {  	[dreg:$0x1] =	wrdreg $0xFFFFFFFF  }
0xad: {  	[dreg:$0x0] =	wrdreg $0x60  }
0xae: {  	[dreg:$0x2] =	wrdreg s24  }
0xaf: {  	[dreg:$0x3] =	wrdreg $0x90000  }
0xb0: {  	[dreg:$0x4] =	wrdreg $0x9  }
0xb1: {  	_ =	task.clear_ibuf [dreg:s6], $0x5FFFF;
	_ =	strace $0x9000004F  }
0xb2: {  	s29 =	simm.s32 $0x9;
	_ =	strace $0x80000051  }
0xb3: {  	_ =	swait.ge [sflag:s29], $0x1  }
0xb4: {  	[sflag:s29] =	ssyncadd.s32 $0xFFFFFFFF  }
0xb5: {  	_ =	strace $0x90000051  }
0xb6: {  	_ =	sfence  }
0xb7: {  	s30 =	sld [smem:$0x0];
	_ =	sdelay $0x2  }
0xb8: {  	s31 =	sshll.u32 s1, $0xD;
	s1 =	sshrl.u32 s1, $0x2  }
0xb9: {  	s3 =	sand.u32 $0x4000, s31;
	s1 =	sadd.s32 s1, s30  }
0xba: {  	s0 =	sor.u32 s3, s0;
	s1 =	sshll.u32 s1, $0x11  }
0xbb: {  	s0 =	sor.u32 s1, s0  }
0xbc: {  	s0 =	sadd.s32 $0x8F2B, s0  }
0xbd: {  	[sflag:s0] =	ssyncadd.remote.s32 $0x1  }
0xbe: {  	_ =	sfence.sel $0xFFFF  }
0xbf: {  	[dreg:$0x0] =	wrdreg $0xFFFFFFFF;
	(pc) =	sbr.abs _section_cstart, $3  }
0xc0: {  	[dreg:$0x1] =	wrdreg $0xFFFFFFFF  }
0xc1: {  	_ =	task.clear_ibuf [dreg:s6], $0x2FFFF;
	_ =	strace $0x9FFFFFFF  }
0xc2: {  	(tm) =	ssettm $0x7FFFFFFF  }
0xc3: {  	_ =	shalt  }
tec
execute0_lowered:
.L_overlay_start_1:
0x0: {  	(tag) =	ssettag $0x1  }
0x1: {  	s5 =	rddreg [dreg:$0x0]  }
0x2: {  	s0 =	srdreg.scid;
	s2 =	rddreg [dreg:$0x1]  }
0x3: {  	s1 =	stileid.u32;
	s3 =	simm.s32 $0x0;
	s14 =	simm.s32 $0x2800  }
0x4: {  	s15 =	simm.s32 $0x7D;
	s6 =	sand.u32 $0x1, s0;
	s0 =	rddreg [dreg:$0x2]  }
0x5: {  	s16 =	simm.s32 $0x1;
	[smem:$0x7FF] =	sst s3;
	s12 =	smul.u32 $0x14000, s1  }
0x6: {  	s10 =	sadd.s32 $0x9FC00, s5;
	p0 =	seq.s32 s1, $0xF;
	s29 =	smul.u32 $0x50000, s1  }
0x7: {  	s17 =	sadd.s32 $0x12C000, s2;
	s4 =	sshll.u32 s6, $0x4;
	_ =	strace $0x80000050  }
0x8: {  	s8 =	ssub.s32 $0x2, s6;
	s11 =	smul.u32 $0x138800, s6;
	s17 =	sshrl.u32 @p0 s17, $0x3  }
0x9: {  	s4 =	sor.u32 s1, s4;
	s9 =	sshrl.u32 s8, $0x1;
	s31 =	sshrl.u32 s29, $0x2  }
0xa: {  	s7 =	smul.u32 $0x500, s4;
	s4 =	sadd.s32 $0x2A600, s5;
	s13 =	ssub.s32 s8, s9  }
0xb: {  	s30 =	sadd.s32 s12, s11;
	s11 =	sshrl.u32 s11, $0x3;
	s12 =	simm.s32 $0x5000  }
0xc: {  	s9 =	sshrl.u32 s30, $0x3;
	s7 =	sadd.s32 s7, s5;
	s5 =	simm.s32 $0x5  }
0xd: {  	s8 =	sadd.s32 s10, s9;
	s9 =	sadd.s32 s31, s2;
	s10 =	sadd.s32 s10, s11  }
0xe: {  	s11 =	smax.u32 s13, $0x1;
	s13 =	simm.s32 $0x2;
	s5 =	simm.s32 @!p0 $0x8  }
0xf: {  	v0 =	vimm.f32 $0.0e+00;
	s6 =	sadd.s32 $0x20600, s7;
	s7 =	sadd.s32 $0x16600, s7;
	s10 =	sadd.s32 $0x25800, s10  }
.LBB2_1:
0x10: {  	s18 =	simm.s32 $0x0;
	s19 =	simm.s32 $0x200  }
.LBB2_2:
0x11: {  	p1 =	sne.s32 s19, $0x9E00;
	[tilespmem:s18+$0x5070] =	vst v0  }
0x12: {  	[tilespmem:s18+$0x5000] =	vst v0  }
0x13: {  	[tilespmem:s18+$0x5010] =	vst v0  }
.Ltmp0:
0x14: {  	[tilespmem:s18+$0x5020] =	vst v0;
	(pc) =	sbr.rel @p1 .LBB2_2-.Ltmp0, $4  }
0x15: {  	[tilespmem:s18+$0x5030] =	vst v0  }
0x16: {  	[tilespmem:s18+$0x5040] =	vst v0  }
0x17: {  	[tilespmem:s18+$0x5050] =	vst v0  }
0x18: {  	[tilespmem:s18+$0x5060] =	vst v0;
	s18 =	sshra.s32 s19, $0x2;
	s19 =	sadd.s32 $0x200, s19  }
0x19: {  	[tilespmem:s18+$0x5070] =	vst v0  }
0x1a: {  	[tilespmem:s18+$0x5000] =	vst v0  }
0x1b: {  	[tilespmem:s18+$0x5010] =	vst v0  }
0x1c: {  	[tilespmem:s18+$0x5020] =	vst v0  }
0x1d: {  	[tilespmem:s18+$0x5030] =	vst v0  }
0x1e: {  	[tilespmem:s18+$0x5040] =	vst v0;
	p1 =	sne.s32 s5, $0x1  }
.Ltmp1:
0x1f: {  	[tilespmem:s18+$0x5050] =	vst v0;
	(pc) =	sbr.rel @!p1 .LBB2_5-.Ltmp1, $4  }
0x20: {  	[tilespmem:s18+$0x5060] =	vst v0  }
0x21: {  	[spmem:s9] =	stream.linear.scatter [tilespmem:s12], [sflag:$0x2], $0x2800, $0x38;
	[tilespmem:$0x1C880] =	vst v63  }
0x22: {  	_ =	swait.ge [sflag:s13], $0x2800  }
0x23: {  	s18 =	sadd.s32 $0xFFFFFFFF, s5;
	s19 =	smov.u32 s9;
	[sflag:s13] =	ssyncset.done $0x0  }
.LBB2_4:
0x24: {  	p1 =	sne.s32 s18, $0x1;
	[sflag:s13] =	ssyncadd.s32 $0xFFFFD800;
	s19 =	sadd.s32 $0x2800, s19  }
.Ltmp2:
0x25: {  	s18 =	sadd.s32 $0xFFFFFFFF, s18;
	(pc) =	sbr.rel @p1 .LBB2_4-.Ltmp2, $4  }
0x26: {  	_ = 	snop  }
0x27: {  	[spmem:s19] =	stream.linear.scatter [tilespmem:s12], [sflag:$0x2], $0x2800, $0x38;
	[tilespmem:$0x1C880] =	vst v63  }
0x28: {  	_ =	swait.ge [sflag:s13], $0x2800  }
0x29: {  	[sflag:s13] =	ssyncset.done $0x0  }
.LBB2_5:
0x2a: {  	[sflag:s13] =	ssyncadd.s32 $0xFFFFD800  }
0x2b: {  	s18 =	simm.s32 $0x0;
	[bflag:$0x0] =	sbarrier.arrive $0xFFFF  }
0x2c: {  	[tilespmem:s18], [sflag:$0x2] =	stream.linear.gather [hbm4b:s6+s18], $0x2800, $0x38;
	[tilespmem:$0x1C880] =	vst v63  }
0x2d: {  	_ =	swait.ge [sflag:s13], $0x2800  }
0x2e: {  	[sflag:s13] =	ssyncset.done $0x0  }
0x2f: {  	[sflag:s13] =	ssyncadd.s32 $0xFFFFD800  }
0x30: {  	[tilespmem:s14], [sflag:$0x2] =	stream.linear.gather [hbm4b:s7+s18], $0x2800, $0x38;
	[tilespmem:$0x1C880] =	vst v63  }
0x31: {  	_ =	swait.ge [sflag:s13], $0x2800  }
0x32: {  	[sflag:s13] =	ssyncset.done $0x0  }
0x33: {  	s30 =	simm.s32 $0x0;
	[sflag:s13] =	ssyncadd.s32 $0xFFFFD800  }
0x34: {  	[tilespmem:s12], [sflag:$0x1] =	stream.indirect.gather [hbm4b:s4+s15], $0x80, s30, s15, $0xb8;
	[tilespmem:$0x1C880] =	vst v63  }
0x35: {  	_ =	swait.ge [sflag:s16], $0x3E80  }
0x36: {  	[sflag:s16] =	ssyncset.done $0x0  }
0x37: {  	s31 =	simm.s32 $0x2800;
	[sflag:s16] =	ssyncadd.s32 $0xFFFFC180  }
0x38: {  	[spmem:s2] =	stream.indirect.scatter.add.f32 [tilespmem:s12], [sflag:$0x2], $0x80, s31, s15, $0xb8;
	[tilespmem:$0x1C880] =	vst v63  }
0x39: {  	_ =	swait.ge [sflag:s13], $0x3E80  }
0x3a: {  	s19 =	simm.s32 $0x400;
	s18 =	simm.s32 $0x200;
	[sflag:s13] =	ssyncset.done $0x0  }
.LBB2_6:
0x3b: {  	s20 =	sshra.s32 s18, $0x2  }
0x3c: {  	[sflag:s13] =	ssyncadd.s32 $0xFFFFC180;
	s18 =	smov.u32 s19;
	s21 =	sadd.s32 $0x200, s19  }
0x3d: {  	[tilespmem:s12], [sflag:$0x1] =	stream.indirect.gather [hbm4b:s4+s15], $0x80, s20, s15, $0xb8;
	[tilespmem:$0x1C880] =	vst v63  }
0x3e: {  	p1 =	sne.s32 s19, $0x9E00;
	_ =	swait.ge [sflag:s16], $0x3E80  }
.Ltmp3:
0x3f: {  	[sflag:s16] =	ssyncset.done $0x0;
	(pc) =	sbr.rel @p1 .LBB2_6-.Ltmp3, $4  }
0x40: {  	s19 =	sadd.s32 $0x2800, s20;
	[sflag:s16] =	ssyncadd.s32 $0xFFFFC180  }
0x41: {  	[spmem:s2] =	stream.indirect.scatter.add.f32 [tilespmem:s12], [sflag:$0x2], $0x80, s19, s15, $0xb8;
	[tilespmem:$0x1C880] =	vst v63  }
0x42: {  	_ =	swait.ge [sflag:s13], $0x3E80  }
0x43: {  	s19 =	smov.u32 s21;
	[sflag:s13] =	ssyncset.done $0x0  }
0x44: {  	s18 =	sshra.s32 s18, $0x2;
	[sflag:s13] =	ssyncadd.s32 $0xFFFFC180  }
0x45: {  	[tilespmem:s12], [sflag:$0x1] =	stream.indirect.gather [hbm4b:s4+s15], $0x80, s18, s15, $0xb8;
	[tilespmem:$0x1C880] =	vst v63  }
0x46: {  	_ =	swait.ge [sflag:s16], $0x3E80  }
0x47: {  	[sflag:s16] =	ssyncset.done $0x0  }
0x48: {  	s18 =	sadd.s32 $0x2800, s18;
	[sflag:s16] =	ssyncadd.s32 $0xFFFFC180  }
0x49: {  	[spmem:s2] =	stream.indirect.scatter.add.f32 [tilespmem:s12], [sflag:$0x2], $0x80, s18, s15, $0xb8;
	[tilespmem:$0x1C880] =	vst v63  }
0x4a: {  	_ =	swait.ge [sflag:s13], $0x3E80  }
0x4b: {  	[sflag:s13] =	ssyncset.done $0x0  }
0x4c: {  	[sflag:s13] =	ssyncadd.s32 $0xFFFFC180  }
0x4d: {  	s18 =	simm.s32 @p0 $0x1FC2;
	[bflag:$0x0] =	sbarrier.arrive $0xFFFF  }
0x4e: {  	[hbm:s10], [sflag:s18] =	dma.local @p0 [spmem:s17], $0x1900  }
0x4f: {  	s18 =	simm.s32 @p0 $0x2  }
0x50: {  	s3 =	sadd.s32 $0x1, s3;
	_ =	swait.ge @p0 [sflag:s18], $0x1900  }
0x51: {  	s19 =	sshll.u32 @!p0 s1, $0x6;
	p1 =	sne.s32 s3, s11;
	[sflag:s18] =	ssyncset.done @p0 $0x0  }
0x52: {  	[sflag:s18] =	ssyncadd.s32 @p0 $0xFFFFE700;
	s18 =	sor.u32 @!p0 $0x1C02, s19;
	s19 =	sshrl.u32 @!p0 s9, $0x3  }
0x53: {  	[hbm:s8], [sflag:s18] =	dma.local @!p0 [spmem:s19], $0x2800  }
.Ltmp4:
0x54: {  	_ = 	snop;
	(pc) =	sbr.rel @p1 .LBB2_1-.Ltmp4, $4  }
0x55: {  	s18 =	simm.s32 @!p0 $0x2  }
0x56: {  	_ =	swait.ge @!p0 [sflag:s18], $0x2800  }
0x57: {  	[sflag:s18] =	ssyncset.done @!p0 $0x0  }
0x58: {  	[sflag:s18] =	ssyncadd.s32 @!p0 $0xFFFFD800  }
0x59: {  	_ =	sfence.sel $0x180000  }
0x5a: {  	[bflag:$0x0] =	sbarrier.arrive $0xFFFF  }
0x5b: {  	p0 =	sne.s32 s1, $0x0;
	_ =	strace $0x90000050  }
0x5c: {  	s0 =	sadd.s32 @!p0 $0x100000, s0;
	[bflag:$0x2] =	sbarrier.arrive $0xFFFF  }
0x5d: {  	[sflag:s0] =	ssyncadd.tile.s32 @!p0 $0x1;
	_ =	shalt  }
.Lfunc_end2:
_tile_overlayer_lowered:
.L_overlay_start_2:
0x5e: {  	(tag) =	ssettag $0x2  }
0x5f: {  	s0 =	rddreg [dreg:$0x0];
	s2 =	stileid.u32  }
0x60: {  	s1 =	rddreg [dreg:$0x1];
	p0 =	sne.s32 s2, $0x0  }
0x61: {  	s3 =	rddreg [dreg:$0x2];
	[bflag:$0x3] =	sbarrier.arrive $0xFFFF;
	s2 =	simm.s32 @!p0 $0x1C02  }
0x62: {  	[timem:s3], [sflag:s2] =	dma.local @!p0 [hbm:s0], s1  }
0x63: {  	s0 =	simm.s32 @!p0 $0x2  }
0x64: {  	_ =	swait.ge @!p0 [sflag:s0], s1  }
0x65: {  	s1 =	ssub.s32 @!p0 $0x0, s1;
	[sflag:s0] =	ssyncset.done @!p0 $0x0  }
0x66: {  	[sflag:s0] =	ssyncadd.s32 @!p0 s1  }
0x67: {  	[bflag:$0x3] =	sbarrier.arrive $0xFFFF  }
0x68: {  	_ =	shalt  }

// kernel: kernel.25.cloned.1.call-start
scs
__scs_entry_jumppad:
0x0: {  	(pc) =	sbr.rel $0x88, $3  }
0x1: {  	(tag) =	ssettag $0x0;
	lr =	simm.s32 $0x1  }
0x2: {  	[smem:$0x3F92] =	sst lr;
	_ =	strace $0xD0000000  }
0x3: {  	_ = 	snop  }
0x4: {  	_ = 	snop  }
0x5: {  	_ = 	snop  }
0x6: {  	_ = 	snop  }
0x7: {  	_ = 	snop  }
__scs_overlays_trampoline_lowered:
0x8: {  	[smem:$0x3FA1] =	sst s0  }
0x9: {  	[smem:$0x3FA2] =	sst s1  }
0xa: {  	[smem:$0x3FA3] =	sst s2  }
0xb: {  	[smem:$0x3FA4] =	sst s3  }
0xc: {  	[smem:$0x3FA5] =	sst s4  }
0xd: {  	[smem:$0x3FA6] =	sst s5  }
0xe: {  	[smem:$0x3FA7] =	sst s6  }
0xf: {  	[smem:$0x3FA8] =	sst s7  }
0x10: {  	[smem:$0x3FA9] =	sst s8  }
0x11: {  	[smem:$0x3FAA] =	sst s9;
	s0 =	simm.s32 @!p0 $0x0  }
0x12: {  	s1 =	sld [smem:$0x3F90];
	s0 =	simm.s32 @p0 $0x1  }
0x13: {  	[smem:$0x3FAB] =	sst s0;
	s0 =	simm.s32 @!p1 $0x0  }
0x14: {  	s2 =	sld [smem:$0x3F8F];
	s0 =	simm.s32 @p1 $0x1  }
0x15: {  	[smem:$0x3FAC] =	sst s0;
	s0 =	simm.s32 @!p2 $0x0  }
0x16: {  	s3 =	sld [smem:$0x3FDB];
	s0 =	simm.s32 @p2 $0x1  }
0x17: {  	s4 =	simm.s32 $0x1BF5;
	[smem:$0x3FAE] =	sst s0  }
0x18: {  	s0 =	sld [smem:$0x3F91];
	_ =	swait.ge [sflag:s4], $0x0  }
0x19: {  	s7 =	sld [smem:$0x3F92]  }
0x1a: {  	s8 =	sadd.s32 $0xFFFFE003, lr  }
0x1b: {  	s9 =	sadd.s32 $0xFFFFFEF7, lr;
	s5 =	simm.s32 $0xFFFFFFFF;
	p2 =	slt.u32 s8, $0xFFFFF086  }
0x1c: {  	p1 =	slt.u32 s9, $0xF7A;
	s5 =	simm.s32 @!p2 $0x0  }
0x1d: {  	s5 =	simm.s32 @p1 $0x1;
	p0 =	seq.s32 s7, s2  }
0x1e: {  	s7 =	smul.u32 @!p0 $0xF7A, s2;
	p2 =	seq.s32 @!p0 s5, $0x0  }
0x1f: {  	s9 =	smul.u32 $0xF7A, s1;
	s8 =	simm.s32 @!p0 $0x1BF5;
	p2 =	por !p2, p0  }
0x20: {  	[sflag:s8] =	ssyncset.s32 @!p0 $0xFFFFF086;
	s6 =	sadd.s32 @!p0 s3, s7;
	s7 =	simm.s32 @!p0 $0x108  }
0x21: {  	s3 =	sadd.s32 s3, s9;
	s6 =	sadd.s32 @!p0 $0x88, s6;
	s7 =	simm.s32 @p2 $0x1082  }
0x22: {  	[simem:s7], [sflag:s8] =	dma.local @!p0 [hbm:s6], $0xF7A  }
0x23: {  	s9 =	sor.u32 $0xD0000000, s2;
	s6 =	simm.s32 $0x108;
	_ =	swait.ge @!p0 [sflag:s8], $0x0  }
0x24: {  	s3 =	sadd.s32 $0x88, s3;
	s6 =	simm.s32 @!p1 $0x1082;
	[sflag:s4] =	ssyncset.s32 $0xFFFFF086  }
0x25: {  	[simem:s6], [sflag:s4] =	dma.local [hbm:s3], $0xF7A  }
0x26: {  	[smem:$0x3F92] =	sst s1;
	(tag) =	ssettag s2;
	_ =	strace s9  }
0x27: {  	s1 =	sld [smem:$0x3FA2]  }
0x28: {  	s2 =	sld [smem:$0x3FA3]  }
0x29: {  	s4 =	sld [smem:$0x3FA5]  }
0x2a: {  	p0 =	seq.s32 s5, $0x0;
	s5 =	sld [smem:$0x3FA6]  }
0x2b: {  	s6 =	sld [smem:$0x3FA7]  }
0x2c: {  	s7 =	sld [smem:$0x3FA8]  }
0x2d: {  	s3 =	simm.s32 $0x108;
	s8 =	sld [smem:$0x3FA9]  }
0x2e: {  	s3 =	simm.s32 @!p0 $0x1082;
	s9 =	sld [smem:$0x3FAA]  }
0x2f: {  	lr =	sadd.s32 s0, s3;
	s0 =	sld [smem:$0x3FA1]  }
0x30: {  	s3 =	sld [smem:$0x3FA4]  }
0x31: {  	[smem:$0x3FAD] =	sst s10  }
0x32: {  	s10 =	sld [smem:$0x3FAB];
	_ =	sdelay $0x3  }
0x33: {  	p0 =	seq.s32 s10, $0x1;
	s10 =	sld [smem:$0x3FAD];
	_ =	sdelay $0x3  }
0x34: {  	[smem:$0x3FAD] =	sst s10  }
0x35: {  	s10 =	sld [smem:$0x3FAC];
	_ =	sdelay $0x3  }
0x36: {  	p1 =	seq.s32 s10, $0x1;
	s10 =	sld [smem:$0x3FAD];
	_ =	sdelay $0x3  }
0x37: {  	[smem:$0x3FAD] =	sst s10  }
0x38: {  	s10 =	sld [smem:$0x3FAE]  }
0x39: {  	_ = 	snop;
	(pc) =	sbr.ind lr, $3  }
0x3a: {  	_ = 	snop  }
0x3b: {  	_ = 	snop  }
0x3c: {  	p2 =	seq.s32 s10, $0x1;
	s10 =	sld [smem:$0x3FAD]  }
0x3d: {  	_ =	shalt  }
0x3e: {  	_ =	shalt  }
0x3f: {  	_ =	shalt  }
0x40: {  	_ =	shalt  }
0x41: {  	_ =	shalt  }
0x42: {  	_ =	shalt  }
0x43: {  	_ =	shalt  }
0x44: {  	_ =	shalt  }
0x45: {  	_ =	shalt  }
0x46: {  	_ =	shalt  }
0x47: {  	_ =	shalt  }
0x48: {  	_ =	shalt  }
0x49: {  	_ =	shalt  }
0x4a: {  	_ =	shalt  }
0x4b: {  	_ =	shalt  }
0x4c: {  	_ =	shalt  }
0x4d: {  	_ =	shalt  }
0x4e: {  	_ =	shalt  }
0x4f: {  	_ =	shalt  }
0x50: {  	_ =	shalt  }
0x51: {  	_ =	shalt  }
0x52: {  	_ =	shalt  }
0x53: {  	_ =	shalt  }
0x54: {  	_ =	shalt  }
0x55: {  	_ =	shalt  }
0x56: {  	_ =	shalt  }
0x57: {  	_ =	shalt  }
0x58: {  	_ =	shalt  }
0x59: {  	_ =	shalt  }
0x5a: {  	_ =	shalt  }
0x5b: {  	_ =	shalt  }
0x5c: {  	_ =	shalt  }
0x5d: {  	_ =	shalt  }
0x5e: {  	_ =	shalt  }
0x5f: {  	_ =	shalt  }
0x60: {  	_ =	shalt  }
0x61: {  	_ =	shalt  }
0x62: {  	_ =	shalt  }
0x63: {  	_ =	shalt  }
0x64: {  	_ =	shalt  }
0x65: {  	_ =	shalt  }
0x66: {  	_ =	shalt  }
0x67: {  	_ =	shalt  }
0x68: {  	_ =	shalt  }
0x69: {  	_ =	shalt  }
0x6a: {  	_ =	shalt  }
0x6b: {  	_ =	shalt  }
0x6c: {  	_ =	shalt  }
0x6d: {  	_ =	shalt  }
0x6e: {  	_ =	shalt  }
0x6f: {  	_ =	shalt  }
0x70: {  	_ =	shalt  }
0x71: {  	_ =	shalt  }
0x72: {  	_ =	shalt  }
0x73: {  	_ =	shalt  }
0x74: {  	_ =	shalt  }
0x75: {  	_ =	shalt  }
0x76: {  	_ =	shalt  }
0x77: {  	_ =	shalt  }
0x78: {  	_ =	shalt  }
0x79: {  	_ =	shalt  }
0x7a: {  	_ =	shalt  }
0x7b: {  	_ =	shalt  }
0x7c: {  	_ =	shalt  }
0x7d: {  	_ =	shalt  }
0x7e: {  	_ =	shalt  }
0x7f: {  	_ =	shalt  }
0x80: {  	_ =	shalt  }
0x81: {  	_ =	shalt  }
0x82: {  	_ =	shalt  }
0x83: {  	_ =	shalt  }
0x84: {  	_ =	shalt  }
0x85: {  	_ =	shalt  }
0x86: {  	_ =	shalt  }
0x87: {  	_ =	shalt  }
.Lfunc_end0:
.L_simem_size_0:
called_computation.4_lowered:
.L_overlay_start_0:
0x88: {  	s2 =	sld [smem:$0x3FD9]  }
0x89: {  	s3 =	sld [smem:$0x3FFE];
	_ =	sdelay $0x1  }
0x8a: {  	s1 =	srdreg.scid  }
0x8b: {  	s0 =	sand.u32 $0x1, s1  }
0x8c: {  	s16 =	sshll.u32 s0, $0xA;
	s2 =	sadd.s32 s3, s2  }
0x8d: {  	s2 =	sadd.s32 s2, s16  }
0x8e: {  	[smem:$0x3FB9] =	sst s2  }
0x8f: {  	_ = 	snop  }
0x90: {  	(tm) =	ssettm $0x1  }
0x91: {  	s17 =	sld [smem:$0x3FFB];
	_ =	sdelay $0x3  }
0x92: {  	_ =	strace s17  }
0x93: {  	s2 =	sld [smem:$0x3FFC];
	_ =	sdelay $0x3  }
0x94: {  	_ =	strace s2  }
0x95: {  	s2 =	sld [smem:$0x3FFD];
	_ =	sdelay $0x3  }
0x96: {  	_ =	strace s2  }
0x97: {  	_ =	strace $0x8FFFFFFF  }
0x98: {  	s18 =	sld [smem:$0x3FDB];
	_ =	sdelay $0x1  }
0x99: {  	s19 =	simm.s32 $_scs_section_size  }
0x9a: {  	s4 =	simm.s32 $_size__tile_overlayer_lowered;
	s5 =	simm.s32 $_tile_overlayer_lowered  }
0x9b: {  	s22 =	simm.s32 $0x1BFF;
	s21 =	sshll.u32 s5, $0x1;
	s2 =	sadd.s32 s19, s18  }
0x9c: {  	s6 =	simm.s32 $0x0;
	s20 =	sshll.u32 s4, $0x1;
	s4 =	sadd.s32 s21, s2  }
0x9d: {  	[timem:s6], [sflag:s22] =	dma.local [hbm:s4], s20  }
0x9e: {  	_ =	swait.ge [sflag:s22], s20  }
0x9f: {  	s3 =	ssub.s32 $0x0, s20;
	[sflag:s22] =	ssyncset.done $0x0  }
0xa0: {  	[sflag:s22] =	ssyncadd.s32 s3;
	_ =	sdelay $0x1  }
0xa1: {  	s23 =	simm.s32 $0x1B8B  }
0xa2: {  	_ =	swait.ge [sflag:s23], $0x1  }
0xa3: {  	[sflag:s23] =	ssyncset.done $0x0  }
0xa4: {  	s25 =	simm.s32 $0x1B8E;
	s24 =	sld [smem:$0x3FFE];
	[sflag:s23] =	ssyncadd.s32 $0xFFFFFFFF  }
0xa5: {  	s26 =	simm.s32 $execute0_lowered;
	[smem:$0x3FD2] =	sst s25  }
0xa6: {  	s4 =	sshll.u32 s26, $0x1;
	_ =	strace $0x80000052;
	[dreg:$0x1] =	wrdreg $0xFFFFFFFF  }
0xa7: {  	s28 =	simm.s32 $_size_execute0_lowered;
	s2 =	sadd.s32 s2, s4;
	[dreg:$0x0] =	wrdreg $0x0  }
0xa8: {  	s4 =	sshll.u32 s28, $0x1;
	[dreg:$0x2] =	wrdreg s2  }
0xa9: {  	[dreg:$0x3] =	wrdreg s4  }
0xaa: {  	[dreg:$0x4] =	wrdreg $0xC0  }
0xab: {  	_ =	task [dreg:s6], $0x5FFFF  }
0xac: {  	[dreg:$0x1] =	wrdreg $0xFFFFFFFF  }
0xad: {  	[dreg:$0x0] =	wrdreg $0x60  }
0xae: {  	[dreg:$0x2] =	wrdreg s24  }
0xaf: {  	[dreg:$0x3] =	wrdreg $0x90000  }
0xb0: {  	[dreg:$0x4] =	wrdreg $0x9  }
0xb1: {  	_ =	task.clear_ibuf [dreg:s6], $0x5FFFF;
	_ =	strace $0x90000052  }
0xb2: {  	s29 =	simm.s32 $0x9;
	_ =	strace $0x80000054  }
0xb3: {  	_ =	swait.ge [sflag:s29], $0x1  }
0xb4: {  	[sflag:s29] =	ssyncadd.s32 $0xFFFFFFFF  }
0xb5: {  	_ =	strace $0x90000054  }
0xb6: {  	_ =	sfence  }
0xb7: {  	s30 =	sld [smem:$0x0];
	_ =	sdelay $0x2  }
0xb8: {  	s31 =	sshll.u32 s1, $0xD;
	s1 =	sshrl.u32 s1, $0x2  }
0xb9: {  	s3 =	sand.u32 $0x4000, s31;
	s1 =	sadd.s32 s1, s30  }
0xba: {  	s0 =	sor.u32 s3, s0;
	s1 =	sshll.u32 s1, $0x11  }
0xbb: {  	s0 =	sor.u32 s1, s0  }
0xbc: {  	s0 =	sadd.s32 $0x8F2B, s0  }
0xbd: {  	[sflag:s0] =	ssyncadd.remote.s32 $0x1  }
0xbe: {  	_ =	sfence.sel $0xFFFF  }
0xbf: {  	[dreg:$0x0] =	wrdreg $0xFFFFFFFF;
	(pc) =	sbr.abs _section_cstart, $3  }
0xc0: {  	[dreg:$0x1] =	wrdreg $0xFFFFFFFF  }
0xc1: {  	_ =	task.clear_ibuf [dreg:s6], $0x2FFFF;
	_ =	strace $0x9FFFFFFF  }
0xc2: {  	(tm) =	ssettm $0x7FFFFFFF  }
0xc3: {  	_ =	shalt  }
tec
execute0_lowered:
.L_overlay_start_1:
0x0: {  	(tag) =	ssettag $0x1  }
0x1: {  	s5 =	rddreg [dreg:$0x0]  }
0x2: {  	s0 =	srdreg.scid;
	s2 =	rddreg [dreg:$0x1]  }
0x3: {  	s1 =	stileid.u32;
	s3 =	simm.s32 $0x0;
	s14 =	simm.s32 $0x2800  }
0x4: {  	s15 =	simm.s32 $0x7D;
	s6 =	sand.u32 $0x1, s0;
	s0 =	rddreg [dreg:$0x2]  }
0x5: {  	s16 =	simm.s32 $0x1;
	[smem:$0x7FF] =	sst s3;
	s12 =	smul.u32 $0x14000, s1  }
0x6: {  	s10 =	sadd.s32 $0x9FC00, s5;
	p0 =	seq.s32 s1, $0xF;
	s29 =	smul.u32 $0x50000, s1  }
0x7: {  	s17 =	sadd.s32 $0x12C000, s2;
	s4 =	sshll.u32 s6, $0x4;
	_ =	strace $0x80000053  }
0x8: {  	s8 =	ssub.s32 $0x2, s6;
	s11 =	smul.u32 $0x138800, s6;
	s17 =	sshrl.u32 @p0 s17, $0x3  }
0x9: {  	s4 =	sor.u32 s1, s4;
	s9 =	sshrl.u32 s8, $0x1;
	s31 =	sshrl.u32 s29, $0x2  }
0xa: {  	s7 =	smul.u32 $0x500, s4;
	s4 =	sadd.s32 $0x2A600, s5;
	s13 =	ssub.s32 s8, s9  }
0xb: {  	s30 =	sadd.s32 s12, s11;
	s11 =	sshrl.u32 s11, $0x3;
	s12 =	simm.s32 $0x5000  }
0xc: {  	s9 =	sshrl.u32 s30, $0x3;
	s7 =	sadd.s32 s7, s5;
	s5 =	simm.s32 $0x5  }
0xd: {  	s8 =	sadd.s32 s10, s9;
	s9 =	sadd.s32 s31, s2;
	s10 =	sadd.s32 s10, s11  }
0xe: {  	s11 =	smax.u32 s13, $0x1;
	s13 =	simm.s32 $0x2;
	s5 =	simm.s32 @!p0 $0x8  }
0xf: {  	v0 =	vimm.f32 $0.0e+00;
	s6 =	sadd.s32 $0x20600, s7;
	s7 =	sadd.s32 $0x16600, s7;
	s10 =	sadd.s32 $0x25800, s10  }
.LBB2_1:
0x10: {  	s18 =	simm.s32 $0x0;
	s19 =	simm.s32 $0x200  }
.LBB2_2:
0x11: {  	p1 =	sne.s32 s19, $0x9E00;
	[tilespmem:s18+$0x5070] =	vst v0  }
0x12: {  	[tilespmem:s18+$0x5000] =	vst v0  }
0x13: {  	[tilespmem:s18+$0x5010] =	vst v0  }
.Ltmp0:
0x14: {  	[tilespmem:s18+$0x5020] =	vst v0;
	(pc) =	sbr.rel @p1 .LBB2_2-.Ltmp0, $4  }
0x15: {  	[tilespmem:s18+$0x5030] =	vst v0  }
0x16: {  	[tilespmem:s18+$0x5040] =	vst v0  }
0x17: {  	[tilespmem:s18+$0x5050] =	vst v0  }
0x18: {  	[tilespmem:s18+$0x5060] =	vst v0;
	s18 =	sshra.s32 s19, $0x2;
	s19 =	sadd.s32 $0x200, s19  }
0x19: {  	[tilespmem:s18+$0x5070] =	vst v0  }
0x1a: {  	[tilespmem:s18+$0x5000] =	vst v0  }
0x1b: {  	[tilespmem:s18+$0x5010] =	vst v0  }
0x1c: {  	[tilespmem:s18+$0x5020] =	vst v0  }
0x1d: {  	[tilespmem:s18+$0x5030] =	vst v0  }
0x1e: {  	[tilespmem:s18+$0x5040] =	vst v0;
	p1 =	sne.s32 s5, $0x1  }
.Ltmp1:
0x1f: {  	[tilespmem:s18+$0x5050] =	vst v0;
	(pc) =	sbr.rel @!p1 .LBB2_5-.Ltmp1, $4  }
0x20: {  	[tilespmem:s18+$0x5060] =	vst v0  }
0x21: {  	[spmem:s9] =	stream.linear.scatter [tilespmem:s12], [sflag:$0x2], $0x2800, $0x38;
	[tilespmem:$0x1C880] =	vst v63  }
0x22: {  	_ =	swait.ge [sflag:s13], $0x2800  }
0x23: {  	s18 =	sadd.s32 $0xFFFFFFFF, s5;
	s19 =	smov.u32 s9;
	[sflag:s13] =	ssyncset.done $0x0  }
.LBB2_4:
0x24: {  	p1 =	sne.s32 s18, $0x1;
	[sflag:s13] =	ssyncadd.s32 $0xFFFFD800;
	s19 =	sadd.s32 $0x2800, s19  }
.Ltmp2:
0x25: {  	s18 =	sadd.s32 $0xFFFFFFFF, s18;
	(pc) =	sbr.rel @p1 .LBB2_4-.Ltmp2, $4  }
0x26: {  	_ = 	snop  }
0x27: {  	[spmem:s19] =	stream.linear.scatter [tilespmem:s12], [sflag:$0x2], $0x2800, $0x38;
	[tilespmem:$0x1C880] =	vst v63  }
0x28: {  	_ =	swait.ge [sflag:s13], $0x2800  }
0x29: {  	[sflag:s13] =	ssyncset.done $0x0  }
.LBB2_5:
0x2a: {  	[sflag:s13] =	ssyncadd.s32 $0xFFFFD800  }
0x2b: {  	s18 =	simm.s32 $0x0;
	[bflag:$0x0] =	sbarrier.arrive $0xFFFF  }
0x2c: {  	[tilespmem:s18], [sflag:$0x2] =	stream.linear.gather [hbm4b:s6+s18], $0x2800, $0x38;
	[tilespmem:$0x1C880] =	vst v63  }
0x2d: {  	_ =	swait.ge [sflag:s13], $0x2800  }
0x2e: {  	[sflag:s13] =	ssyncset.done $0x0  }
0x2f: {  	[sflag:s13] =	ssyncadd.s32 $0xFFFFD800  }
0x30: {  	[tilespmem:s14], [sflag:$0x2] =	stream.linear.gather [hbm4b:s7+s18], $0x2800, $0x38;
	[tilespmem:$0x1C880] =	vst v63  }
0x31: {  	_ =	swait.ge [sflag:s13], $0x2800  }
0x32: {  	[sflag:s13] =	ssyncset.done $0x0  }
0x33: {  	s30 =	simm.s32 $0x0;
	[sflag:s13] =	ssyncadd.s32 $0xFFFFD800  }
0x34: {  	[tilespmem:s12], [sflag:$0x1] =	stream.indirect.gather [hbm4b:s4+s15], $0x80, s30, s15, $0xb8;
	[tilespmem:$0x1C880] =	vst v63  }
0x35: {  	_ =	swait.ge [sflag:s16], $0x3E80  }
0x36: {  	[sflag:s16] =	ssyncset.done $0x0  }
0x37: {  	s31 =	simm.s32 $0x2800;
	[sflag:s16] =	ssyncadd.s32 $0xFFFFC180  }
0x38: {  	[spmem:s2] =	stream.indirect.scatter.add.f32 [tilespmem:s12], [sflag:$0x2], $0x80, s31, s15, $0xb8;
	[tilespmem:$0x1C880] =	vst v63  }
0x39: {  	_ =	swait.ge [sflag:s13], $0x3E80  }
0x3a: {  	s19 =	simm.s32 $0x400;
	s18 =	simm.s32 $0x200;
	[sflag:s13] =	ssyncset.done $0x0  }
.LBB2_6:
0x3b: {  	s20 =	sshra.s32 s18, $0x2  }
0x3c: {  	[sflag:s13] =	ssyncadd.s32 $0xFFFFC180;
	s18 =	smov.u32 s19;
	s21 =	sadd.s32 $0x200, s19  }
0x3d: {  	[tilespmem:s12], [sflag:$0x1] =	stream.indirect.gather [hbm4b:s4+s15], $0x80, s20, s15, $0xb8;
	[tilespmem:$0x1C880] =	vst v63  }
0x3e: {  	p1 =	sne.s32 s19, $0x9E00;
	_ =	swait.ge [sflag:s16], $0x3E80  }
.Ltmp3:
0x3f: {  	[sflag:s16] =	ssyncset.done $0x0;
	(pc) =	sbr.rel @p1 .LBB2_6-.Ltmp3, $4  }
0x40: {  	s19 =	sadd.s32 $0x2800, s20;
	[sflag:s16] =	ssyncadd.s32 $0xFFFFC180  }
0x41: {  	[spmem:s2] =	stream.indirect.scatter.add.f32 [tilespmem:s12], [sflag:$0x2], $0x80, s19, s15, $0xb8;
	[tilespmem:$0x1C880] =	vst v63  }
0x42: {  	_ =	swait.ge [sflag:s13], $0x3E80  }
0x43: {  	s19 =	smov.u32 s21;
	[sflag:s13] =	ssyncset.done $0x0  }
0x44: {  	s18 =	sshra.s32 s18, $0x2;
	[sflag:s13] =	ssyncadd.s32 $0xFFFFC180  }
0x45: {  	[tilespmem:s12], [sflag:$0x1] =	stream.indirect.gather [hbm4b:s4+s15], $0x80, s18, s15, $0xb8;
	[tilespmem:$0x1C880] =	vst v63  }
0x46: {  	_ =	swait.ge [sflag:s16], $0x3E80  }
0x47: {  	[sflag:s16] =	ssyncset.done $0x0  }
0x48: {  	s18 =	sadd.s32 $0x2800, s18;
	[sflag:s16] =	ssyncadd.s32 $0xFFFFC180  }
0x49: {  	[spmem:s2] =	stream.indirect.scatter.add.f32 [tilespmem:s12], [sflag:$0x2], $0x80, s18, s15, $0xb8;
	[tilespmem:$0x1C880] =	vst v63  }
0x4a: {  	_ =	swait.ge [sflag:s13], $0x3E80  }
0x4b: {  	[sflag:s13] =	ssyncset.done $0x0  }
0x4c: {  	[sflag:s13] =	ssyncadd.s32 $0xFFFFC180  }
0x4d: {  	s18 =	simm.s32 @p0 $0x1FC2;
	[bflag:$0x0] =	sbarrier.arrive $0xFFFF  }
0x4e: {  	[hbm:s10], [sflag:s18] =	dma.local @p0 [spmem:s17], $0x1900  }
0x4f: {  	s18 =	simm.s32 @p0 $0x2  }
0x50: {  	s3 =	sadd.s32 $0x1, s3;
	_ =	swait.ge @p0 [sflag:s18], $0x1900  }
0x51: {  	s19 =	sshll.u32 @!p0 s1, $0x6;
	p1 =	sne.s32 s3, s11;
	[sflag:s18] =	ssyncset.done @p0 $0x0  }
0x52: {  	[sflag:s18] =	ssyncadd.s32 @p0 $0xFFFFE700;
	s18 =	sor.u32 @!p0 $0x1C02, s19;
	s19 =	sshrl.u32 @!p0 s9, $0x3  }
0x53: {  	[hbm:s8], [sflag:s18] =	dma.local @!p0 [spmem:s19], $0x2800  }
.Ltmp4:
0x54: {  	_ = 	snop;
	(pc) =	sbr.rel @p1 .LBB2_1-.Ltmp4, $4  }
0x55: {  	s18 =	simm.s32 @!p0 $0x2  }
0x56: {  	_ =	swait.ge @!p0 [sflag:s18], $0x2800  }
0x57: {  	[sflag:s18] =	ssyncset.done @!p0 $0x0  }
0x58: {  	[sflag:s18] =	ssyncadd.s32 @!p0 $0xFFFFD800  }
0x59: {  	_ =	sfence.sel $0x180000  }
0x5a: {  	[bflag:$0x0] =	sbarrier.arrive $0xFFFF  }
0x5b: {  	p0 =	sne.s32 s1, $0x0;
	_ =	strace $0x90000053  }
0x5c: {  	s0 =	sadd.s32 @!p0 $0x100000, s0;
	[bflag:$0x2] =	sbarrier.arrive $0xFFFF  }
0x5d: {  	[sflag:s0] =	ssyncadd.tile.s32 @!p0 $0x1;
	_ =	shalt  }
.Lfunc_end2:
_tile_overlayer_lowered:
.L_overlay_start_2:
0x5e: {  	(tag) =	ssettag $0x2  }
0x5f: {  	s0 =	rddreg [dreg:$0x0];
	s2 =	stileid.u32  }
0x60: {  	s1 =	rddreg [dreg:$0x1];
	p0 =	sne.s32 s2, $0x0  }
0x61: {  	s3 =	rddreg [dreg:$0x2];
	[bflag:$0x3] =	sbarrier.arrive $0xFFFF;
	s2 =	simm.s32 @!p0 $0x1C02  }
0x62: {  	[timem:s3], [sflag:s2] =	dma.local @!p0 [hbm:s0], s1  }
0x63: {  	s0 =	simm.s32 @!p0 $0x2  }
0x64: {  	_ =	swait.ge @!p0 [sflag:s0], s1  }
0x65: {  	s1 =	ssub.s32 @!p0 $0x0, s1;
	[sflag:s0] =	ssyncset.done @!p0 $0x0  }
0x66: {  	[sflag:s0] =	ssyncadd.s32 @!p0 s1  }
0x67: {  	[bflag:$0x3] =	sbarrier.arrive $0xFFFF  }
0x68: {  	_ =	shalt  }

</sc_bundles>
